<compile_context>
chip_gen: v7x
topology: tpu7x:2x2x1
jax: 0.10.2.dev20260603
libtpu: 0.0.44.dev20260713+nightly
codegen_flags: <defaults>
</compile_context>

<pallas_src>
import functools

import jax
import jax.numpy as jnp
from jax import lax
from jax.experimental import pallas as pl
from jax.experimental.pallas import tpu as pltpu
from jax.experimental.pallas import tpu_sc as plsc

N_NODES_ = 10000
N_PAD = 10240
E_EDGES = 320000
E_ROWS = E_EDGES // 128
NC, NS = 2, 16
NW = NC * NS
ROWS_PT = E_ROWS // NW
N_XTRA = E_ROWS - NW * ROWS_PT
STRIPE = N_PAD // NS


def _row_base(wid):
    return jnp.where(wid < N_XTRA, wid * (ROWS_PT + 1),
                     wid * ROWS_PT + N_XTRA)

_sc_mesh = functools.partial(
    plsc.VectorSubcoreMesh, core_axis_name="c", subcore_axis_name="s")


_DW = 16


@functools.partial(
    pl.kernel,
    out_type=jax.ShapeDtypeStruct((NC, N_PAD, _DW), jnp.float32),
    mesh=_sc_mesh(),
    compiler_params=pltpu.CompilerParams(use_tc_tiling_on_sc=False),
    scratch_types=[
        pltpu.VMEM((ROWS_PT + 1, 128), jnp.int32),
        pltpu.VMEM((128, _DW), jnp.float32),
        pltpu.VMEM((128, _DW), jnp.float32),
        pltpu.VMEM_SHARED((N_PAD, _DW), jnp.float32),
    ],
)
def _deg_kernel(ei_hbm, out_hbm, didx, ones_v, zeros_v, acc):
    c = lax.axis_index("c")
    s = lax.axis_index("s")
    wid = s * NC + c
    base = _row_base(wid)

    def fill_body(i, _):
        ones_v[i, :] = jnp.ones((16,), jnp.float32)
        zeros_v[i, :] = jnp.zeros((16,), jnp.float32)
        return _

    lax.fori_loop(0, 128, fill_body, None)

    def zcopy_body(r, _):
        pltpu.sync_copy(zeros_v, acc.at[pl.ds(s * STRIPE + r * 128, 128)])
        return _

    lax.fori_loop(0, STRIPE // 128, zcopy_body, None)
    plsc.subcore_barrier()
    pltpu.sync_copy(ei_hbm.at[1, pl.ds(base, ROWS_PT)],
                    didx.at[pl.ds(0, ROWS_PT)])

    @pl.when(wid < N_XTRA)
    def _():
        pltpu.sync_copy(ei_hbm.at[1, pl.ds(base + ROWS_PT, 1)],
                        didx.at[pl.ds(ROWS_PT, 1)])
        pltpu.sync_copy(ones_v, acc.at[didx.at[ROWS_PT]], add=True)

    def body(b, _):
        pltpu.sync_copy(ones_v, acc.at[didx.at[b]], add=True)
        return _

    lax.fori_loop(0, ROWS_PT, body, None)
    plsc.subcore_barrier()
    pltpu.sync_copy(acc.at[pl.ds(s * STRIPE, STRIPE)],
                    out_hbm.at[c, pl.ds(s * STRIPE, STRIPE)])


_NBUF = 2
_F = 64
_STEADY = ROWS_PT - _NBUF


def _make_agg64(col_off):
    @functools.partial(
        pl.kernel,
        out_type=jax.ShapeDtypeStruct((NC, N_PAD, _F), jnp.float32),
        mesh=_sc_mesh(),
        compiler_params=pltpu.CompilerParams(use_tc_tiling_on_sc=False),
        scratch_types=(
            [pltpu.VMEM((ROWS_PT + 1, 128), jnp.int32)] * 2
            + [pltpu.VMEM((128, _F), jnp.float32)] * _NBUF
            + [pltpu.VMEM_SHARED((N_PAD, _F), jnp.float32)]
            + [pltpu.VMEM_SHARED((N_PAD, _F), jnp.float32)]
            + [pltpu.SemaphoreType.DMA] * (2 * _NBUF + 2)
        ),
    )
    def _agg64(ei_hbm, p_hbm, out_hbm, sidx, didx, *scr):
        rows = scr[:_NBUF]
        p_sp = scr[_NBUF]
        acc = scr[_NBUF + 1]
        gsem = scr[_NBUF + 2:2 * _NBUF + 2]
        ssem = scr[2 * _NBUF + 2:3 * _NBUF + 2]
        isem = scr[3 * _NBUF + 2]
        psem = scr[3 * _NBUF + 3]
        c = lax.axis_index("c")
        s = lax.axis_index("s")
        wid = s * NC + c
        base = _row_base(wid)

        pltpu.async_copy(ei_hbm.at[0, pl.ds(base, ROWS_PT)],
                         sidx.at[pl.ds(0, ROWS_PT)], isem)
        pltpu.async_copy(ei_hbm.at[1, pl.ds(base, ROWS_PT)],
                         didx.at[pl.ds(0, ROWS_PT)], isem)
        pltpu.async_copy(
            p_hbm.at[pl.ds(s * STRIPE, STRIPE), pl.ds(col_off, _F)],
            p_sp.at[pl.ds(s * STRIPE, STRIPE)], psem)

        nvec = _F // 16

        def zero_body(i, _):
            rows[0][i // nvec, pl.ds((i % nvec) * 16, 16)] = jnp.zeros(
                (16,), jnp.float32)
            return _

        lax.fori_loop(0, 128 * nvec, zero_body, None)

        def zcopy_body(r, _):
            pltpu.sync_copy(rows[0], acc.at[pl.ds(s * STRIPE + r * 128, 128)])
            return _

        lax.fori_loop(0, STRIPE // 128, zcopy_body, None)
        pltpu.make_async_copy(
            ei_hbm.at[0, pl.ds(base, ROWS_PT)],
            sidx.at[pl.ds(0, ROWS_PT)], isem).wait()
        pltpu.make_async_copy(
            ei_hbm.at[1, pl.ds(base, ROWS_PT)],
            didx.at[pl.ds(0, ROWS_PT)], isem).wait()

        @pl.when(wid < N_XTRA)
        def _():
            pltpu.sync_copy(ei_hbm.at[0, pl.ds(base + ROWS_PT, 1)],
                            sidx.at[pl.ds(ROWS_PT, 1)])
            pltpu.sync_copy(ei_hbm.at[1, pl.ds(base + ROWS_PT, 1)],
                            didx.at[pl.ds(ROWS_PT, 1)])

        pltpu.make_async_copy(
            p_hbm.at[pl.ds(s * STRIPE, STRIPE), pl.ds(col_off, _F)],
            p_sp.at[pl.ds(s * STRIPE, STRIPE)], psem).wait()
        plsc.subcore_barrier()

        @pl.when(wid < N_XTRA)
        def _():
            pltpu.async_copy(p_sp.at[sidx.at[ROWS_PT]], rows[0], gsem[0])
            pltpu.make_async_copy(
                p_sp.at[sidx.at[ROWS_PT]], rows[0], gsem[0]).wait()
            pltpu.sync_copy(rows[0], acc.at[didx.at[ROWS_PT]], add=True)

        for j in range(_NBUF):
            pltpu.async_copy(p_sp.at[sidx.at[j]], rows[j], gsem[j])

        def steady(g, _):
            for j in range(_NBUF):
                b = g * _NBUF + j
                pltpu.make_async_copy(
                    p_sp.at[sidx.at[b]], rows[j], gsem[j]).wait()
                pltpu.sync_copy(rows[j], acc.at[didx.at[b]], add=True)
                pltpu.async_copy(p_sp.at[sidx.at[b + _NBUF]], rows[j],
                                 gsem[j])
            return _

        lax.fori_loop(0, _STEADY // _NBUF, steady, None)
        for j in range(_NBUF):
            b = _STEADY + j
            pltpu.make_async_copy(
                p_sp.at[sidx.at[b]], rows[j], gsem[j]).wait()
            pltpu.sync_copy(rows[j], acc.at[didx.at[b]], add=True)
        plsc.subcore_barrier()
        pltpu.sync_copy(acc.at[pl.ds(s * STRIPE, STRIPE)],
                        out_hbm.at[c, pl.ds(s * STRIPE, STRIPE)])

    return _agg64


_agg64_lo = _make_agg64(0)
_agg64_hi = _make_agg64(64)


_BLK = 1024


def _s_from_deg(deg_ref):
    d = deg_ref[0] + deg_ref[1]
    return lax.rsqrt(
        1.0 + jnp.sum(d, axis=1, keepdims=True) * (1.0 / 16.0))


def _scale_body(degT_ref, x_ref, p_ref):
    s = _s_from_deg(degT_ref)
    p_ref[...] = s * x_ref[...]


def _mid_body(agga_ref, aggb_ref, degT_ref, x_ref, w1a_ref, w1b_ref, b1_ref,
              w2_ref, zp2_ref):
    s = _s_from_deg(degT_ref)
    s2 = s * s
    x = x_ref[...]
    qa = s * (agga_ref[0] + agga_ref[1]) + s2 * x[:, :64]
    qb = s * (aggb_ref[0] + aggb_ref[1]) + s2 * x[:, 64:]
    h = jnp.dot(qa, w1a_ref[...], preferred_element_type=jnp.float32)
    h += jnp.dot(qb, w1b_ref[...], preferred_element_type=jnp.float32)
    h = jnp.maximum(h + b1_ref[...], 0.0)
    z = jnp.dot(h, w2_ref[...], preferred_element_type=jnp.float32)
    zp2_ref[...] = jnp.concatenate([z, s * z], axis=1)


def _final_body(agg_ref, degT_ref, zp2_ref, b2_ref, out_ref):
    s = _s_from_deg(degT_ref)
    z = zp2_ref[:, :64]
    out_ref[...] = s * (agg_ref[0] + agg_ref[1]) + (s * s) * z + b2_ref[...]


def _row_spec(f, blk=_BLK):
    return pl.BlockSpec((blk, f), lambda i: (i, 0))


def _agg_spec(f, blk=_BLK):
    return pl.BlockSpec((NC, blk, f), lambda i: (0, i, 0))


def _full_spec(a, b):
    return pl.BlockSpec((a, b), lambda i: (0, 0))


_GRID = (N_PAD // _BLK,)


def _tc_scale(deg_parts, x_pad):
    return pl.pallas_call(
        _scale_body,
        grid=_GRID,
        in_specs=[_agg_spec(16), _row_spec(128)],
        out_specs=_row_spec(128),
        out_shape=jax.ShapeDtypeStruct((N_PAD, 128), jnp.float32),
    )(deg_parts, x_pad)


def _tc_mid(agg1a, agg1b, deg_parts, x_pad, W1a, W1b, b1, W2):
    return pl.pallas_call(
        _mid_body,
        grid=_GRID,
        in_specs=[_agg_spec(64), _agg_spec(64), _agg_spec(16), _row_spec(128),
                  _full_spec(64, 256), _full_spec(64, 256), _full_spec(1, 256),
                  _full_spec(256, 64)],
        out_specs=_row_spec(128),
        out_shape=jax.ShapeDtypeStruct((N_PAD, 128), jnp.float32),
    )(agg1a, agg1b, deg_parts, x_pad, W1a, W1b, b1, W2)


_FBLK = 1000


def _tc_final(agg2, deg_parts, zp2, b2):
    return pl.pallas_call(
        _final_body,
        grid=(N_NODES_ // _FBLK,),
        in_specs=[_agg_spec(64, _FBLK), _agg_spec(16, _FBLK),
                  _row_spec(128, _FBLK), _full_spec(1, 64)],
        out_specs=_row_spec(64, _FBLK),
        out_shape=jax.ShapeDtypeStruct((N_NODES_, 64), jnp.float32),
    )(agg2, deg_parts, zp2, b2)


def kernel(x, edge_index, W1, b1, W2, b2):
    ei3 = edge_index.astype(jnp.int32).reshape(2, E_ROWS, 128)

    deg_parts = _deg_kernel(ei3)

    p1 = _tc_scale(deg_parts, x)
    agg1a = _agg64_lo(ei3, p1)
    agg1b = _agg64_hi(ei3, p1)
    zp2 = _tc_mid(agg1a, agg1b, deg_parts, x, W1[:64], W1[64:],
                  b1.reshape(1, 256), W2)
    agg2 = _agg64_hi(ei3, zp2)
    return _tc_final(agg2, deg_parts, zp2, b2.reshape(1, 64))

# --- scband reference (transcript-rebuilt; emitter-appended) ---
"""Pipeline reference for scband-offline-symbiose-gnn-42511586296347 (READ-ONLY COPY).

The authoritative reference and input builder live on the scoring server;
editing this copy changes nothing except your own understanding.
"""

import jax, jax.numpy as jnp
import numpy as np

N_NODES = 10000


def gcn_conv(x, edge_index, W, b):
    n = x.shape[0]
    src = edge_index[0]
    dst = edge_index[1]
    # add self-loops (PyG GCNConv default add_self_loops=True)
    loop = jnp.arange(n, dtype=edge_index.dtype)
    src = jnp.concatenate([src, loop])
    dst = jnp.concatenate([dst, loop])
    # symmetric normalization D^{-1/2} (A+I) D^{-1/2}
    deg = jnp.zeros((n,), dtype=x.dtype).at[dst].add(1.0)
    deg_inv_sqrt = jnp.where(deg > 0, jax.lax.rsqrt(deg), 0.0)
    norm = deg_inv_sqrt[src] * deg_inv_sqrt[dst]
    # linear transform then propagate
    xw = x @ W
    msg = xw[src] * norm[:, None]
    out = jnp.zeros((n, W.shape[1]), dtype=x.dtype).at[dst].add(msg)
    return out + b


def setup_inputs(seed: int = 0) -> dict:
    key = jax.random.key(seed)
    k1, k2, k3, k4 = jax.random.split(key, 4)
    x = jax.random.normal(k1, (N_NODES, 128), dtype=jnp.float32)
    edge_index = jax.random.randint(k2, (2, 320000), 0, N_NODES, dtype=jnp.int64)
    W1 = jax.random.normal(k3, (128, 256), dtype=jnp.float32) * (1.0 / np.sqrt(128.0))
    b1 = jnp.zeros((256,), dtype=jnp.float32)
    W2 = jax.random.normal(k4, (256, 64), dtype=jnp.float32) * (1.0 / np.sqrt(256.0))
    b2 = jnp.zeros((64,), dtype=jnp.float32)
    return {"x": x, "edge_index": edge_index, "W1": W1, "b1": b1, "W2": W2, "b2": b2}


def reference(x, edge_index, W1, b1, W2, b2):
    h = gcn_conv(x, edge_index, W1, b1)
    h = jax.nn.relu(h)
    # dropout(0.2) is identity in eval mode
    out = gcn_conv(h, edge_index, W2, b2)
    return out

if __name__ == "__main__":
    import jax
    _d = setup_inputs()
    print(jax.jit(kernel)(*tuple(_d.values())))

</pallas_src>

<mosaic_0001>
#map = affine_map<(d0, d1) -> (0, 0, 0)>
#map1 = affine_map<(d0, d1) -> (0, 0)>
module attributes {stable_mosaic.version = 14 : i64} {
  func.func @_agg64(%arg0: i32, %arg1: i32, %arg2: memref<2x2500x128xi32, #tpu.memory_space<hbm>>, %arg3: memref<10240x128xf32, #tpu.memory_space<hbm>>, %arg4: memref<2x10240x64xf32, #tpu.memory_space<hbm>>, %arg5: memref<79x128xi32, #tpu.memory_space<vmem>>, %arg6: memref<79x128xi32, #tpu.memory_space<vmem>>, %arg7: memref<128x64xf32, #tpu.memory_space<vmem>>, %arg8: memref<128x64xf32, #tpu.memory_space<vmem>>, %arg9: memref<10240x64xf32, #tpu.memory_space<vmem_shared>>, %arg10: memref<10240x64xf32, #tpu.memory_space<vmem_shared>>, %arg11: memref<!tpu.dma_semaphore, #tpu.memory_space<semaphore_mem>>, %arg12: memref<!tpu.dma_semaphore, #tpu.memory_space<semaphore_mem>>, %arg13: memref<!tpu.dma_semaphore, #tpu.memory_space<semaphore_mem>>, %arg14: memref<!tpu.dma_semaphore, #tpu.memory_space<semaphore_mem>>, %arg15: memref<!tpu.dma_semaphore, #tpu.memory_space<semaphore_mem>>, %arg16: memref<!tpu.dma_semaphore, #tpu.memory_space<semaphore_mem>>) attributes {dimension_semantics = [#tpu.dimension_semantics<core_parallel>, #tpu.dimension_semantics<subcore_parallel>], iteration_bounds = array<i64: 2, 16>, scalar_prefetch = 0 : i64, scratch_operands = 12 : i64, tpu.core_type = #tpu.core_type<sc_vector_subcore>, window_params = [{transform_indices = #map}, {transform_indices = #map1}, {transform_indices = #map}]} {
    %mul3A = arith.constant 2 : i32
    %mul3A_0 = arith.muli %arg1, %mul3A : i32
    %add3A = arith.addi %mul3A_0, %arg0 : i32
    %lt3A = arith.constant 4 : i32
    %lt3A_1 = arith.cmpi slt, %add3A, %lt3A : i32
    %mul3A_2 = arith.constant 79 : i32
    %mul3A_3 = arith.muli %add3A, %mul3A_2 : i32
    %mul3A_4 = arith.constant 78 : i32
    %mul3A_5 = arith.muli %add3A, %mul3A_4 : i32
    %add3A_6 = arith.constant 4 : i32
    %add3A_7 = arith.addi %mul3A_5, %add3A_6 : i32
    %select_n3A = arith.select %lt3A_1, %mul3A_3, %add3A_7 : i32
    %dma_start3A = arith.constant 0 : i32
    %dma_start3A_8 = arith.constant 0 : i32
    %dma_start3A_9 = arith.constant 0 : i32
    %dma_start3A_10 = tpu.memref_slice %arg5[%dma_start3A_8, %dma_start3A_9] : memref<79x128xi32, #tpu.memory_space<vmem>> -> memref<78x128xi32, #tpu.memory_space<vmem>>
    %dma_start3A_11 = arith.constant 0 : i32
    %dma_start3A_12 = tpu.memref_slice %arg2[%dma_start3A, %select_n3A, %dma_start3A_11] : memref<2x2500x128xi32, #tpu.memory_space<hbm>> -> memref<1x78x128xi32, #tpu.memory_space<hbm>>
    %dma_start3A_13 = tpu.memref_squeeze %dma_start3A_12 : memref<1x78x128xi32, #tpu.memory_space<hbm>> -> memref<78x128xi32, #tpu.memory_space<hbm>>
    %dma_start3A_14 = arith.constant 0 : i32
    %dma_start3A_15 = arith.constant 0 : i32
    %dma_start3A_16 = tpu.memref_slice %arg5[%dma_start3A_14, %dma_start3A_15] : memref<79x128xi32, #tpu.memory_space<vmem>> -> memref<78x128xi32, #tpu.memory_space<vmem>>
    %dma_start3A_17 = arith.constant 0 : i32
    %dma_start3A_18 = tpu.memref_slice %arg2[%dma_start3A, %select_n3A, %dma_start3A_17] : memref<2x2500x128xi32, #tpu.memory_space<hbm>> -> memref<1x78x128xi32, #tpu.memory_space<hbm>>
    %dma_start3A_19 = tpu.memref_squeeze %dma_start3A_18 : memref<1x78x128xi32, #tpu.memory_space<hbm>> -> memref<78x128xi32, #tpu.memory_space<hbm>>
    tpu.enqueue_dma source(%dma_start3A_19 : memref<78x128xi32, #tpu.memory_space<hbm>>) target(%dma_start3A_16 : memref<78x128xi32, #tpu.memory_space<vmem>>) target_semaphore(%arg15 : memref<!tpu.dma_semaphore, #tpu.memory_space<semaphore_mem>>)
    %dma_start3A_20 = arith.constant 1 : i32
    %dma_start3A_21 = arith.constant 0 : i32
    %dma_start3A_22 = arith.constant 0 : i32
    %dma_start3A_23 = tpu.memref_slice %arg6[%dma_start3A_21, %dma_start3A_22] : memref<79x128xi32, #tpu.memory_space<vmem>> -> memref<78x128xi32, #tpu.memory_space<vmem>>
    %dma_start3A_24 = arith.constant 0 : i32
    %dma_start3A_25 = tpu.memref_slice %arg2[%dma_start3A_20, %select_n3A, %dma_start3A_24] : memref<2x2500x128xi32, #tpu.memory_space<hbm>> -> memref<1x78x128xi32, #tpu.memory_space<hbm>>
    %dma_start3A_26 = tpu.memref_squeeze %dma_start3A_25 : memref<1x78x128xi32, #tpu.memory_space<hbm>> -> memref<78x128xi32, #tpu.memory_space<hbm>>
    %dma_start3A_27 = arith.constant 0 : i32
    %dma_start3A_28 = arith.constant 0 : i32
    %dma_start3A_29 = tpu.memref_slice %arg6[%dma_start3A_27, %dma_start3A_28] : memref<79x128xi32, #tpu.memory_space<vmem>> -> memref<78x128xi32, #tpu.memory_space<vmem>>
    %dma_start3A_30 = arith.constant 0 : i32
    %dma_start3A_31 = tpu.memref_slice %arg2[%dma_start3A_20, %select_n3A, %dma_start3A_30] : memref<2x2500x128xi32, #tpu.memory_space<hbm>> -> memref<1x78x128xi32, #tpu.memory_space<hbm>>
    %dma_start3A_32 = tpu.memref_squeeze %dma_start3A_31 : memref<1x78x128xi32, #tpu.memory_space<hbm>> -> memref<78x128xi32, #tpu.memory_space<hbm>>
    tpu.enqueue_dma source(%dma_start3A_32 : memref<78x128xi32, #tpu.memory_space<hbm>>) target(%dma_start3A_29 : memref<78x128xi32, #tpu.memory_space<vmem>>) target_semaphore(%arg15 : memref<!tpu.dma_semaphore, #tpu.memory_space<semaphore_mem>>)
    %mul3A_33 = arith.constant 640 : i32
    %mul3A_34 = arith.muli %arg1, %mul3A_33 : i32
    %mul3A_35 = arith.constant 640 : i32
    %mul3A_36 = arith.muli %arg1, %mul3A_35 : i32
    %dma_start3A_37 = arith.constant 0 : i32
    %dma_start3A_38 = tpu.memref_slice %arg9[%mul3A_36, %dma_start3A_37] : memref<10240x64xf32, #tpu.memory_space<vmem_shared>> -> memref<640x64xf32, #tpu.memory_space<vmem_shared>>
    %dma_start3A_39 = arith.constant 0 : i32
    %dma_start3A_40 = tpu.memref_slice %arg3[%mul3A_34, %dma_start3A_39] : memref<10240x128xf32, #tpu.memory_space<hbm>> -> memref<640x64xf32, #tpu.memory_space<hbm>>
    tpu.enqueue_dma source(%dma_start3A_40 : memref<640x64xf32, #tpu.memory_space<hbm>>) target(%dma_start3A_38 : memref<640x64xf32, #tpu.memory_space<vmem_shared>>) target_semaphore(%arg16 : memref<!tpu.dma_semaphore, #tpu.memory_space<semaphore_mem>>)
    %scan3A = arith.constant 0 : i32
    %scan3A_41 = arith.constant 512 : i32
    %scan3A_42 = arith.addi %scan3A, %scan3A_41 : i32
    %scan3A_43 = arith.constant 1 : i32
    scf.for %scan3A_130 = %scan3A to %scan3A_42 step %scan3A_43  : i32 {
      %broadcast_in_dim3A = arith.constant 0.000000e+00 : f32
      %broadcast_in_dim3A_131 = vector.broadcast %broadcast_in_dim3A : f32 to vector<16xf32>
      %jit3A = arith.constant 4 : i32
      %div3A = arith.divsi %scan3A_130, %jit3A : i32
      %sign3A = arith.constant 0 : i32
      %sign3A_132 = arith.cmpi sgt, %scan3A_130, %sign3A : i32
      %sign3A_133 = arith.extui %sign3A_132 : i1 to i32
      %sign3A_134 = arith.constant 0 : i32
      %sign3A_135 = arith.cmpi slt, %scan3A_130, %sign3A_134 : i32
      %sign3A_136 = arith.extui %sign3A_135 : i1 to i32
      %sign3A_137 = arith.subi %sign3A_133, %sign3A_136 : i32
      %sign3A_138 = arith.constant 0 : i32
      %sign3A_139 = arith.cmpi sgt, %jit3A, %sign3A_138 : i32
      %sign3A_140 = arith.extui %sign3A_139 : i1 to i32
      %sign3A_141 = arith.constant 0 : i32
      %sign3A_142 = arith.cmpi slt, %jit3A, %sign3A_141 : i32
      %sign3A_143 = arith.extui %sign3A_142 : i1 to i32
      %sign3A_144 = arith.subi %sign3A_140, %sign3A_143 : i32
      %ne3A = arith.cmpi ne, %sign3A_137, %sign3A_144 : i32
      %rem3A = arith.remsi %scan3A_130, %jit3A : i32
      %ne3A_145 = arith.constant 0 : i32
      %ne3A_146 = arith.cmpi ne, %rem3A, %ne3A_145 : i32
      %and3A = arith.andi %ne3A, %ne3A_146 : i1
      %sub3A = arith.constant 1 : i32
      %sub3A_147 = arith.subi %div3A, %sub3A : i32
      %select_n3A_148 = arith.select %and3A, %sub3A_147, %div3A : i32
      %jit3A_149 = arith.constant 4 : i32
      %eq3A = arith.constant 0 : i32
      %eq3A_150 = arith.cmpi eq, %jit3A_149, %eq3A : i32
      %jit3A_151 = arith.constant 1 : i32
      %select_n3A_152 = arith.select %eq3A_150, %jit3A_151, %jit3A_149 : i32
      %rem3A_153 = arith.remsi %scan3A_130, %select_n3A_152 : i32
      %ne3A_154 = arith.constant 0 : i32
      %ne3A_155 = arith.cmpi ne, %rem3A_153, %ne3A_154 : i32
      %lt3A_156 = arith.constant 0 : i32
      %lt3A_157 = arith.cmpi slt, %rem3A_153, %lt3A_156 : i32
      %lt3A_158 = arith.constant 0 : i32
      %lt3A_159 = arith.cmpi slt, %select_n3A_152, %lt3A_158 : i32
      %ne3A_160 = arith.xori %lt3A_157, %lt3A_159 : i1
      %and3A_161 = arith.andi %ne3A_160, %ne3A_155 : i1
      %add3A_162 = arith.addi %rem3A_153, %select_n3A_152 : i32
      %select_n3A_163 = arith.select %and3A_161, %add3A_162, %rem3A_153 : i32
      %mul3A_164 = arith.constant 16 : i32
      %mul3A_165 = arith.muli %select_n3A_163, %mul3A_164 : i32
      %swap3A = arith.index_cast %select_n3A_148 : i32 to index
      %swap3A_166 = arith.index_cast %mul3A_165 : i32 to index
      %swap3A_167 = tpu.vector_load %arg7[%swap3A, %swap3A_166] {strides = array<i32>} : memref<128x64xf32, #tpu.memory_space<vmem>>, vector<1x16xf32>,
      %swap3A_168 = vector.shape_cast %swap3A_167 : vector<1x16xf32> to vector<16xf32>
      %swap3A_169 = vector.shape_cast %broadcast_in_dim3A_131 : vector<16xf32> to vector<1x16xf32>
      tpu.vector_store %arg7[%swap3A, %swap3A_166], %swap3A_169 {strides = array<i32>} : memref<128x64xf32, #tpu.memory_space<vmem>>, vector<1x16xf32>,
    }
    %scan3A_44 = arith.constant 512 : i32
    %scan3A_45 = arith.constant 0 : i32
    %scan3A_46 = arith.constant 5 : i32
    %scan3A_47 = arith.addi %scan3A_45, %scan3A_46 : i32
    %scan3A_48 = arith.constant 1 : i32
    scf.for %scan3A_130 = %scan3A_45 to %scan3A_47 step %scan3A_48  : i32 {
      %mul3A_131 = arith.constant 640 : i32
      %mul3A_132 = arith.muli %arg1, %mul3A_131 : i32
      %mul3A_133 = arith.constant 128 : i32
      %mul3A_134 = arith.muli %scan3A_130, %mul3A_133 : i32
      %add3A_135 = arith.addi %mul3A_132, %mul3A_134 : i32
      "tpu.region"() ({
        %run_scoped3A_136 = tpu.sem_alloc : memref<!tpu.dma_semaphore, #tpu.memory_space<semaphore_mem>>
        %dma_start3A_137 = arith.constant 0 : i32
        %dma_start3A_138 = tpu.memref_slice %arg10[%add3A_135, %dma_start3A_137] : memref<10240x64xf32, #tpu.memory_space<vmem_shared>> -> memref<128x64xf32, #tpu.memory_space<vmem_shared>>
        %dma_start3A_139 = arith.constant 0 : i32
        %dma_start3A_140 = tpu.memref_slice %arg10[%add3A_135, %dma_start3A_139] : memref<10240x64xf32, #tpu.memory_space<vmem_shared>> -> memref<128x64xf32, #tpu.memory_space<vmem_shared>>
        tpu.enqueue_dma source(%arg7 : memref<128x64xf32, #tpu.memory_space<vmem>>) target(%dma_start3A_140 : memref<128x64xf32, #tpu.memory_space<vmem_shared>>) target_semaphore(%run_scoped3A_136 : memref<!tpu.dma_semaphore, #tpu.memory_space<semaphore_mem>>)
        %dma_wait3A_141 = arith.constant 0 : i32
        %dma_wait3A_142 = tpu.memref_slice %arg10[%add3A_135, %dma_wait3A_141] : memref<10240x64xf32, #tpu.memory_space<vmem_shared>> -> memref<128x64xf32, #tpu.memory_space<vmem_shared>>
        %dma_wait3A_143 = arith.constant 0 : i32
        %dma_wait3A_144 = tpu.memref_slice %arg10[%add3A_135, %dma_wait3A_143] : memref<10240x64xf32, #tpu.memory_space<vmem_shared>> -> memref<128x64xf32, #tpu.memory_space<vmem_shared>>
        tpu.wait_dma2 semaphore(%run_scoped3A_136 : memref<!tpu.dma_semaphore, #tpu.memory_space<semaphore_mem>>) src(%arg7 : memref<128x64xf32, #tpu.memory_space<vmem>>) dst(%dma_wait3A_144 : memref<128x64xf32, #tpu.memory_space<vmem_shared>>)
        tpu.yield
      }) : () -> ()
    }
    %scan3A_49 = arith.constant 5 : i32
    %dma_wait3A = arith.constant 0 : i32
    %dma_wait3A_50 = arith.constant 0 : i32
    %dma_wait3A_51 = arith.constant 0 : i32
    %dma_wait3A_52 = tpu.memref_slice %arg5[%dma_wait3A_50, %dma_wait3A_51] : memref<79x128xi32, #tpu.memory_space<vmem>> -> memref<78x128xi32, #tpu.memory_space<vmem>>
    %dma_wait3A_53 = arith.constant 0 : i32
    %dma_wait3A_54 = tpu.memref_slice %arg2[%dma_wait3A, %select_n3A, %dma_wait3A_53] : memref<2x2500x128xi32, #tpu.memory_space<hbm>> -> memref<1x78x128xi32, #tpu.memory_space<hbm>>
    %dma_wait3A_55 = tpu.memref_squeeze %dma_wait3A_54 : memref<1x78x128xi32, #tpu.memory_space<hbm>> -> memref<78x128xi32, #tpu.memory_space<hbm>>
    %dma_wait3A_56 = arith.constant 0 : i32
    %dma_wait3A_57 = arith.constant 0 : i32
    %dma_wait3A_58 = tpu.memref_slice %arg5[%dma_wait3A_56, %dma_wait3A_57] : memref<79x128xi32, #tpu.memory_space<vmem>> -> memref<78x128xi32, #tpu.memory_space<vmem>>
    %dma_wait3A_59 = arith.constant 0 : i32
    %dma_wait3A_60 = tpu.memref_slice %arg2[%dma_wait3A, %select_n3A, %dma_wait3A_59] : memref<2x2500x128xi32, #tpu.memory_space<hbm>> -> memref<1x78x128xi32, #tpu.memory_space<hbm>>
    %dma_wait3A_61 = tpu.memref_squeeze %dma_wait3A_60 : memref<1x78x128xi32, #tpu.memory_space<hbm>> -> memref<78x128xi32, #tpu.memory_space<hbm>>
    tpu.wait_dma2 semaphore(%arg15 : memref<!tpu.dma_semaphore, #tpu.memory_space<semaphore_mem>>) src(%dma_wait3A_61 : memref<78x128xi32, #tpu.memory_space<hbm>>) dst(%dma_wait3A_58 : memref<78x128xi32, #tpu.memory_space<vmem>>)
    %dma_wait3A_62 = arith.constant 1 : i32
    %dma_wait3A_63 = arith.constant 0 : i32
    %dma_wait3A_64 = arith.constant 0 : i32
    %dma_wait3A_65 = tpu.memref_slice %arg6[%dma_wait3A_63, %dma_wait3A_64] : memref<79x128xi32, #tpu.memory_space<vmem>> -> memref<78x128xi32, #tpu.memory_space<vmem>>
    %dma_wait3A_66 = arith.constant 0 : i32
    %dma_wait3A_67 = tpu.memref_slice %arg2[%dma_wait3A_62, %select_n3A, %dma_wait3A_66] : memref<2x2500x128xi32, #tpu.memory_space<hbm>> -> memref<1x78x128xi32, #tpu.memory_space<hbm>>
    %dma_wait3A_68 = tpu.memref_squeeze %dma_wait3A_67 : memref<1x78x128xi32, #tpu.memory_space<hbm>> -> memref<78x128xi32, #tpu.memory_space<hbm>>
    %dma_wait3A_69 = arith.constant 0 : i32
    %dma_wait3A_70 = arith.constant 0 : i32
    %dma_wait3A_71 = tpu.memref_slice %arg6[%dma_wait3A_69, %dma_wait3A_70] : memref<79x128xi32, #tpu.memory_space<vmem>> -> memref<78x128xi32, #tpu.memory_space<vmem>>
    %dma_wait3A_72 = arith.constant 0 : i32
    %dma_wait3A_73 = tpu.memref_slice %arg2[%dma_wait3A_62, %select_n3A, %dma_wait3A_72] : memref<2x2500x128xi32, #tpu.memory_space<hbm>> -> memref<1x78x128xi32, #tpu.memory_space<hbm>>
    %dma_wait3A_74 = tpu.memref_squeeze %dma_wait3A_73 : memref<1x78x128xi32, #tpu.memory_space<hbm>> -> memref<78x128xi32, #tpu.memory_space<hbm>>
    tpu.wait_dma2 semaphore(%arg15 : memref<!tpu.dma_semaphore, #tpu.memory_space<semaphore_mem>>) src(%dma_wait3A_74 : memref<78x128xi32, #tpu.memory_space<hbm>>) dst(%dma_wait3A_71 : memref<78x128xi32, #tpu.memory_space<vmem>>)
    %lt3A_75 = arith.constant 4 : i32
    %lt3A_76 = arith.cmpi slt, %add3A, %lt3A_75 : i32
    %convert_element_type3A = arith.extui %lt3A_76 : i1 to i32
    %cond3A = arith.constant 0 : i32
    %cond3A_77 = arith.cmpi ne, %convert_element_type3A, %cond3A : i32
    scf.if %cond3A_77 {
      %add3A_130 = arith.constant 78 : i32
      %add3A_131 = arith.addi %select_n3A, %add3A_130 : i32
      %run_scoped3A_132 = arith.constant 0 : i32
      "tpu.region"() ({
        %run_scoped3A_136 = tpu.sem_alloc : memref<!tpu.dma_semaphore, #tpu.memory_space<semaphore_mem>>
        %dma_start3A_137 = arith.constant 78 : i32
        %dma_start3A_138 = arith.constant 0 : i32
        %dma_start3A_139 = tpu.memref_slice %arg5[%dma_start3A_137, %dma_start3A_138] : memref<79x128xi32, #tpu.memory_space<vmem>> -> memref<1x128xi32, #tpu.memory_space<vmem>>
        %dma_start3A_140 = arith.constant 0 : i32
        %dma_start3A_141 = tpu.memref_slice %arg2[%run_scoped3A_132, %add3A_131, %dma_start3A_140] : memref<2x2500x128xi32, #tpu.memory_space<hbm>> -> memref<1x1x128xi32, #tpu.memory_space<hbm>>
        %dma_start3A_142 = tpu.memref_squeeze %dma_start3A_141 : memref<1x1x128xi32, #tpu.memory_space<hbm>> -> memref<1x128xi32, #tpu.memory_space<hbm>>
        %dma_start3A_143 = arith.constant 78 : i32
        %dma_start3A_144 = arith.constant 0 : i32
        %dma_start3A_145 = tpu.memref_slice %arg5[%dma_start3A_143, %dma_start3A_144] : memref<79x128xi32, #tpu.memory_space<vmem>> -> memref<1x128xi32, #tpu.memory_space<vmem>>
        %dma_start3A_146 = arith.constant 0 : i32
        %dma_start3A_147 = tpu.memref_slice %arg2[%run_scoped3A_132, %add3A_131, %dma_start3A_146] : memref<2x2500x128xi32, #tpu.memory_space<hbm>> -> memref<1x1x128xi32, #tpu.memory_space<hbm>>
        %dma_start3A_148 = tpu.memref_squeeze %dma_start3A_147 : memref<1x1x128xi32, #tpu.memory_space<hbm>> -> memref<1x128xi32, #tpu.memory_space<hbm>>
        tpu.enqueue_dma source(%dma_start3A_148 : memref<1x128xi32, #tpu.memory_space<hbm>>) target(%dma_start3A_145 : memref<1x128xi32, #tpu.memory_space<vmem>>) target_semaphore(%run_scoped3A_136 : memref<!tpu.dma_semaphore, #tpu.memory_space<semaphore_mem>>)
        %dma_wait3A_149 = arith.constant 78 : i32
        %dma_wait3A_150 = arith.constant 0 : i32
        %dma_wait3A_151 = tpu.memref_slice %arg5[%dma_wait3A_149, %dma_wait3A_150] : memref<79x128xi32, #tpu.memory_space<vmem>> -> memref<1x128xi32, #tpu.memory_space<vmem>>
        %dma_wait3A_152 = arith.constant 0 : i32
        %dma_wait3A_153 = tpu.memref_slice %arg2[%run_scoped3A_132, %add3A_131, %dma_wait3A_152] : memref<2x2500x128xi32, #tpu.memory_space<hbm>> -> memref<1x1x128xi32, #tpu.memory_space<hbm>>
        %dma_wait3A_154 = tpu.memref_squeeze %dma_wait3A_153 : memref<1x1x128xi32, #tpu.memory_space<hbm>> -> memref<1x128xi32, #tpu.memory_space<hbm>>
        %dma_wait3A_155 = arith.constant 78 : i32
        %dma_wait3A_156 = arith.constant 0 : i32
        %dma_wait3A_157 = tpu.memref_slice %arg5[%dma_wait3A_155, %dma_wait3A_156] : memref<79x128xi32, #tpu.memory_space<vmem>> -> memref<1x128xi32, #tpu.memory_space<vmem>>
        %dma_wait3A_158 = arith.constant 0 : i32
        %dma_wait3A_159 = tpu.memref_slice %arg2[%run_scoped3A_132, %add3A_131, %dma_wait3A_158] : memref<2x2500x128xi32, #tpu.memory_space<hbm>> -> memref<1x1x128xi32, #tpu.memory_space<hbm>>
        %dma_wait3A_160 = tpu.memref_squeeze %dma_wait3A_159 : memref<1x1x128xi32, #tpu.memory_space<hbm>> -> memref<1x128xi32, #tpu.memory_space<hbm>>
        tpu.wait_dma2 semaphore(%run_scoped3A_136 : memref<!tpu.dma_semaphore, #tpu.memory_space<semaphore_mem>>) src(%dma_wait3A_160 : memref<1x128xi32, #tpu.memory_space<hbm>>) dst(%dma_wait3A_157 : memref<1x128xi32, #tpu.memory_space<vmem>>)
        tpu.yield
      }) : () -> ()
      %add3A_133 = arith.constant 78 : i32
      %add3A_134 = arith.addi %select_n3A, %add3A_133 : i32
      %run_scoped3A_135 = arith.constant 1 : i32
      "tpu.region"() ({
        %run_scoped3A_136 = tpu.sem_alloc : memref<!tpu.dma_semaphore, #tpu.memory_space<semaphore_mem>>
        %dma_start3A_137 = arith.constant 78 : i32
        %dma_start3A_138 = arith.constant 0 : i32
        %dma_start3A_139 = tpu.memref_slice %arg6[%dma_start3A_137, %dma_start3A_138] : memref<79x128xi32, #tpu.memory_space<vmem>> -> memref<1x128xi32, #tpu.memory_space<vmem>>
        %dma_start3A_140 = arith.constant 0 : i32
        %dma_start3A_141 = tpu.memref_slice %arg2[%run_scoped3A_135, %add3A_134, %dma_start3A_140] : memref<2x2500x128xi32, #tpu.memory_space<hbm>> -> memref<1x1x128xi32, #tpu.memory_space<hbm>>
        %dma_start3A_142 = tpu.memref_squeeze %dma_start3A_141 : memref<1x1x128xi32, #tpu.memory_space<hbm>> -> memref<1x128xi32, #tpu.memory_space<hbm>>
        %dma_start3A_143 = arith.constant 78 : i32
        %dma_start3A_144 = arith.constant 0 : i32
        %dma_start3A_145 = tpu.memref_slice %arg6[%dma_start3A_143, %dma_start3A_144] : memref<79x128xi32, #tpu.memory_space<vmem>> -> memref<1x128xi32, #tpu.memory_space<vmem>>
        %dma_start3A_146 = arith.constant 0 : i32
        %dma_start3A_147 = tpu.memref_slice %arg2[%run_scoped3A_135, %add3A_134, %dma_start3A_146] : memref<2x2500x128xi32, #tpu.memory_space<hbm>> -> memref<1x1x128xi32, #tpu.memory_space<hbm>>
        %dma_start3A_148 = tpu.memref_squeeze %dma_start3A_147 : memref<1x1x128xi32, #tpu.memory_space<hbm>> -> memref<1x128xi32, #tpu.memory_space<hbm>>
        tpu.enqueue_dma source(%dma_start3A_148 : memref<1x128xi32, #tpu.memory_space<hbm>>) target(%dma_start3A_145 : memref<1x128xi32, #tpu.memory_space<vmem>>) target_semaphore(%run_scoped3A_136 : memref<!tpu.dma_semaphore, #tpu.memory_space<semaphore_mem>>)
        %dma_wait3A_149 = arith.constant 78 : i32
        %dma_wait3A_150 = arith.constant 0 : i32
        %dma_wait3A_151 = tpu.memref_slice %arg6[%dma_wait3A_149, %dma_wait3A_150] : memref<79x128xi32, #tpu.memory_space<vmem>> -> memref<1x128xi32, #tpu.memory_space<vmem>>
        %dma_wait3A_152 = arith.constant 0 : i32
        %dma_wait3A_153 = tpu.memref_slice %arg2[%run_scoped3A_135, %add3A_134, %dma_wait3A_152] : memref<2x2500x128xi32, #tpu.memory_space<hbm>> -> memref<1x1x128xi32, #tpu.memory_space<hbm>>
        %dma_wait3A_154 = tpu.memref_squeeze %dma_wait3A_153 : memref<1x1x128xi32, #tpu.memory_space<hbm>> -> memref<1x128xi32, #tpu.memory_space<hbm>>
        %dma_wait3A_155 = arith.constant 78 : i32
        %dma_wait3A_156 = arith.constant 0 : i32
        %dma_wait3A_157 = tpu.memref_slice %arg6[%dma_wait3A_155, %dma_wait3A_156] : memref<79x128xi32, #tpu.memory_space<vmem>> -> memref<1x128xi32, #tpu.memory_space<vmem>>
        %dma_wait3A_158 = arith.constant 0 : i32
        %dma_wait3A_159 = tpu.memref_slice %arg2[%run_scoped3A_135, %add3A_134, %dma_wait3A_158] : memref<2x2500x128xi32, #tpu.memory_space<hbm>> -> memref<1x1x128xi32, #tpu.memory_space<hbm>>
        %dma_wait3A_160 = tpu.memref_squeeze %dma_wait3A_159 : memref<1x1x128xi32, #tpu.memory_space<hbm>> -> memref<1x128xi32, #tpu.memory_space<hbm>>
        tpu.wait_dma2 semaphore(%run_scoped3A_136 : memref<!tpu.dma_semaphore, #tpu.memory_space<semaphore_mem>>) src(%dma_wait3A_160 : memref<1x128xi32, #tpu.memory_space<hbm>>) dst(%dma_wait3A_157 : memref<1x128xi32, #tpu.memory_space<vmem>>)
        tpu.yield
      }) : () -> ()
    } else {
    }
    %mul3A_78 = arith.constant 640 : i32
    %mul3A_79 = arith.muli %arg1, %mul3A_78 : i32
    %mul3A_80 = arith.constant 640 : i32
    %mul3A_81 = arith.muli %arg1, %mul3A_80 : i32
    %dma_wait3A_82 = arith.constant 0 : i32
    %dma_wait3A_83 = tpu.memref_slice %arg9[%mul3A_81, %dma_wait3A_82] : memref<10240x64xf32, #tpu.memory_space<vmem_shared>> -> memref<640x64xf32, #tpu.memory_space<vmem_shared>>
    %dma_wait3A_84 = arith.constant 0 : i32
    %dma_wait3A_85 = tpu.memref_slice %arg3[%mul3A_79, %dma_wait3A_84] : memref<10240x128xf32, #tpu.memory_space<hbm>> -> memref<640x64xf32, #tpu.memory_space<hbm>>
    tpu.wait_dma2 semaphore(%arg16 : memref<!tpu.dma_semaphore, #tpu.memory_space<semaphore_mem>>) src(%dma_wait3A_85 : memref<640x64xf32, #tpu.memory_space<hbm>>) dst(%dma_wait3A_83 : memref<640x64xf32, #tpu.memory_space<vmem_shared>>)
    %barrier3A = arith.constant 0 : index
    tpu.barrier barrier_id(%barrier3A)
    %lt3A_86 = arith.constant 4 : i32
    %lt3A_87 = arith.cmpi slt, %add3A, %lt3A_86 : i32
    %convert_element_type3A_88 = arith.extui %lt3A_87 : i1 to i32
    %cond3A_89 = arith.constant 0 : i32
    %cond3A_90 = arith.cmpi ne, %convert_element_type3A_88, %cond3A_89 : i32
    scf.if %cond3A_90 {
      %dma_start3A_130 = arith.constant 78 : i32
      %dma_start3A_131 = arith.constant 0 : i32
      %dma_start3A_132 = tpu.memref_slice %arg5[%dma_start3A_130, %dma_start3A_131] : memref<79x128xi32, #tpu.memory_space<vmem>> -> memref<1x128xi32, #tpu.memory_space<vmem>>
      %dma_start3A_133 = tpu.memref_squeeze %dma_start3A_132 : memref<1x128xi32, #tpu.memory_space<vmem>> -> memref<128xi32, #tpu.memory_space<vmem>>
      %dma_start3A_134 = arith.constant 0 : i32
      %dma_start3A_135 = arith.constant 0 : i32
      %dma_start3A_136 = tpu.memref_slice %arg9[%dma_start3A_134, %dma_start3A_135] : memref<10240x64xf32, #tpu.memory_space<vmem_shared>> -> memref<10240x64xf32, #tpu.memory_space<vmem_shared>>
      tpu.enqueue_indirect_dma source(%dma_start3A_136 : memref<10240x64xf32, #tpu.memory_space<vmem_shared>>) target(%arg7 : memref<128x64xf32, #tpu.memory_space<vmem>>) offsets(%dma_start3A_133 : memref<128xi32, #tpu.memory_space<vmem>>) semaphore(%arg11 : memref<!tpu.dma_semaphore, #tpu.memory_space<semaphore_mem>>)
      %dma_wait3A_137 = arith.constant 78 : i32
      %dma_wait3A_138 = arith.constant 0 : i32
      %dma_wait3A_139 = tpu.memref_slice %arg5[%dma_wait3A_137, %dma_wait3A_138] : memref<79x128xi32, #tpu.memory_space<vmem>> -> memref<1x128xi32, #tpu.memory_space<vmem>>
      %dma_wait3A_140 = tpu.memref_squeeze %dma_wait3A_139 : memref<1x128xi32, #tpu.memory_space<vmem>> -> memref<128xi32, #tpu.memory_space<vmem>>
      %dma_wait3A_141 = arith.constant 0 : i32
      %dma_wait3A_142 = arith.constant 0 : i32
      %dma_wait3A_143 = tpu.memref_slice %arg9[%dma_wait3A_141, %dma_wait3A_142] : memref<10240x64xf32, #tpu.memory_space<vmem_shared>> -> memref<10240x64xf32, #tpu.memory_space<vmem_shared>>
      tpu.wait_indirect_dma semaphore(%arg11 : memref<!tpu.dma_semaphore, #tpu.memory_space<semaphore_mem>>) src(%dma_wait3A_143 : memref<10240x64xf32, #tpu.memory_space<vmem_shared>>) dst(%arg7 : memref<128x64xf32, #tpu.memory_space<vmem>>)
      %run_scoped3A_144 = arith.constant 78 : i32
      "tpu.region"() ({
        %run_scoped3A_145 = tpu.sem_alloc : memref<!tpu.dma_semaphore, #tpu.memory_space<semaphore_mem>>
        %dma_start3A_146 = arith.constant 0 : i32
        %dma_start3A_147 = tpu.memref_slice %arg6[%run_scoped3A_144, %dma_start3A_146] : memref<79x128xi32, #tpu.memory_space<vmem>> -> memref<1x128xi32, #tpu.memory_space<vmem>>
        %dma_start3A_148 = tpu.memref_squeeze %dma_start3A_147 : memref<1x128xi32, #tpu.memory_space<vmem>> -> memref<128xi32, #tpu.memory_space<vmem>>
        %dma_start3A_149 = arith.constant 0 : i32
        %dma_start3A_150 = arith.constant 0 : i32
        %dma_start3A_151 = tpu.memref_slice %arg10[%dma_start3A_149, %dma_start3A_150] : memref<10240x64xf32, #tpu.memory_space<vmem_shared>> -> memref<10240x64xf32, #tpu.memory_space<vmem_shared>>
        tpu.enqueue_indirect_dma source(%arg7 : memref<128x64xf32, #tpu.memory_space<vmem>>) target(%dma_start3A_151 : memref<10240x64xf32, #tpu.memory_space<vmem_shared>>) offsets(%dma_start3A_148 : memref<128xi32, #tpu.memory_space<vmem>>) semaphore(%run_scoped3A_145 : memref<!tpu.dma_semaphore, #tpu.memory_space<semaphore_mem>>) {add = true}
        %dma_wait3A_152 = arith.constant 0 : i32
        %dma_wait3A_153 = tpu.memref_slice %arg6[%run_scoped3A_144, %dma_wait3A_152] : memref<79x128xi32, #tpu.memory_space<vmem>> -> memref<1x128xi32, #tpu.memory_space<vmem>>
        %dma_wait3A_154 = tpu.memref_squeeze %dma_wait3A_153 : memref<1x128xi32, #tpu.memory_space<vmem>> -> memref<128xi32, #tpu.memory_space<vmem>>
        %dma_wait3A_155 = arith.constant 0 : i32
        %dma_wait3A_156 = arith.constant 0 : i32
        %dma_wait3A_157 = tpu.memref_slice %arg10[%dma_wait3A_155, %dma_wait3A_156] : memref<10240x64xf32, #tpu.memory_space<vmem_shared>> -> memref<10240x64xf32, #tpu.memory_space<vmem_shared>>
        tpu.wait_indirect_dma semaphore(%run_scoped3A_145 : memref<!tpu.dma_semaphore, #tpu.memory_space<semaphore_mem>>) src(%arg7 : memref<128x64xf32, #tpu.memory_space<vmem>>) dst(%dma_wait3A_157 : memref<10240x64xf32, #tpu.memory_space<vmem_shared>>)
        tpu.yield
      }) : () -> ()
    } else {
    }
    %dma_start3A_91 = arith.constant 0 : i32
    %dma_start3A_92 = arith.constant 0 : i32
    %dma_start3A_93 = tpu.memref_slice %arg5[%dma_start3A_91, %dma_start3A_92] : memref<79x128xi32, #tpu.memory_space<vmem>> -> memref<1x128xi32, #tpu.memory_space<vmem>>
    %dma_start3A_94 = tpu.memref_squeeze %dma_start3A_93 : memref<1x128xi32, #tpu.memory_space<vmem>> -> memref<128xi32, #tpu.memory_space<vmem>>
    %dma_start3A_95 = arith.constant 0 : i32
    %dma_start3A_96 = arith.constant 0 : i32
    %dma_start3A_97 = tpu.memref_slice %arg9[%dma_start3A_95, %dma_start3A_96] : memref<10240x64xf32, #tpu.memory_space<vmem_shared>> -> memref<10240x64xf32, #tpu.memory_space<vmem_shared>>
    tpu.enqueue_indirect_dma source(%dma_start3A_97 : memref<10240x64xf32, #tpu.memory_space<vmem_shared>>) target(%arg7 : memref<128x64xf32, #tpu.memory_space<vmem>>) offsets(%dma_start3A_94 : memref<128xi32, #tpu.memory_space<vmem>>) semaphore(%arg11 : memref<!tpu.dma_semaphore, #tpu.memory_space<semaphore_mem>>)
    %dma_start3A_98 = arith.constant 1 : i32
    %dma_start3A_99 = arith.constant 0 : i32
    %dma_start3A_100 = tpu.memref_slice %arg5[%dma_start3A_98, %dma_start3A_99] : memref<79x128xi32, #tpu.memory_space<vmem>> -> memref<1x128xi32, #tpu.memory_space<vmem>>
    %dma_start3A_101 = tpu.memref_squeeze %dma_start3A_100 : memref<1x128xi32, #tpu.memory_space<vmem>> -> memref<128xi32, #tpu.memory_space<vmem>>
    %dma_start3A_102 = arith.constant 0 : i32
    %dma_start3A_103 = arith.constant 0 : i32
    %dma_start3A_104 = tpu.memref_slice %arg9[%dma_start3A_102, %dma_start3A_103] : memref<10240x64xf32, #tpu.memory_space<vmem_shared>> -> memref<10240x64xf32, #tpu.memory_space<vmem_shared>>
    tpu.enqueue_indirect_dma source(%dma_start3A_104 : memref<10240x64xf32, #tpu.memory_space<vmem_shared>>) target(%arg8 : memref<128x64xf32, #tpu.memory_space<vmem>>) offsets(%dma_start3A_101 : memref<128xi32, #tpu.memory_space<vmem>>) semaphore(%arg12 : memref<!tpu.dma_semaphore, #tpu.memory_space<semaphore_mem>>)
    %scan3A_105 = arith.constant 0 : i32
    %scan3A_106 = arith.constant 38 : i32
    %scan3A_107 = arith.addi %scan3A_105, %scan3A_106 : i32
    %scan3A_108 = arith.constant 1 : i32
    scf.for %scan3A_130 = %scan3A_105 to %scan3A_107 step %scan3A_108  : i32 {
      %mul3A_131 = arith.constant 2 : i32
      %mul3A_132 = arith.muli %scan3A_130, %mul3A_131 : i32
      %add3A_133 = arith.constant 0 : i32
      %add3A_134 = arith.addi %mul3A_132, %add3A_133 : i32
      %dma_wait3A_135 = arith.constant 0 : i32
      %dma_wait3A_136 = tpu.memref_slice %arg5[%add3A_134, %dma_wait3A_135] : memref<79x128xi32, #tpu.memory_space<vmem>> -> memref<1x128xi32, #tpu.memory_space<vmem>>
      %dma_wait3A_137 = tpu.memref_squeeze %dma_wait3A_136 : memref<1x128xi32, #tpu.memory_space<vmem>> -> memref<128xi32, #tpu.memory_space<vmem>>
      %dma_wait3A_138 = arith.constant 0 : i32
      %dma_wait3A_139 = arith.constant 0 : i32
      %dma_wait3A_140 = tpu.memref_slice %arg9[%dma_wait3A_138, %dma_wait3A_139] : memref<10240x64xf32, #tpu.memory_space<vmem_shared>> -> memref<10240x64xf32, #tpu.memory_space<vmem_shared>>
      tpu.wait_indirect_dma semaphore(%arg11 : memref<!tpu.dma_semaphore, #tpu.memory_space<semaphore_mem>>) src(%dma_wait3A_140 : memref<10240x64xf32, #tpu.memory_space<vmem_shared>>) dst(%arg7 : memref<128x64xf32, #tpu.memory_space<vmem>>)
      "tpu.region"() ({
        %run_scoped3A_167 = tpu.sem_alloc : memref<!tpu.dma_semaphore, #tpu.memory_space<semaphore_mem>>
        %dma_start3A_168 = arith.constant 0 : i32
        %dma_start3A_169 = tpu.memref_slice %arg6[%add3A_134, %dma_start3A_168] : memref<79x128xi32, #tpu.memory_space<vmem>> -> memref<1x128xi32, #tpu.memory_space<vmem>>
        %dma_start3A_170 = tpu.memref_squeeze %dma_start3A_169 : memref<1x128xi32, #tpu.memory_space<vmem>> -> memref<128xi32, #tpu.memory_space<vmem>>
        %dma_start3A_171 = arith.constant 0 : i32
        %dma_start3A_172 = arith.constant 0 : i32
        %dma_start3A_173 = tpu.memref_slice %arg10[%dma_start3A_171, %dma_start3A_172] : memref<10240x64xf32, #tpu.memory_space<vmem_shared>> -> memref<10240x64xf32, #tpu.memory_space<vmem_shared>>
        tpu.enqueue_indirect_dma source(%arg7 : memref<128x64xf32, #tpu.memory_space<vmem>>) target(%dma_start3A_173 : memref<10240x64xf32, #tpu.memory_space<vmem_shared>>) offsets(%dma_start3A_170 : memref<128xi32, #tpu.memory_space<vmem>>) semaphore(%run_scoped3A_167 : memref<!tpu.dma_semaphore, #tpu.memory_space<semaphore_mem>>) {add = true}
        %dma_wait3A_174 = arith.constant 0 : i32
        %dma_wait3A_175 = tpu.memref_slice %arg6[%add3A_134, %dma_wait3A_174] : memref<79x128xi32, #tpu.memory_space<vmem>> -> memref<1x128xi32, #tpu.memory_space<vmem>>
        %dma_wait3A_176 = tpu.memref_squeeze %dma_wait3A_175 : memref<1x128xi32, #tpu.memory_space<vmem>> -> memref<128xi32, #tpu.memory_space<vmem>>
        %dma_wait3A_177 = arith.constant 0 : i32
        %dma_wait3A_178 = arith.constant 0 : i32
        %dma_wait3A_179 = tpu.memref_slice %arg10[%dma_wait3A_177, %dma_wait3A_178] : memref<10240x64xf32, #tpu.memory_space<vmem_shared>> -> memref<10240x64xf32, #tpu.memory_space<vmem_shared>>
        tpu.wait_indirect_dma semaphore(%run_scoped3A_167 : memref<!tpu.dma_semaphore, #tpu.memory_space<semaphore_mem>>) src(%arg7 : memref<128x64xf32, #tpu.memory_space<vmem>>) dst(%dma_wait3A_179 : memref<10240x64xf32, #tpu.memory_space<vmem_shared>>)
        tpu.yield
      }) : () -> ()
      %add3A_141 = arith.constant 2 : i32
      %add3A_142 = arith.addi %add3A_134, %add3A_141 : i32
      %dma_start3A_143 = arith.constant 0 : i32
      %dma_start3A_144 = tpu.memref_slice %arg5[%add3A_142, %dma_start3A_143] : memref<79x128xi32, #tpu.memory_space<vmem>> -> memref<1x128xi32, #tpu.memory_space<vmem>>
      %dma_start3A_145 = tpu.memref_squeeze %dma_start3A_144 : memref<1x128xi32, #tpu.memory_space<vmem>> -> memref<128xi32, #tpu.memory_space<vmem>>
      %dma_start3A_146 = arith.constant 0 : i32
      %dma_start3A_147 = arith.constant 0 : i32
      %dma_start3A_148 = tpu.memref_slice %arg9[%dma_start3A_146, %dma_start3A_147] : memref<10240x64xf32, #tpu.memory_space<vmem_shared>> -> memref<10240x64xf32, #tpu.memory_space<vmem_shared>>
      tpu.enqueue_indirect_dma source(%dma_start3A_148 : memref<10240x64xf32, #tpu.memory_space<vmem_shared>>) target(%arg7 : memref<128x64xf32, #tpu.memory_space<vmem>>) offsets(%dma_start3A_145 : memref<128xi32, #tpu.memory_space<vmem>>) semaphore(%arg11 : memref<!tpu.dma_semaphore, #tpu.memory_space<semaphore_mem>>)
      %mul3A_149 = arith.constant 2 : i32
      %mul3A_150 = arith.muli %scan3A_130, %mul3A_149 : i32
      %add3A_151 = arith.constant 1 : i32
      %add3A_152 = arith.addi %mul3A_150, %add3A_151 : i32
      %dma_wait3A_153 = arith.constant 0 : i32
      %dma_wait3A_154 = tpu.memref_slice %arg5[%add3A_152, %dma_wait3A_153] : memref<79x128xi32, #tpu.memory_space<vmem>> -> memref<1x128xi32, #tpu.memory_space<vmem>>
      %dma_wait3A_155 = tpu.memref_squeeze %dma_wait3A_154 : memref<1x128xi32, #tpu.memory_space<vmem>> -> memref<128xi32, #tpu.memory_space<vmem>>
      %dma_wait3A_156 = arith.constant 0 : i32
      %dma_wait3A_157 = arith.constant 0 : i32
      %dma_wait3A_158 = tpu.memref_slice %arg9[%dma_wait3A_156, %dma_wait3A_157] : memref<10240x64xf32, #tpu.memory_space<vmem_shared>> -> memref<10240x64xf32, #tpu.memory_space<vmem_shared>>
      tpu.wait_indirect_dma semaphore(%arg12 : memref<!tpu.dma_semaphore, #tpu.memory_space<semaphore_mem>>) src(%dma_wait3A_158 : memref<10240x64xf32, #tpu.memory_space<vmem_shared>>) dst(%arg8 : memref<128x64xf32, #tpu.memory_space<vmem>>)
      "tpu.region"() ({
        %run_scoped3A_167 = tpu.sem_alloc : memref<!tpu.dma_semaphore, #tpu.memory_space<semaphore_mem>>
        %dma_start3A_168 = arith.constant 0 : i32
        %dma_start3A_169 = tpu.memref_slice %arg6[%add3A_152, %dma_start3A_168] : memref<79x128xi32, #tpu.memory_space<vmem>> -> memref<1x128xi32, #tpu.memory_space<vmem>>
        %dma_start3A_170 = tpu.memref_squeeze %dma_start3A_169 : memref<1x128xi32, #tpu.memory_space<vmem>> -> memref<128xi32, #tpu.memory_space<vmem>>
        %dma_start3A_171 = arith.constant 0 : i32
        %dma_start3A_172 = arith.constant 0 : i32
        %dma_start3A_173 = tpu.memref_slice %arg10[%dma_start3A_171, %dma_start3A_172] : memref<10240x64xf32, #tpu.memory_space<vmem_shared>> -> memref<10240x64xf32, #tpu.memory_space<vmem_shared>>
        tpu.enqueue_indirect_dma source(%arg8 : memref<128x64xf32, #tpu.memory_space<vmem>>) target(%dma_start3A_173 : memref<10240x64xf32, #tpu.memory_space<vmem_shared>>) offsets(%dma_start3A_170 : memref<128xi32, #tpu.memory_space<vmem>>) semaphore(%run_scoped3A_167 : memref<!tpu.dma_semaphore, #tpu.memory_space<semaphore_mem>>) {add = true}
        %dma_wait3A_174 = arith.constant 0 : i32
        %dma_wait3A_175 = tpu.memref_slice %arg6[%add3A_152, %dma_wait3A_174] : memref<79x128xi32, #tpu.memory_space<vmem>> -> memref<1x128xi32, #tpu.memory_space<vmem>>
        %dma_wait3A_176 = tpu.memref_squeeze %dma_wait3A_175 : memref<1x128xi32, #tpu.memory_space<vmem>> -> memref<128xi32, #tpu.memory_space<vmem>>
        %dma_wait3A_177 = arith.constant 0 : i32
        %dma_wait3A_178 = arith.constant 0 : i32
        %dma_wait3A_179 = tpu.memref_slice %arg10[%dma_wait3A_177, %dma_wait3A_178] : memref<10240x64xf32, #tpu.memory_space<vmem_shared>> -> memref<10240x64xf32, #tpu.memory_space<vmem_shared>>
        tpu.wait_indirect_dma semaphore(%run_scoped3A_167 : memref<!tpu.dma_semaphore, #tpu.memory_space<semaphore_mem>>) src(%arg8 : memref<128x64xf32, #tpu.memory_space<vmem>>) dst(%dma_wait3A_179 : memref<10240x64xf32, #tpu.memory_space<vmem_shared>>)
        tpu.yield
      }) : () -> ()
      %add3A_159 = arith.constant 2 : i32
      %add3A_160 = arith.addi %add3A_152, %add3A_159 : i32
      %dma_start3A_161 = arith.constant 0 : i32
      %dma_start3A_162 = tpu.memref_slice %arg5[%add3A_160, %dma_start3A_161] : memref<79x128xi32, #tpu.memory_space<vmem>> -> memref<1x128xi32, #tpu.memory_space<vmem>>
      %dma_start3A_163 = tpu.memref_squeeze %dma_start3A_162 : memref<1x128xi32, #tpu.memory_space<vmem>> -> memref<128xi32, #tpu.memory_space<vmem>>
      %dma_start3A_164 = arith.constant 0 : i32
      %dma_start3A_165 = arith.constant 0 : i32
      %dma_start3A_166 = tpu.memref_slice %arg9[%dma_start3A_164, %dma_start3A_165] : memref<10240x64xf32, #tpu.memory_space<vmem_shared>> -> memref<10240x64xf32, #tpu.memory_space<vmem_shared>>
      tpu.enqueue_indirect_dma source(%dma_start3A_166 : memref<10240x64xf32, #tpu.memory_space<vmem_shared>>) target(%arg8 : memref<128x64xf32, #tpu.memory_space<vmem>>) offsets(%dma_start3A_163 : memref<128xi32, #tpu.memory_space<vmem>>) semaphore(%arg12 : memref<!tpu.dma_semaphore, #tpu.memory_space<semaphore_mem>>)
    }
    %scan3A_109 = arith.constant 38 : i32
    %dma_wait3A_110 = arith.constant 76 : i32
    %dma_wait3A_111 = arith.constant 0 : i32
    %dma_wait3A_112 = tpu.memref_slice %arg5[%dma_wait3A_110, %dma_wait3A_111] : memref<79x128xi32, #tpu.memory_space<vmem>> -> memref<1x128xi32, #tpu.memory_space<vmem>>
    %dma_wait3A_113 = tpu.memref_squeeze %dma_wait3A_112 : memref<1x128xi32, #tpu.memory_space<vmem>> -> memref<128xi32, #tpu.memory_space<vmem>>
    %dma_wait3A_114 = arith.constant 0 : i32
    %dma_wait3A_115 = arith.constant 0 : i32
    %dma_wait3A_116 = tpu.memref_slice %arg9[%dma_wait3A_114, %dma_wait3A_115] : memref<10240x64xf32, #tpu.memory_space<vmem_shared>> -> memref<10240x64xf32, #tpu.memory_space<vmem_shared>>
    tpu.wait_indirect_dma semaphore(%arg11 : memref<!tpu.dma_semaphore, #tpu.memory_space<semaphore_mem>>) src(%dma_wait3A_116 : memref<10240x64xf32, #tpu.memory_space<vmem_shared>>) dst(%arg7 : memref<128x64xf32, #tpu.memory_space<vmem>>)
    %run_scoped3A = arith.constant 76 : i32
    "tpu.region"() ({
      %run_scoped3A_130 = tpu.sem_alloc : memref<!tpu.dma_semaphore, #tpu.memory_space<semaphore_mem>>
      %dma_start3A_131 = arith.constant 0 : i32
      %dma_start3A_132 = tpu.memref_slice %arg6[%run_scoped3A, %dma_start3A_131] : memref<79x128xi32, #tpu.memory_space<vmem>> -> memref<1x128xi32, #tpu.memory_space<vmem>>
      %dma_start3A_133 = tpu.memref_squeeze %dma_start3A_132 : memref<1x128xi32, #tpu.memory_space<vmem>> -> memref<128xi32, #tpu.memory_space<vmem>>
      %dma_start3A_134 = arith.constant 0 : i32
      %dma_start3A_135 = arith.constant 0 : i32
      %dma_start3A_136 = tpu.memref_slice %arg10[%dma_start3A_134, %dma_start3A_135] : memref<10240x64xf32, #tpu.memory_space<vmem_shared>> -> memref<10240x64xf32, #tpu.memory_space<vmem_shared>>
      tpu.enqueue_indirect_dma source(%arg7 : memref<128x64xf32, #tpu.memory_space<vmem>>) target(%dma_start3A_136 : memref<10240x64xf32, #tpu.memory_space<vmem_shared>>) offsets(%dma_start3A_133 : memref<128xi32, #tpu.memory_space<vmem>>) semaphore(%run_scoped3A_130 : memref<!tpu.dma_semaphore, #tpu.memory_space<semaphore_mem>>) {add = true}
      %dma_wait3A_137 = arith.constant 0 : i32
      %dma_wait3A_138 = tpu.memref_slice %arg6[%run_scoped3A, %dma_wait3A_137] : memref<79x128xi32, #tpu.memory_space<vmem>> -> memref<1x128xi32, #tpu.memory_space<vmem>>
      %dma_wait3A_139 = tpu.memref_squeeze %dma_wait3A_138 : memref<1x128xi32, #tpu.memory_space<vmem>> -> memref<128xi32, #tpu.memory_space<vmem>>
      %dma_wait3A_140 = arith.constant 0 : i32
      %dma_wait3A_141 = arith.constant 0 : i32
      %dma_wait3A_142 = tpu.memref_slice %arg10[%dma_wait3A_140, %dma_wait3A_141] : memref<10240x64xf32, #tpu.memory_space<vmem_shared>> -> memref<10240x64xf32, #tpu.memory_space<vmem_shared>>
      tpu.wait_indirect_dma semaphore(%run_scoped3A_130 : memref<!tpu.dma_semaphore, #tpu.memory_space<semaphore_mem>>) src(%arg7 : memref<128x64xf32, #tpu.memory_space<vmem>>) dst(%dma_wait3A_142 : memref<10240x64xf32, #tpu.memory_space<vmem_shared>>)
      tpu.yield
    }) : () -> ()
    %dma_wait3A_117 = arith.constant 77 : i32
    %dma_wait3A_118 = arith.constant 0 : i32
    %dma_wait3A_119 = tpu.memref_slice %arg5[%dma_wait3A_117, %dma_wait3A_118] : memref<79x128xi32, #tpu.memory_space<vmem>> -> memref<1x128xi32, #tpu.memory_space<vmem>>
    %dma_wait3A_120 = tpu.memref_squeeze %dma_wait3A_119 : memref<1x128xi32, #tpu.memory_space<vmem>> -> memref<128xi32, #tpu.memory_space<vmem>>
    %dma_wait3A_121 = arith.constant 0 : i32
    %dma_wait3A_122 = arith.constant 0 : i32
    %dma_wait3A_123 = tpu.memref_slice %arg9[%dma_wait3A_121, %dma_wait3A_122] : memref<10240x64xf32, #tpu.memory_space<vmem_shared>> -> memref<10240x64xf32, #tpu.memory_space<vmem_shared>>
    tpu.wait_indirect_dma semaphore(%arg12 : memref<!tpu.dma_semaphore, #tpu.memory_space<semaphore_mem>>) src(%dma_wait3A_123 : memref<10240x64xf32, #tpu.memory_space<vmem_shared>>) dst(%arg8 : memref<128x64xf32, #tpu.memory_space<vmem>>)
    %run_scoped3A_124 = arith.constant 77 : i32
    "tpu.region"() ({
      %run_scoped3A_130 = tpu.sem_alloc : memref<!tpu.dma_semaphore, #tpu.memory_space<semaphore_mem>>
      %dma_start3A_131 = arith.constant 0 : i32
      %dma_start3A_132 = tpu.memref_slice %arg6[%run_scoped3A_124, %dma_start3A_131] : memref<79x128xi32, #tpu.memory_space<vmem>> -> memref<1x128xi32, #tpu.memory_space<vmem>>
      %dma_start3A_133 = tpu.memref_squeeze %dma_start3A_132 : memref<1x128xi32, #tpu.memory_space<vmem>> -> memref<128xi32, #tpu.memory_space<vmem>>
      %dma_start3A_134 = arith.constant 0 : i32
      %dma_start3A_135 = arith.constant 0 : i32
      %dma_start3A_136 = tpu.memref_slice %arg10[%dma_start3A_134, %dma_start3A_135] : memref<10240x64xf32, #tpu.memory_space<vmem_shared>> -> memref<10240x64xf32, #tpu.memory_space<vmem_shared>>
      tpu.enqueue_indirect_dma source(%arg8 : memref<128x64xf32, #tpu.memory_space<vmem>>) target(%dma_start3A_136 : memref<10240x64xf32, #tpu.memory_space<vmem_shared>>) offsets(%dma_start3A_133 : memref<128xi32, #tpu.memory_space<vmem>>) semaphore(%run_scoped3A_130 : memref<!tpu.dma_semaphore, #tpu.memory_space<semaphore_mem>>) {add = true}
      %dma_wait3A_137 = arith.constant 0 : i32
      %dma_wait3A_138 = tpu.memref_slice %arg6[%run_scoped3A_124, %dma_wait3A_137] : memref<79x128xi32, #tpu.memory_space<vmem>> -> memref<1x128xi32, #tpu.memory_space<vmem>>
      %dma_wait3A_139 = tpu.memref_squeeze %dma_wait3A_138 : memref<1x128xi32, #tpu.memory_space<vmem>> -> memref<128xi32, #tpu.memory_space<vmem>>
      %dma_wait3A_140 = arith.constant 0 : i32
      %dma_wait3A_141 = arith.constant 0 : i32
      %dma_wait3A_142 = tpu.memref_slice %arg10[%dma_wait3A_140, %dma_wait3A_141] : memref<10240x64xf32, #tpu.memory_space<vmem_shared>> -> memref<10240x64xf32, #tpu.memory_space<vmem_shared>>
      tpu.wait_indirect_dma semaphore(%run_scoped3A_130 : memref<!tpu.dma_semaphore, #tpu.memory_space<semaphore_mem>>) src(%arg8 : memref<128x64xf32, #tpu.memory_space<vmem>>) dst(%dma_wait3A_142 : memref<10240x64xf32, #tpu.memory_space<vmem_shared>>)
      tpu.yield
    }) : () -> ()
    %barrier3A_125 = arith.constant 0 : index
    tpu.barrier barrier_id(%barrier3A_125)
    %mul3A_126 = arith.constant 640 : i32
    %mul3A_127 = arith.muli %arg1, %mul3A_126 : i32
    %mul3A_128 = arith.constant 640 : i32
    %mul3A_129 = arith.muli %arg1, %mul3A_128 : i32
    "tpu.region"() ({
      %run_scoped3A_130 = tpu.sem_alloc : memref<!tpu.dma_semaphore, #tpu.memory_space<semaphore_mem>>
      %dma_start3A_131 = arith.constant 0 : i32
      %dma_start3A_132 = tpu.memref_slice %arg4[%arg0, %mul3A_129, %dma_start3A_131] : memref<2x10240x64xf32, #tpu.memory_space<hbm>> -> memref<1x640x64xf32, #tpu.memory_space<hbm>>
      %dma_start3A_133 = tpu.memref_squeeze %dma_start3A_132 : memref<1x640x64xf32, #tpu.memory_space<hbm>> -> memref<640x64xf32, #tpu.memory_space<hbm>>
      %dma_start3A_134 = arith.constant 0 : i32
      %dma_start3A_135 = tpu.memref_slice %arg10[%mul3A_127, %dma_start3A_134] : memref<10240x64xf32, #tpu.memory_space<vmem_shared>> -> memref<640x64xf32, #tpu.memory_space<vmem_shared>>
      tpu.enqueue_dma source(%dma_start3A_135 : memref<640x64xf32, #tpu.memory_space<vmem_shared>>) target(%dma_start3A_133 : memref<640x64xf32, #tpu.memory_space<hbm>>) target_semaphore(%run_scoped3A_130 : memref<!tpu.dma_semaphore, #tpu.memory_space<semaphore_mem>>)
      %dma_wait3A_136 = arith.constant 0 : i32
      %dma_wait3A_137 = tpu.memref_slice %arg4[%arg0, %mul3A_129, %dma_wait3A_136] : memref<2x10240x64xf32, #tpu.memory_space<hbm>> -> memref<1x640x64xf32, #tpu.memory_space<hbm>>
      %dma_wait3A_138 = tpu.memref_squeeze %dma_wait3A_137 : memref<1x640x64xf32, #tpu.memory_space<hbm>> -> memref<640x64xf32, #tpu.memory_space<hbm>>
      %dma_wait3A_139 = arith.constant 0 : i32
      %dma_wait3A_140 = tpu.memref_slice %arg10[%mul3A_127, %dma_wait3A_139] : memref<10240x64xf32, #tpu.memory_space<vmem_shared>> -> memref<640x64xf32, #tpu.memory_space<vmem_shared>>
      tpu.wait_dma2 semaphore(%run_scoped3A_130 : memref<!tpu.dma_semaphore, #tpu.memory_space<semaphore_mem>>) src(%dma_wait3A_140 : memref<640x64xf32, #tpu.memory_space<vmem_shared>>) dst(%dma_wait3A_138 : memref<640x64xf32, #tpu.memory_space<hbm>>)
      tpu.yield
    }) : () -> ()
    return
  }
}

#map = affine_map<(d0, d1) -> (0, 0, 0)>
module attributes {stable_mosaic.version = 14 : i64} {
  func.func @_deg_kernel(%arg0: i32, %arg1: i32, %arg2: memref<2x2500x128xi32, #tpu.memory_space<hbm>>, %arg3: memref<2x10240x16xf32, #tpu.memory_space<hbm>>, %arg4: memref<79x128xi32, #tpu.memory_space<vmem>>, %arg5: memref<128x16xf32, #tpu.memory_space<vmem>>, %arg6: memref<128x16xf32, #tpu.memory_space<vmem>>, %arg7: memref<10240x16xf32, #tpu.memory_space<vmem_shared>>) attributes {dimension_semantics = [#tpu.dimension_semantics<core_parallel>, #tpu.dimension_semantics<subcore_parallel>], iteration_bounds = array<i64: 2, 16>, scalar_prefetch = 0 : i64, scratch_operands = 4 : i64, tpu.core_type = #tpu.core_type<sc_vector_subcore>, window_params = [{transform_indices = #map}, {transform_indices = #map}]} {
    %mul3A = arith.constant 2 : i32
    %mul3A_0 = arith.muli %arg1, %mul3A : i32
    %add3A = arith.addi %mul3A_0, %arg0 : i32
    %lt3A = arith.constant 4 : i32
    %lt3A_1 = arith.cmpi slt, %add3A, %lt3A : i32
    %mul3A_2 = arith.constant 79 : i32
    %mul3A_3 = arith.muli %add3A, %mul3A_2 : i32
    %mul3A_4 = arith.constant 78 : i32
    %mul3A_5 = arith.muli %add3A, %mul3A_4 : i32
    %add3A_6 = arith.constant 4 : i32
    %add3A_7 = arith.addi %mul3A_5, %add3A_6 : i32
    %select_n3A = arith.select %lt3A_1, %mul3A_3, %add3A_7 : i32
    %scan3A = arith.constant 0 : i32
    %scan3A_8 = arith.constant 128 : i32
    %scan3A_9 = arith.addi %scan3A, %scan3A_8 : i32
    %scan3A_10 = arith.constant 1 : i32
    scf.for %scan3A_30 = %scan3A to %scan3A_9 step %scan3A_10  : i32 {
      %broadcast_in_dim3A = arith.constant 1.000000e+00 : f32
      %broadcast_in_dim3A_31 = vector.broadcast %broadcast_in_dim3A : f32 to vector<16xf32>
      %swap3A = arith.index_cast %scan3A_30 : i32 to index
      %swap3A_32 = arith.constant 0 : index
      %swap3A_33 = tpu.vector_load %arg5[%swap3A, %swap3A_32] {strides = array<i32>} : memref<128x16xf32, #tpu.memory_space<vmem>>, vector<1x16xf32>,
      %swap3A_34 = vector.shape_cast %swap3A_33 : vector<1x16xf32> to vector<16xf32>
      %swap3A_35 = vector.shape_cast %broadcast_in_dim3A_31 : vector<16xf32> to vector<1x16xf32>
      tpu.vector_store %arg5[%swap3A, %swap3A_32], %swap3A_35 {strides = array<i32>} : memref<128x16xf32, #tpu.memory_space<vmem>>, vector<1x16xf32>,
      %broadcast_in_dim3A_36 = arith.constant 0.000000e+00 : f32
      %broadcast_in_dim3A_37 = vector.broadcast %broadcast_in_dim3A_36 : f32 to vector<16xf32>
      %swap3A_38 = arith.index_cast %scan3A_30 : i32 to index
      %swap3A_39 = arith.constant 0 : index
      %swap3A_40 = tpu.vector_load %arg6[%swap3A_38, %swap3A_39] {strides = array<i32>} : memref<128x16xf32, #tpu.memory_space<vmem>>, vector<1x16xf32>,
      %swap3A_41 = vector.shape_cast %swap3A_40 : vector<1x16xf32> to vector<16xf32>
      %swap3A_42 = vector.shape_cast %broadcast_in_dim3A_37 : vector<16xf32> to vector<1x16xf32>
      tpu.vector_store %arg6[%swap3A_38, %swap3A_39], %swap3A_42 {strides = array<i32>} : memref<128x16xf32, #tpu.memory_space<vmem>>, vector<1x16xf32>,
    }
    %scan3A_11 = arith.constant 128 : i32
    %scan3A_12 = arith.constant 0 : i32
    %scan3A_13 = arith.constant 5 : i32
    %scan3A_14 = arith.addi %scan3A_12, %scan3A_13 : i32
    %scan3A_15 = arith.constant 1 : i32
    scf.for %scan3A_30 = %scan3A_12 to %scan3A_14 step %scan3A_15  : i32 {
      %mul3A_31 = arith.constant 640 : i32
      %mul3A_32 = arith.muli %arg1, %mul3A_31 : i32
      %mul3A_33 = arith.constant 128 : i32
      %mul3A_34 = arith.muli %scan3A_30, %mul3A_33 : i32
      %add3A_35 = arith.addi %mul3A_32, %mul3A_34 : i32
      "tpu.region"() ({
        %run_scoped3A_36 = tpu.sem_alloc : memref<!tpu.dma_semaphore, #tpu.memory_space<semaphore_mem>>
        %dma_start3A = arith.constant 0 : i32
        %dma_start3A_37 = tpu.memref_slice %arg7[%add3A_35, %dma_start3A] : memref<10240x16xf32, #tpu.memory_space<vmem_shared>> -> memref<128x16xf32, #tpu.memory_space<vmem_shared>>
        %dma_start3A_38 = arith.constant 0 : i32
        %dma_start3A_39 = tpu.memref_slice %arg7[%add3A_35, %dma_start3A_38] : memref<10240x16xf32, #tpu.memory_space<vmem_shared>> -> memref<128x16xf32, #tpu.memory_space<vmem_shared>>
        tpu.enqueue_dma source(%arg6 : memref<128x16xf32, #tpu.memory_space<vmem>>) target(%dma_start3A_39 : memref<128x16xf32, #tpu.memory_space<vmem_shared>>) target_semaphore(%run_scoped3A_36 : memref<!tpu.dma_semaphore, #tpu.memory_space<semaphore_mem>>)
        %dma_wait3A = arith.constant 0 : i32
        %dma_wait3A_40 = tpu.memref_slice %arg7[%add3A_35, %dma_wait3A] : memref<10240x16xf32, #tpu.memory_space<vmem_shared>> -> memref<128x16xf32, #tpu.memory_space<vmem_shared>>
        %dma_wait3A_41 = arith.constant 0 : i32
        %dma_wait3A_42 = tpu.memref_slice %arg7[%add3A_35, %dma_wait3A_41] : memref<10240x16xf32, #tpu.memory_space<vmem_shared>> -> memref<128x16xf32, #tpu.memory_space<vmem_shared>>
        tpu.wait_dma2 semaphore(%run_scoped3A_36 : memref<!tpu.dma_semaphore, #tpu.memory_space<semaphore_mem>>) src(%arg6 : memref<128x16xf32, #tpu.memory_space<vmem>>) dst(%dma_wait3A_42 : memref<128x16xf32, #tpu.memory_space<vmem_shared>>)
        tpu.yield
      }) : () -> ()
    }
    %scan3A_16 = arith.constant 5 : i32
    %barrier3A = arith.constant 0 : index
    tpu.barrier barrier_id(%barrier3A)
    %run_scoped3A = arith.constant 1 : i32
    "tpu.region"() ({
      %run_scoped3A_30 = tpu.sem_alloc : memref<!tpu.dma_semaphore, #tpu.memory_space<semaphore_mem>>
      %dma_start3A = arith.constant 0 : i32
      %dma_start3A_31 = arith.constant 0 : i32
      %dma_start3A_32 = tpu.memref_slice %arg4[%dma_start3A, %dma_start3A_31] : memref<79x128xi32, #tpu.memory_space<vmem>> -> memref<78x128xi32, #tpu.memory_space<vmem>>
      %dma_start3A_33 = arith.constant 0 : i32
      %dma_start3A_34 = tpu.memref_slice %arg2[%run_scoped3A, %select_n3A, %dma_start3A_33] : memref<2x2500x128xi32, #tpu.memory_space<hbm>> -> memref<1x78x128xi32, #tpu.memory_space<hbm>>
      %dma_start3A_35 = tpu.memref_squeeze %dma_start3A_34 : memref<1x78x128xi32, #tpu.memory_space<hbm>> -> memref<78x128xi32, #tpu.memory_space<hbm>>
      %dma_start3A_36 = arith.constant 0 : i32
      %dma_start3A_37 = arith.constant 0 : i32
      %dma_start3A_38 = tpu.memref_slice %arg4[%dma_start3A_36, %dma_start3A_37] : memref<79x128xi32, #tpu.memory_space<vmem>> -> memref<78x128xi32, #tpu.memory_space<vmem>>
      %dma_start3A_39 = arith.constant 0 : i32
      %dma_start3A_40 = tpu.memref_slice %arg2[%run_scoped3A, %select_n3A, %dma_start3A_39] : memref<2x2500x128xi32, #tpu.memory_space<hbm>> -> memref<1x78x128xi32, #tpu.memory_space<hbm>>
      %dma_start3A_41 = tpu.memref_squeeze %dma_start3A_40 : memref<1x78x128xi32, #tpu.memory_space<hbm>> -> memref<78x128xi32, #tpu.memory_space<hbm>>
      tpu.enqueue_dma source(%dma_start3A_41 : memref<78x128xi32, #tpu.memory_space<hbm>>) target(%dma_start3A_38 : memref<78x128xi32, #tpu.memory_space<vmem>>) target_semaphore(%run_scoped3A_30 : memref<!tpu.dma_semaphore, #tpu.memory_space<semaphore_mem>>)
      %dma_wait3A = arith.constant 0 : i32
      %dma_wait3A_42 = arith.constant 0 : i32
      %dma_wait3A_43 = tpu.memref_slice %arg4[%dma_wait3A, %dma_wait3A_42] : memref<79x128xi32, #tpu.memory_space<vmem>> -> memref<78x128xi32, #tpu.memory_space<vmem>>
      %dma_wait3A_44 = arith.constant 0 : i32
      %dma_wait3A_45 = tpu.memref_slice %arg2[%run_scoped3A, %select_n3A, %dma_wait3A_44] : memref<2x2500x128xi32, #tpu.memory_space<hbm>> -> memref<1x78x128xi32, #tpu.memory_space<hbm>>
      %dma_wait3A_46 = tpu.memref_squeeze %dma_wait3A_45 : memref<1x78x128xi32, #tpu.memory_space<hbm>> -> memref<78x128xi32, #tpu.memory_space<hbm>>
      %dma_wait3A_47 = arith.constant 0 : i32
      %dma_wait3A_48 = arith.constant 0 : i32
      %dma_wait3A_49 = tpu.memref_slice %arg4[%dma_wait3A_47, %dma_wait3A_48] : memref<79x128xi32, #tpu.memory_space<vmem>> -> memref<78x128xi32, #tpu.memory_space<vmem>>
      %dma_wait3A_50 = arith.constant 0 : i32
      %dma_wait3A_51 = tpu.memref_slice %arg2[%run_scoped3A, %select_n3A, %dma_wait3A_50] : memref<2x2500x128xi32, #tpu.memory_space<hbm>> -> memref<1x78x128xi32, #tpu.memory_space<hbm>>
      %dma_wait3A_52 = tpu.memref_squeeze %dma_wait3A_51 : memref<1x78x128xi32, #tpu.memory_space<hbm>> -> memref<78x128xi32, #tpu.memory_space<hbm>>
      tpu.wait_dma2 semaphore(%run_scoped3A_30 : memref<!tpu.dma_semaphore, #tpu.memory_space<semaphore_mem>>) src(%dma_wait3A_52 : memref<78x128xi32, #tpu.memory_space<hbm>>) dst(%dma_wait3A_49 : memref<78x128xi32, #tpu.memory_space<vmem>>)
      tpu.yield
    }) : () -> ()
    %lt3A_17 = arith.constant 4 : i32
    %lt3A_18 = arith.cmpi slt, %add3A, %lt3A_17 : i32
    %convert_element_type3A = arith.extui %lt3A_18 : i1 to i32
    %cond3A = arith.constant 0 : i32
    %cond3A_19 = arith.cmpi ne, %convert_element_type3A, %cond3A : i32
    scf.if %cond3A_19 {
      %add3A_30 = arith.constant 78 : i32
      %add3A_31 = arith.addi %select_n3A, %add3A_30 : i32
      %run_scoped3A_32 = arith.constant 1 : i32
      "tpu.region"() ({
        %run_scoped3A_34 = tpu.sem_alloc : memref<!tpu.dma_semaphore, #tpu.memory_space<semaphore_mem>>
        %dma_start3A = arith.constant 78 : i32
        %dma_start3A_35 = arith.constant 0 : i32
        %dma_start3A_36 = tpu.memref_slice %arg4[%dma_start3A, %dma_start3A_35] : memref<79x128xi32, #tpu.memory_space<vmem>> -> memref<1x128xi32, #tpu.memory_space<vmem>>
        %dma_start3A_37 = arith.constant 0 : i32
        %dma_start3A_38 = tpu.memref_slice %arg2[%run_scoped3A_32, %add3A_31, %dma_start3A_37] : memref<2x2500x128xi32, #tpu.memory_space<hbm>> -> memref<1x1x128xi32, #tpu.memory_space<hbm>>
        %dma_start3A_39 = tpu.memref_squeeze %dma_start3A_38 : memref<1x1x128xi32, #tpu.memory_space<hbm>> -> memref<1x128xi32, #tpu.memory_space<hbm>>
        %dma_start3A_40 = arith.constant 78 : i32
        %dma_start3A_41 = arith.constant 0 : i32
        %dma_start3A_42 = tpu.memref_slice %arg4[%dma_start3A_40, %dma_start3A_41] : memref<79x128xi32, #tpu.memory_space<vmem>> -> memref<1x128xi32, #tpu.memory_space<vmem>>
        %dma_start3A_43 = arith.constant 0 : i32
        %dma_start3A_44 = tpu.memref_slice %arg2[%run_scoped3A_32, %add3A_31, %dma_start3A_43] : memref<2x2500x128xi32, #tpu.memory_space<hbm>> -> memref<1x1x128xi32, #tpu.memory_space<hbm>>
        %dma_start3A_45 = tpu.memref_squeeze %dma_start3A_44 : memref<1x1x128xi32, #tpu.memory_space<hbm>> -> memref<1x128xi32, #tpu.memory_space<hbm>>
        tpu.enqueue_dma source(%dma_start3A_45 : memref<1x128xi32, #tpu.memory_space<hbm>>) target(%dma_start3A_42 : memref<1x128xi32, #tpu.memory_space<vmem>>) target_semaphore(%run_scoped3A_34 : memref<!tpu.dma_semaphore, #tpu.memory_space<semaphore_mem>>)
        %dma_wait3A = arith.constant 78 : i32
        %dma_wait3A_46 = arith.constant 0 : i32
        %dma_wait3A_47 = tpu.memref_slice %arg4[%dma_wait3A, %dma_wait3A_46] : memref<79x128xi32, #tpu.memory_space<vmem>> -> memref<1x128xi32, #tpu.memory_space<vmem>>
        %dma_wait3A_48 = arith.constant 0 : i32
        %dma_wait3A_49 = tpu.memref_slice %arg2[%run_scoped3A_32, %add3A_31, %dma_wait3A_48] : memref<2x2500x128xi32, #tpu.memory_space<hbm>> -> memref<1x1x128xi32, #tpu.memory_space<hbm>>
        %dma_wait3A_50 = tpu.memref_squeeze %dma_wait3A_49 : memref<1x1x128xi32, #tpu.memory_space<hbm>> -> memref<1x128xi32, #tpu.memory_space<hbm>>
        %dma_wait3A_51 = arith.constant 78 : i32
        %dma_wait3A_52 = arith.constant 0 : i32
        %dma_wait3A_53 = tpu.memref_slice %arg4[%dma_wait3A_51, %dma_wait3A_52] : memref<79x128xi32, #tpu.memory_space<vmem>> -> memref<1x128xi32, #tpu.memory_space<vmem>>
        %dma_wait3A_54 = arith.constant 0 : i32
        %dma_wait3A_55 = tpu.memref_slice %arg2[%run_scoped3A_32, %add3A_31, %dma_wait3A_54] : memref<2x2500x128xi32, #tpu.memory_space<hbm>> -> memref<1x1x128xi32, #tpu.memory_space<hbm>>
        %dma_wait3A_56 = tpu.memref_squeeze %dma_wait3A_55 : memref<1x1x128xi32, #tpu.memory_space<hbm>> -> memref<1x128xi32, #tpu.memory_space<hbm>>
        tpu.wait_dma2 semaphore(%run_scoped3A_34 : memref<!tpu.dma_semaphore, #tpu.memory_space<semaphore_mem>>) src(%dma_wait3A_56 : memref<1x128xi32, #tpu.memory_space<hbm>>) dst(%dma_wait3A_53 : memref<1x128xi32, #tpu.memory_space<vmem>>)
        tpu.yield
      }) : () -> ()
      %run_scoped3A_33 = arith.constant 78 : i32
      "tpu.region"() ({
        %run_scoped3A_34 = tpu.sem_alloc : memref<!tpu.dma_semaphore, #tpu.memory_space<semaphore_mem>>
        %dma_start3A = arith.constant 0 : i32
        %dma_start3A_35 = tpu.memref_slice %arg4[%run_scoped3A_33, %dma_start3A] : memref<79x128xi32, #tpu.memory_space<vmem>> -> memref<1x128xi32, #tpu.memory_space<vmem>>
        %dma_start3A_36 = tpu.memref_squeeze %dma_start3A_35 : memref<1x128xi32, #tpu.memory_space<vmem>> -> memref<128xi32, #tpu.memory_space<vmem>>
        %dma_start3A_37 = arith.constant 0 : i32
        %dma_start3A_38 = arith.constant 0 : i32
        %dma_start3A_39 = tpu.memref_slice %arg7[%dma_start3A_37, %dma_start3A_38] : memref<10240x16xf32, #tpu.memory_space<vmem_shared>> -> memref<10240x16xf32, #tpu.memory_space<vmem_shared>>
        tpu.enqueue_indirect_dma source(%arg5 : memref<128x16xf32, #tpu.memory_space<vmem>>) target(%dma_start3A_39 : memref<10240x16xf32, #tpu.memory_space<vmem_shared>>) offsets(%dma_start3A_36 : memref<128xi32, #tpu.memory_space<vmem>>) semaphore(%run_scoped3A_34 : memref<!tpu.dma_semaphore, #tpu.memory_space<semaphore_mem>>) {add = true}
        %dma_wait3A = arith.constant 0 : i32
        %dma_wait3A_40 = tpu.memref_slice %arg4[%run_scoped3A_33, %dma_wait3A] : memref<79x128xi32, #tpu.memory_space<vmem>> -> memref<1x128xi32, #tpu.memory_space<vmem>>
        %dma_wait3A_41 = tpu.memref_squeeze %dma_wait3A_40 : memref<1x128xi32, #tpu.memory_space<vmem>> -> memref<128xi32, #tpu.memory_space<vmem>>
        %dma_wait3A_42 = arith.constant 0 : i32
        %dma_wait3A_43 = arith.constant 0 : i32
        %dma_wait3A_44 = tpu.memref_slice %arg7[%dma_wait3A_42, %dma_wait3A_43] : memref<10240x16xf32, #tpu.memory_space<vmem_shared>> -> memref<10240x16xf32, #tpu.memory_space<vmem_shared>>
        tpu.wait_indirect_dma semaphore(%run_scoped3A_34 : memref<!tpu.dma_semaphore, #tpu.memory_space<semaphore_mem>>) src(%arg5 : memref<128x16xf32, #tpu.memory_space<vmem>>) dst(%dma_wait3A_44 : memref<10240x16xf32, #tpu.memory_space<vmem_shared>>)
        tpu.yield
      }) : () -> ()
    } else {
    }
    %scan3A_20 = arith.constant 0 : i32
    %scan3A_21 = arith.constant 78 : i32
    %scan3A_22 = arith.addi %scan3A_20, %scan3A_21 : i32
    %scan3A_23 = arith.constant 1 : i32
    scf.for %scan3A_30 = %scan3A_20 to %scan3A_22 step %scan3A_23  : i32 {
      "tpu.region"() ({
        %run_scoped3A_31 = tpu.sem_alloc : memref<!tpu.dma_semaphore, #tpu.memory_space<semaphore_mem>>
        %dma_start3A = arith.constant 0 : i32
        %dma_start3A_32 = tpu.memref_slice %arg4[%scan3A_30, %dma_start3A] : memref<79x128xi32, #tpu.memory_space<vmem>> -> memref<1x128xi32, #tpu.memory_space<vmem>>
        %dma_start3A_33 = tpu.memref_squeeze %dma_start3A_32 : memref<1x128xi32, #tpu.memory_space<vmem>> -> memref<128xi32, #tpu.memory_space<vmem>>
        %dma_start3A_34 = arith.constant 0 : i32
        %dma_start3A_35 = arith.constant 0 : i32
        %dma_start3A_36 = tpu.memref_slice %arg7[%dma_start3A_34, %dma_start3A_35] : memref<10240x16xf32, #tpu.memory_space<vmem_shared>> -> memref<10240x16xf32, #tpu.memory_space<vmem_shared>>
        tpu.enqueue_indirect_dma source(%arg5 : memref<128x16xf32, #tpu.memory_space<vmem>>) target(%dma_start3A_36 : memref<10240x16xf32, #tpu.memory_space<vmem_shared>>) offsets(%dma_start3A_33 : memref<128xi32, #tpu.memory_space<vmem>>) semaphore(%run_scoped3A_31 : memref<!tpu.dma_semaphore, #tpu.memory_space<semaphore_mem>>) {add = true}
        %dma_wait3A = arith.constant 0 : i32
        %dma_wait3A_37 = tpu.memref_slice %arg4[%scan3A_30, %dma_wait3A] : memref<79x128xi32, #tpu.memory_space<vmem>> -> memref<1x128xi32, #tpu.memory_space<vmem>>
        %dma_wait3A_38 = tpu.memref_squeeze %dma_wait3A_37 : memref<1x128xi32, #tpu.memory_space<vmem>> -> memref<128xi32, #tpu.memory_space<vmem>>
        %dma_wait3A_39 = arith.constant 0 : i32
        %dma_wait3A_40 = arith.constant 0 : i32
        %dma_wait3A_41 = tpu.memref_slice %arg7[%dma_wait3A_39, %dma_wait3A_40] : memref<10240x16xf32, #tpu.memory_space<vmem_shared>> -> memref<10240x16xf32, #tpu.memory_space<vmem_shared>>
        tpu.wait_indirect_dma semaphore(%run_scoped3A_31 : memref<!tpu.dma_semaphore, #tpu.memory_space<semaphore_mem>>) src(%arg5 : memref<128x16xf32, #tpu.memory_space<vmem>>) dst(%dma_wait3A_41 : memref<10240x16xf32, #tpu.memory_space<vmem_shared>>)
        tpu.yield
      }) : () -> ()
    }
    %scan3A_24 = arith.constant 78 : i32
    %barrier3A_25 = arith.constant 0 : index
    tpu.barrier barrier_id(%barrier3A_25)
    %mul3A_26 = arith.constant 640 : i32
    %mul3A_27 = arith.muli %arg1, %mul3A_26 : i32
    %mul3A_28 = arith.constant 640 : i32
    %mul3A_29 = arith.muli %arg1, %mul3A_28 : i32
    "tpu.region"() ({
      %run_scoped3A_30 = tpu.sem_alloc : memref<!tpu.dma_semaphore, #tpu.memory_space<semaphore_mem>>
      %dma_start3A = arith.constant 0 : i32
      %dma_start3A_31 = tpu.memref_slice %arg3[%arg0, %mul3A_29, %dma_start3A] : memref<2x10240x16xf32, #tpu.memory_space<hbm>> -> memref<1x640x16xf32, #tpu.memory_space<hbm>>
      %dma_start3A_32 = tpu.memref_squeeze %dma_start3A_31 : memref<1x640x16xf32, #tpu.memory_space<hbm>> -> memref<640x16xf32, #tpu.memory_space<hbm>>
      %dma_start3A_33 = arith.constant 0 : i32
      %dma_start3A_34 = tpu.memref_slice %arg7[%mul3A_27, %dma_start3A_33] : memref<10240x16xf32, #tpu.memory_space<vmem_shared>> -> memref<640x16xf32, #tpu.memory_space<vmem_shared>>
      tpu.enqueue_dma source(%dma_start3A_34 : memref<640x16xf32, #tpu.memory_space<vmem_shared>>) target(%dma_start3A_32 : memref<640x16xf32, #tpu.memory_space<hbm>>) target_semaphore(%run_scoped3A_30 : memref<!tpu.dma_semaphore, #tpu.memory_space<semaphore_mem>>)
      %dma_wait3A = arith.constant 0 : i32
      %dma_wait3A_35 = tpu.memref_slice %arg3[%arg0, %mul3A_29, %dma_wait3A] : memref<2x10240x16xf32, #tpu.memory_space<hbm>> -> memref<1x640x16xf32, #tpu.memory_space<hbm>>
      %dma_wait3A_36 = tpu.memref_squeeze %dma_wait3A_35 : memref<1x640x16xf32, #tpu.memory_space<hbm>> -> memref<640x16xf32, #tpu.memory_space<hbm>>
      %dma_wait3A_37 = arith.constant 0 : i32
      %dma_wait3A_38 = tpu.memref_slice %arg7[%mul3A_27, %dma_wait3A_37] : memref<10240x16xf32, #tpu.memory_space<vmem_shared>> -> memref<640x16xf32, #tpu.memory_space<vmem_shared>>
      tpu.wait_dma2 semaphore(%run_scoped3A_30 : memref<!tpu.dma_semaphore, #tpu.memory_space<semaphore_mem>>) src(%dma_wait3A_38 : memref<640x16xf32, #tpu.memory_space<vmem_shared>>) dst(%dma_wait3A_36 : memref<640x16xf32, #tpu.memory_space<hbm>>)
      tpu.yield
    }) : () -> ()
    return
  }
}

#map = affine_map<(d0, d1) -> (0, 0, 0)>
#map1 = affine_map<(d0, d1) -> (0, 0)>
module attributes {stable_mosaic.version = 14 : i64} {
  func.func @_agg64(%arg0: i32, %arg1: i32, %arg2: memref<2x2500x128xi32, #tpu.memory_space<hbm>>, %arg3: memref<10240x128xf32, #tpu.memory_space<hbm>>, %arg4: memref<2x10240x64xf32, #tpu.memory_space<hbm>>, %arg5: memref<79x128xi32, #tpu.memory_space<vmem>>, %arg6: memref<79x128xi32, #tpu.memory_space<vmem>>, %arg7: memref<128x64xf32, #tpu.memory_space<vmem>>, %arg8: memref<128x64xf32, #tpu.memory_space<vmem>>, %arg9: memref<10240x64xf32, #tpu.memory_space<vmem_shared>>, %arg10: memref<10240x64xf32, #tpu.memory_space<vmem_shared>>, %arg11: memref<!tpu.dma_semaphore, #tpu.memory_space<semaphore_mem>>, %arg12: memref<!tpu.dma_semaphore, #tpu.memory_space<semaphore_mem>>, %arg13: memref<!tpu.dma_semaphore, #tpu.memory_space<semaphore_mem>>, %arg14: memref<!tpu.dma_semaphore, #tpu.memory_space<semaphore_mem>>, %arg15: memref<!tpu.dma_semaphore, #tpu.memory_space<semaphore_mem>>, %arg16: memref<!tpu.dma_semaphore, #tpu.memory_space<semaphore_mem>>) attributes {dimension_semantics = [#tpu.dimension_semantics<core_parallel>, #tpu.dimension_semantics<subcore_parallel>], iteration_bounds = array<i64: 2, 16>, scalar_prefetch = 0 : i64, scratch_operands = 12 : i64, tpu.core_type = #tpu.core_type<sc_vector_subcore>, window_params = [{transform_indices = #map}, {transform_indices = #map1}, {transform_indices = #map}]} {
    %mul3A = arith.constant 2 : i32
    %mul3A_0 = arith.muli %arg1, %mul3A : i32
    %add3A = arith.addi %mul3A_0, %arg0 : i32
    %lt3A = arith.constant 4 : i32
    %lt3A_1 = arith.cmpi slt, %add3A, %lt3A : i32
    %mul3A_2 = arith.constant 79 : i32
    %mul3A_3 = arith.muli %add3A, %mul3A_2 : i32
    %mul3A_4 = arith.constant 78 : i32
    %mul3A_5 = arith.muli %add3A, %mul3A_4 : i32
    %add3A_6 = arith.constant 4 : i32
    %add3A_7 = arith.addi %mul3A_5, %add3A_6 : i32
    %select_n3A = arith.select %lt3A_1, %mul3A_3, %add3A_7 : i32
    %dma_start3A = arith.constant 0 : i32
    %dma_start3A_8 = arith.constant 0 : i32
    %dma_start3A_9 = arith.constant 0 : i32
    %dma_start3A_10 = tpu.memref_slice %arg5[%dma_start3A_8, %dma_start3A_9] : memref<79x128xi32, #tpu.memory_space<vmem>> -> memref<78x128xi32, #tpu.memory_space<vmem>>
    %dma_start3A_11 = arith.constant 0 : i32
    %dma_start3A_12 = tpu.memref_slice %arg2[%dma_start3A, %select_n3A, %dma_start3A_11] : memref<2x2500x128xi32, #tpu.memory_space<hbm>> -> memref<1x78x128xi32, #tpu.memory_space<hbm>>
    %dma_start3A_13 = tpu.memref_squeeze %dma_start3A_12 : memref<1x78x128xi32, #tpu.memory_space<hbm>> -> memref<78x128xi32, #tpu.memory_space<hbm>>
    %dma_start3A_14 = arith.constant 0 : i32
    %dma_start3A_15 = arith.constant 0 : i32
    %dma_start3A_16 = tpu.memref_slice %arg5[%dma_start3A_14, %dma_start3A_15] : memref<79x128xi32, #tpu.memory_space<vmem>> -> memref<78x128xi32, #tpu.memory_space<vmem>>
    %dma_start3A_17 = arith.constant 0 : i32
    %dma_start3A_18 = tpu.memref_slice %arg2[%dma_start3A, %select_n3A, %dma_start3A_17] : memref<2x2500x128xi32, #tpu.memory_space<hbm>> -> memref<1x78x128xi32, #tpu.memory_space<hbm>>
    %dma_start3A_19 = tpu.memref_squeeze %dma_start3A_18 : memref<1x78x128xi32, #tpu.memory_space<hbm>> -> memref<78x128xi32, #tpu.memory_space<hbm>>
    tpu.enqueue_dma source(%dma_start3A_19 : memref<78x128xi32, #tpu.memory_space<hbm>>) target(%dma_start3A_16 : memref<78x128xi32, #tpu.memory_space<vmem>>) target_semaphore(%arg15 : memref<!tpu.dma_semaphore, #tpu.memory_space<semaphore_mem>>)
    %dma_start3A_20 = arith.constant 1 : i32
    %dma_start3A_21 = arith.constant 0 : i32
    %dma_start3A_22 = arith.constant 0 : i32
    %dma_start3A_23 = tpu.memref_slice %arg6[%dma_start3A_21, %dma_start3A_22] : memref<79x128xi32, #tpu.memory_space<vmem>> -> memref<78x128xi32, #tpu.memory_space<vmem>>
    %dma_start3A_24 = arith.constant 0 : i32
    %dma_start3A_25 = tpu.memref_slice %arg2[%dma_start3A_20, %select_n3A, %dma_start3A_24] : memref<2x2500x128xi32, #tpu.memory_space<hbm>> -> memref<1x78x128xi32, #tpu.memory_space<hbm>>
    %dma_start3A_26 = tpu.memref_squeeze %dma_start3A_25 : memref<1x78x128xi32, #tpu.memory_space<hbm>> -> memref<78x128xi32, #tpu.memory_space<hbm>>
    %dma_start3A_27 = arith.constant 0 : i32
    %dma_start3A_28 = arith.constant 0 : i32
    %dma_start3A_29 = tpu.memref_slice %arg6[%dma_start3A_27, %dma_start3A_28] : memref<79x128xi32, #tpu.memory_space<vmem>> -> memref<78x128xi32, #tpu.memory_space<vmem>>
    %dma_start3A_30 = arith.constant 0 : i32
    %dma_start3A_31 = tpu.memref_slice %arg2[%dma_start3A_20, %select_n3A, %dma_start3A_30] : memref<2x2500x128xi32, #tpu.memory_space<hbm>> -> memref<1x78x128xi32, #tpu.memory_space<hbm>>
    %dma_start3A_32 = tpu.memref_squeeze %dma_start3A_31 : memref<1x78x128xi32, #tpu.memory_space<hbm>> -> memref<78x128xi32, #tpu.memory_space<hbm>>
    tpu.enqueue_dma source(%dma_start3A_32 : memref<78x128xi32, #tpu.memory_space<hbm>>) target(%dma_start3A_29 : memref<78x128xi32, #tpu.memory_space<vmem>>) target_semaphore(%arg15 : memref<!tpu.dma_semaphore, #tpu.memory_space<semaphore_mem>>)
    %mul3A_33 = arith.constant 640 : i32
    %mul3A_34 = arith.muli %arg1, %mul3A_33 : i32
    %mul3A_35 = arith.constant 640 : i32
    %mul3A_36 = arith.muli %arg1, %mul3A_35 : i32
    %dma_start3A_37 = arith.constant 0 : i32
    %dma_start3A_38 = tpu.memref_slice %arg9[%mul3A_36, %dma_start3A_37] : memref<10240x64xf32, #tpu.memory_space<vmem_shared>> -> memref<640x64xf32, #tpu.memory_space<vmem_shared>>
    %dma_start3A_39 = arith.constant 64 : i32
    %dma_start3A_40 = tpu.memref_slice %arg3[%mul3A_34, %dma_start3A_39] : memref<10240x128xf32, #tpu.memory_space<hbm>> -> memref<640x64xf32, #tpu.memory_space<hbm>>
    tpu.enqueue_dma source(%dma_start3A_40 : memref<640x64xf32, #tpu.memory_space<hbm>>) target(%dma_start3A_38 : memref<640x64xf32, #tpu.memory_space<vmem_shared>>) target_semaphore(%arg16 : memref<!tpu.dma_semaphore, #tpu.memory_space<semaphore_mem>>)
    %scan3A = arith.constant 0 : i32
    %scan3A_41 = arith.constant 512 : i32
    %scan3A_42 = arith.addi %scan3A, %scan3A_41 : i32
    %scan3A_43 = arith.constant 1 : i32
    scf.for %scan3A_130 = %scan3A to %scan3A_42 step %scan3A_43  : i32 {
      %broadcast_in_dim3A = arith.constant 0.000000e+00 : f32
      %broadcast_in_dim3A_131 = vector.broadcast %broadcast_in_dim3A : f32 to vector<16xf32>
      %jit3A = arith.constant 4 : i32
      %div3A = arith.divsi %scan3A_130, %jit3A : i32
      %sign3A = arith.constant 0 : i32
      %sign3A_132 = arith.cmpi sgt, %scan3A_130, %sign3A : i32
      %sign3A_133 = arith.extui %sign3A_132 : i1 to i32
      %sign3A_134 = arith.constant 0 : i32
      %sign3A_135 = arith.cmpi slt, %scan3A_130, %sign3A_134 : i32
      %sign3A_136 = arith.extui %sign3A_135 : i1 to i32
      %sign3A_137 = arith.subi %sign3A_133, %sign3A_136 : i32
      %sign3A_138 = arith.constant 0 : i32
      %sign3A_139 = arith.cmpi sgt, %jit3A, %sign3A_138 : i32
      %sign3A_140 = arith.extui %sign3A_139 : i1 to i32
      %sign3A_141 = arith.constant 0 : i32
      %sign3A_142 = arith.cmpi slt, %jit3A, %sign3A_141 : i32
      %sign3A_143 = arith.extui %sign3A_142 : i1 to i32
      %sign3A_144 = arith.subi %sign3A_140, %sign3A_143 : i32
      %ne3A = arith.cmpi ne, %sign3A_137, %sign3A_144 : i32
      %rem3A = arith.remsi %scan3A_130, %jit3A : i32
      %ne3A_145 = arith.constant 0 : i32
      %ne3A_146 = arith.cmpi ne, %rem3A, %ne3A_145 : i32
      %and3A = arith.andi %ne3A, %ne3A_146 : i1
      %sub3A = arith.constant 1 : i32
      %sub3A_147 = arith.subi %div3A, %sub3A : i32
      %select_n3A_148 = arith.select %and3A, %sub3A_147, %div3A : i32
      %jit3A_149 = arith.constant 4 : i32
      %eq3A = arith.constant 0 : i32
      %eq3A_150 = arith.cmpi eq, %jit3A_149, %eq3A : i32
      %jit3A_151 = arith.constant 1 : i32
      %select_n3A_152 = arith.select %eq3A_150, %jit3A_151, %jit3A_149 : i32
      %rem3A_153 = arith.remsi %scan3A_130, %select_n3A_152 : i32
      %ne3A_154 = arith.constant 0 : i32
      %ne3A_155 = arith.cmpi ne, %rem3A_153, %ne3A_154 : i32
      %lt3A_156 = arith.constant 0 : i32
      %lt3A_157 = arith.cmpi slt, %rem3A_153, %lt3A_156 : i32
      %lt3A_158 = arith.constant 0 : i32
      %lt3A_159 = arith.cmpi slt, %select_n3A_152, %lt3A_158 : i32
      %ne3A_160 = arith.xori %lt3A_157, %lt3A_159 : i1
      %and3A_161 = arith.andi %ne3A_160, %ne3A_155 : i1
      %add3A_162 = arith.addi %rem3A_153, %select_n3A_152 : i32
      %select_n3A_163 = arith.select %and3A_161, %add3A_162, %rem3A_153 : i32
      %mul3A_164 = arith.constant 16 : i32
      %mul3A_165 = arith.muli %select_n3A_163, %mul3A_164 : i32
      %swap3A = arith.index_cast %select_n3A_148 : i32 to index
      %swap3A_166 = arith.index_cast %mul3A_165 : i32 to index
      %swap3A_167 = tpu.vector_load %arg7[%swap3A, %swap3A_166] {strides = array<i32>} : memref<128x64xf32, #tpu.memory_space<vmem>>, vector<1x16xf32>,
      %swap3A_168 = vector.shape_cast %swap3A_167 : vector<1x16xf32> to vector<16xf32>
      %swap3A_169 = vector.shape_cast %broadcast_in_dim3A_131 : vector<16xf32> to vector<1x16xf32>
      tpu.vector_store %arg7[%swap3A, %swap3A_166], %swap3A_169 {strides = array<i32>} : memref<128x64xf32, #tpu.memory_space<vmem>>, vector<1x16xf32>,
    }
    %scan3A_44 = arith.constant 512 : i32
    %scan3A_45 = arith.constant 0 : i32
    %scan3A_46 = arith.constant 5 : i32
    %scan3A_47 = arith.addi %scan3A_45, %scan3A_46 : i32
    %scan3A_48 = arith.constant 1 : i32
    scf.for %scan3A_130 = %scan3A_45 to %scan3A_47 step %scan3A_48  : i32 {
      %mul3A_131 = arith.constant 640 : i32
      %mul3A_132 = arith.muli %arg1, %mul3A_131 : i32
      %mul3A_133 = arith.constant 128 : i32
      %mul3A_134 = arith.muli %scan3A_130, %mul3A_133 : i32
      %add3A_135 = arith.addi %mul3A_132, %mul3A_134 : i32
      "tpu.region"() ({
        %run_scoped3A_136 = tpu.sem_alloc : memref<!tpu.dma_semaphore, #tpu.memory_space<semaphore_mem>>
        %dma_start3A_137 = arith.constant 0 : i32
        %dma_start3A_138 = tpu.memref_slice %arg10[%add3A_135, %dma_start3A_137] : memref<10240x64xf32, #tpu.memory_space<vmem_shared>> -> memref<128x64xf32, #tpu.memory_space<vmem_shared>>
        %dma_start3A_139 = arith.constant 0 : i32
        %dma_start3A_140 = tpu.memref_slice %arg10[%add3A_135, %dma_start3A_139] : memref<10240x64xf32, #tpu.memory_space<vmem_shared>> -> memref<128x64xf32, #tpu.memory_space<vmem_shared>>
        tpu.enqueue_dma source(%arg7 : memref<128x64xf32, #tpu.memory_space<vmem>>) target(%dma_start3A_140 : memref<128x64xf32, #tpu.memory_space<vmem_shared>>) target_semaphore(%run_scoped3A_136 : memref<!tpu.dma_semaphore, #tpu.memory_space<semaphore_mem>>)
        %dma_wait3A_141 = arith.constant 0 : i32
        %dma_wait3A_142 = tpu.memref_slice %arg10[%add3A_135, %dma_wait3A_141] : memref<10240x64xf32, #tpu.memory_space<vmem_shared>> -> memref<128x64xf32, #tpu.memory_space<vmem_shared>>
        %dma_wait3A_143 = arith.constant 0 : i32
        %dma_wait3A_144 = tpu.memref_slice %arg10[%add3A_135, %dma_wait3A_143] : memref<10240x64xf32, #tpu.memory_space<vmem_shared>> -> memref<128x64xf32, #tpu.memory_space<vmem_shared>>
        tpu.wait_dma2 semaphore(%run_scoped3A_136 : memref<!tpu.dma_semaphore, #tpu.memory_space<semaphore_mem>>) src(%arg7 : memref<128x64xf32, #tpu.memory_space<vmem>>) dst(%dma_wait3A_144 : memref<128x64xf32, #tpu.memory_space<vmem_shared>>)
        tpu.yield
      }) : () -> ()
    }
    %scan3A_49 = arith.constant 5 : i32
    %dma_wait3A = arith.constant 0 : i32
    %dma_wait3A_50 = arith.constant 0 : i32
    %dma_wait3A_51 = arith.constant 0 : i32
    %dma_wait3A_52 = tpu.memref_slice %arg5[%dma_wait3A_50, %dma_wait3A_51] : memref<79x128xi32, #tpu.memory_space<vmem>> -> memref<78x128xi32, #tpu.memory_space<vmem>>
    %dma_wait3A_53 = arith.constant 0 : i32
    %dma_wait3A_54 = tpu.memref_slice %arg2[%dma_wait3A, %select_n3A, %dma_wait3A_53] : memref<2x2500x128xi32, #tpu.memory_space<hbm>> -> memref<1x78x128xi32, #tpu.memory_space<hbm>>
    %dma_wait3A_55 = tpu.memref_squeeze %dma_wait3A_54 : memref<1x78x128xi32, #tpu.memory_space<hbm>> -> memref<78x128xi32, #tpu.memory_space<hbm>>
    %dma_wait3A_56 = arith.constant 0 : i32
    %dma_wait3A_57 = arith.constant 0 : i32
    %dma_wait3A_58 = tpu.memref_slice %arg5[%dma_wait3A_56, %dma_wait3A_57] : memref<79x128xi32, #tpu.memory_space<vmem>> -> memref<78x128xi32, #tpu.memory_space<vmem>>
    %dma_wait3A_59 = arith.constant 0 : i32
    %dma_wait3A_60 = tpu.memref_slice %arg2[%dma_wait3A, %select_n3A, %dma_wait3A_59] : memref<2x2500x128xi32, #tpu.memory_space<hbm>> -> memref<1x78x128xi32, #tpu.memory_space<hbm>>
    %dma_wait3A_61 = tpu.memref_squeeze %dma_wait3A_60 : memref<1x78x128xi32, #tpu.memory_space<hbm>> -> memref<78x128xi32, #tpu.memory_space<hbm>>
    tpu.wait_dma2 semaphore(%arg15 : memref<!tpu.dma_semaphore, #tpu.memory_space<semaphore_mem>>) src(%dma_wait3A_61 : memref<78x128xi32, #tpu.memory_space<hbm>>) dst(%dma_wait3A_58 : memref<78x128xi32, #tpu.memory_space<vmem>>)
    %dma_wait3A_62 = arith.constant 1 : i32
    %dma_wait3A_63 = arith.constant 0 : i32
    %dma_wait3A_64 = arith.constant 0 : i32
    %dma_wait3A_65 = tpu.memref_slice %arg6[%dma_wait3A_63, %dma_wait3A_64] : memref<79x128xi32, #tpu.memory_space<vmem>> -> memref<78x128xi32, #tpu.memory_space<vmem>>
    %dma_wait3A_66 = arith.constant 0 : i32
    %dma_wait3A_67 = tpu.memref_slice %arg2[%dma_wait3A_62, %select_n3A, %dma_wait3A_66] : memref<2x2500x128xi32, #tpu.memory_space<hbm>> -> memref<1x78x128xi32, #tpu.memory_space<hbm>>
    %dma_wait3A_68 = tpu.memref_squeeze %dma_wait3A_67 : memref<1x78x128xi32, #tpu.memory_space<hbm>> -> memref<78x128xi32, #tpu.memory_space<hbm>>
    %dma_wait3A_69 = arith.constant 0 : i32
    %dma_wait3A_70 = arith.constant 0 : i32
    %dma_wait3A_71 = tpu.memref_slice %arg6[%dma_wait3A_69, %dma_wait3A_70] : memref<79x128xi32, #tpu.memory_space<vmem>> -> memref<78x128xi32, #tpu.memory_space<vmem>>
    %dma_wait3A_72 = arith.constant 0 : i32
    %dma_wait3A_73 = tpu.memref_slice %arg2[%dma_wait3A_62, %select_n3A, %dma_wait3A_72] : memref<2x2500x128xi32, #tpu.memory_space<hbm>> -> memref<1x78x128xi32, #tpu.memory_space<hbm>>
    %dma_wait3A_74 = tpu.memref_squeeze %dma_wait3A_73 : memref<1x78x128xi32, #tpu.memory_space<hbm>> -> memref<78x128xi32, #tpu.memory_space<hbm>>
    tpu.wait_dma2 semaphore(%arg15 : memref<!tpu.dma_semaphore, #tpu.memory_space<semaphore_mem>>) src(%dma_wait3A_74 : memref<78x128xi32, #tpu.memory_space<hbm>>) dst(%dma_wait3A_71 : memref<78x128xi32, #tpu.memory_space<vmem>>)
    %lt3A_75 = arith.constant 4 : i32
    %lt3A_76 = arith.cmpi slt, %add3A, %lt3A_75 : i32
    %convert_element_type3A = arith.extui %lt3A_76 : i1 to i32
    %cond3A = arith.constant 0 : i32
    %cond3A_77 = arith.cmpi ne, %convert_element_type3A, %cond3A : i32
    scf.if %cond3A_77 {
      %add3A_130 = arith.constant 78 : i32
      %add3A_131 = arith.addi %select_n3A, %add3A_130 : i32
      %run_scoped3A_132 = arith.constant 0 : i32
      "tpu.region"() ({
        %run_scoped3A_136 = tpu.sem_alloc : memref<!tpu.dma_semaphore, #tpu.memory_space<semaphore_mem>>
        %dma_start3A_137 = arith.constant 78 : i32
        %dma_start3A_138 = arith.constant 0 : i32
        %dma_start3A_139 = tpu.memref_slice %arg5[%dma_start3A_137, %dma_start3A_138] : memref<79x128xi32, #tpu.memory_space<vmem>> -> memref<1x128xi32, #tpu.memory_space<vmem>>
        %dma_start3A_140 = arith.constant 0 : i32
        %dma_start3A_141 = tpu.memref_slice %arg2[%run_scoped3A_132, %add3A_131, %dma_start3A_140] : memref<2x2500x128xi32, #tpu.memory_space<hbm>> -> memref<1x1x128xi32, #tpu.memory_space<hbm>>
        %dma_start3A_142 = tpu.memref_squeeze %dma_start3A_141 : memref<1x1x128xi32, #tpu.memory_space<hbm>> -> memref<1x128xi32, #tpu.memory_space<hbm>>
        %dma_start3A_143 = arith.constant 78 : i32
        %dma_start3A_144 = arith.constant 0 : i32
        %dma_start3A_145 = tpu.memref_slice %arg5[%dma_start3A_143, %dma_start3A_144] : memref<79x128xi32, #tpu.memory_space<vmem>> -> memref<1x128xi32, #tpu.memory_space<vmem>>
        %dma_start3A_146 = arith.constant 0 : i32
        %dma_start3A_147 = tpu.memref_slice %arg2[%run_scoped3A_132, %add3A_131, %dma_start3A_146] : memref<2x2500x128xi32, #tpu.memory_space<hbm>> -> memref<1x1x128xi32, #tpu.memory_space<hbm>>
        %dma_start3A_148 = tpu.memref_squeeze %dma_start3A_147 : memref<1x1x128xi32, #tpu.memory_space<hbm>> -> memref<1x128xi32, #tpu.memory_space<hbm>>
        tpu.enqueue_dma source(%dma_start3A_148 : memref<1x128xi32, #tpu.memory_space<hbm>>) target(%dma_start3A_145 : memref<1x128xi32, #tpu.memory_space<vmem>>) target_semaphore(%run_scoped3A_136 : memref<!tpu.dma_semaphore, #tpu.memory_space<semaphore_mem>>)
        %dma_wait3A_149 = arith.constant 78 : i32
        %dma_wait3A_150 = arith.constant 0 : i32
        %dma_wait3A_151 = tpu.memref_slice %arg5[%dma_wait3A_149, %dma_wait3A_150] : memref<79x128xi32, #tpu.memory_space<vmem>> -> memref<1x128xi32, #tpu.memory_space<vmem>>
        %dma_wait3A_152 = arith.constant 0 : i32
        %dma_wait3A_153 = tpu.memref_slice %arg2[%run_scoped3A_132, %add3A_131, %dma_wait3A_152] : memref<2x2500x128xi32, #tpu.memory_space<hbm>> -> memref<1x1x128xi32, #tpu.memory_space<hbm>>
        %dma_wait3A_154 = tpu.memref_squeeze %dma_wait3A_153 : memref<1x1x128xi32, #tpu.memory_space<hbm>> -> memref<1x128xi32, #tpu.memory_space<hbm>>
        %dma_wait3A_155 = arith.constant 78 : i32
        %dma_wait3A_156 = arith.constant 0 : i32
        %dma_wait3A_157 = tpu.memref_slice %arg5[%dma_wait3A_155, %dma_wait3A_156] : memref<79x128xi32, #tpu.memory_space<vmem>> -> memref<1x128xi32, #tpu.memory_space<vmem>>
        %dma_wait3A_158 = arith.constant 0 : i32
        %dma_wait3A_159 = tpu.memref_slice %arg2[%run_scoped3A_132, %add3A_131, %dma_wait3A_158] : memref<2x2500x128xi32, #tpu.memory_space<hbm>> -> memref<1x1x128xi32, #tpu.memory_space<hbm>>
        %dma_wait3A_160 = tpu.memref_squeeze %dma_wait3A_159 : memref<1x1x128xi32, #tpu.memory_space<hbm>> -> memref<1x128xi32, #tpu.memory_space<hbm>>
        tpu.wait_dma2 semaphore(%run_scoped3A_136 : memref<!tpu.dma_semaphore, #tpu.memory_space<semaphore_mem>>) src(%dma_wait3A_160 : memref<1x128xi32, #tpu.memory_space<hbm>>) dst(%dma_wait3A_157 : memref<1x128xi32, #tpu.memory_space<vmem>>)
        tpu.yield
      }) : () -> ()
      %add3A_133 = arith.constant 78 : i32
      %add3A_134 = arith.addi %select_n3A, %add3A_133 : i32
      %run_scoped3A_135 = arith.constant 1 : i32
      "tpu.region"() ({
        %run_scoped3A_136 = tpu.sem_alloc : memref<!tpu.dma_semaphore, #tpu.memory_space<semaphore_mem>>
        %dma_start3A_137 = arith.constant 78 : i32
        %dma_start3A_138 = arith.constant 0 : i32
        %dma_start3A_139 = tpu.memref_slice %arg6[%dma_start3A_137, %dma_start3A_138] : memref<79x128xi32, #tpu.memory_space<vmem>> -> memref<1x128xi32, #tpu.memory_space<vmem>>
        %dma_start3A_140 = arith.constant 0 : i32
        %dma_start3A_141 = tpu.memref_slice %arg2[%run_scoped3A_135, %add3A_134, %dma_start3A_140] : memref<2x2500x128xi32, #tpu.memory_space<hbm>> -> memref<1x1x128xi32, #tpu.memory_space<hbm>>
        %dma_start3A_142 = tpu.memref_squeeze %dma_start3A_141 : memref<1x1x128xi32, #tpu.memory_space<hbm>> -> memref<1x128xi32, #tpu.memory_space<hbm>>
        %dma_start3A_143 = arith.constant 78 : i32
        %dma_start3A_144 = arith.constant 0 : i32
        %dma_start3A_145 = tpu.memref_slice %arg6[%dma_start3A_143, %dma_start3A_144] : memref<79x128xi32, #tpu.memory_space<vmem>> -> memref<1x128xi32, #tpu.memory_space<vmem>>
        %dma_start3A_146 = arith.constant 0 : i32
        %dma_start3A_147 = tpu.memref_slice %arg2[%run_scoped3A_135, %add3A_134, %dma_start3A_146] : memref<2x2500x128xi32, #tpu.memory_space<hbm>> -> memref<1x1x128xi32, #tpu.memory_space<hbm>>
        %dma_start3A_148 = tpu.memref_squeeze %dma_start3A_147 : memref<1x1x128xi32, #tpu.memory_space<hbm>> -> memref<1x128xi32, #tpu.memory_space<hbm>>
        tpu.enqueue_dma source(%dma_start3A_148 : memref<1x128xi32, #tpu.memory_space<hbm>>) target(%dma_start3A_145 : memref<1x128xi32, #tpu.memory_space<vmem>>) target_semaphore(%run_scoped3A_136 : memref<!tpu.dma_semaphore, #tpu.memory_space<semaphore_mem>>)
        %dma_wait3A_149 = arith.constant 78 : i32
        %dma_wait3A_150 = arith.constant 0 : i32
        %dma_wait3A_151 = tpu.memref_slice %arg6[%dma_wait3A_149, %dma_wait3A_150] : memref<79x128xi32, #tpu.memory_space<vmem>> -> memref<1x128xi32, #tpu.memory_space<vmem>>
        %dma_wait3A_152 = arith.constant 0 : i32
        %dma_wait3A_153 = tpu.memref_slice %arg2[%run_scoped3A_135, %add3A_134, %dma_wait3A_152] : memref<2x2500x128xi32, #tpu.memory_space<hbm>> -> memref<1x1x128xi32, #tpu.memory_space<hbm>>
        %dma_wait3A_154 = tpu.memref_squeeze %dma_wait3A_153 : memref<1x1x128xi32, #tpu.memory_space<hbm>> -> memref<1x128xi32, #tpu.memory_space<hbm>>
        %dma_wait3A_155 = arith.constant 78 : i32
        %dma_wait3A_156 = arith.constant 0 : i32
        %dma_wait3A_157 = tpu.memref_slice %arg6[%dma_wait3A_155, %dma_wait3A_156] : memref<79x128xi32, #tpu.memory_space<vmem>> -> memref<1x128xi32, #tpu.memory_space<vmem>>
        %dma_wait3A_158 = arith.constant 0 : i32
        %dma_wait3A_159 = tpu.memref_slice %arg2[%run_scoped3A_135, %add3A_134, %dma_wait3A_158] : memref<2x2500x128xi32, #tpu.memory_space<hbm>> -> memref<1x1x128xi32, #tpu.memory_space<hbm>>
        %dma_wait3A_160 = tpu.memref_squeeze %dma_wait3A_159 : memref<1x1x128xi32, #tpu.memory_space<hbm>> -> memref<1x128xi32, #tpu.memory_space<hbm>>
        tpu.wait_dma2 semaphore(%run_scoped3A_136 : memref<!tpu.dma_semaphore, #tpu.memory_space<semaphore_mem>>) src(%dma_wait3A_160 : memref<1x128xi32, #tpu.memory_space<hbm>>) dst(%dma_wait3A_157 : memref<1x128xi32, #tpu.memory_space<vmem>>)
        tpu.yield
      }) : () -> ()
    } else {
    }
    %mul3A_78 = arith.constant 640 : i32
    %mul3A_79 = arith.muli %arg1, %mul3A_78 : i32
    %mul3A_80 = arith.constant 640 : i32
    %mul3A_81 = arith.muli %arg1, %mul3A_80 : i32
    %dma_wait3A_82 = arith.constant 0 : i32
    %dma_wait3A_83 = tpu.memref_slice %arg9[%mul3A_81, %dma_wait3A_82] : memref<10240x64xf32, #tpu.memory_space<vmem_shared>> -> memref<640x64xf32, #tpu.memory_space<vmem_shared>>
    %dma_wait3A_84 = arith.constant 64 : i32
    %dma_wait3A_85 = tpu.memref_slice %arg3[%mul3A_79, %dma_wait3A_84] : memref<10240x128xf32, #tpu.memory_space<hbm>> -> memref<640x64xf32, #tpu.memory_space<hbm>>
    tpu.wait_dma2 semaphore(%arg16 : memref<!tpu.dma_semaphore, #tpu.memory_space<semaphore_mem>>) src(%dma_wait3A_85 : memref<640x64xf32, #tpu.memory_space<hbm>>) dst(%dma_wait3A_83 : memref<640x64xf32, #tpu.memory_space<vmem_shared>>)
    %barrier3A = arith.constant 0 : index
    tpu.barrier barrier_id(%barrier3A)
    %lt3A_86 = arith.constant 4 : i32
    %lt3A_87 = arith.cmpi slt, %add3A, %lt3A_86 : i32
    %convert_element_type3A_88 = arith.extui %lt3A_87 : i1 to i32
    %cond3A_89 = arith.constant 0 : i32
    %cond3A_90 = arith.cmpi ne, %convert_element_type3A_88, %cond3A_89 : i32
    scf.if %cond3A_90 {
      %dma_start3A_130 = arith.constant 78 : i32
      %dma_start3A_131 = arith.constant 0 : i32
      %dma_start3A_132 = tpu.memref_slice %arg5[%dma_start3A_130, %dma_start3A_131] : memref<79x128xi32, #tpu.memory_space<vmem>> -> memref<1x128xi32, #tpu.memory_space<vmem>>
      %dma_start3A_133 = tpu.memref_squeeze %dma_start3A_132 : memref<1x128xi32, #tpu.memory_space<vmem>> -> memref<128xi32, #tpu.memory_space<vmem>>
      %dma_start3A_134 = arith.constant 0 : i32
      %dma_start3A_135 = arith.constant 0 : i32
      %dma_start3A_136 = tpu.memref_slice %arg9[%dma_start3A_134, %dma_start3A_135] : memref<10240x64xf32, #tpu.memory_space<vmem_shared>> -> memref<10240x64xf32, #tpu.memory_space<vmem_shared>>
      tpu.enqueue_indirect_dma source(%dma_start3A_136 : memref<10240x64xf32, #tpu.memory_space<vmem_shared>>) target(%arg7 : memref<128x64xf32, #tpu.memory_space<vmem>>) offsets(%dma_start3A_133 : memref<128xi32, #tpu.memory_space<vmem>>) semaphore(%arg11 : memref<!tpu.dma_semaphore, #tpu.memory_space<semaphore_mem>>)
      %dma_wait3A_137 = arith.constant 78 : i32
      %dma_wait3A_138 = arith.constant 0 : i32
      %dma_wait3A_139 = tpu.memref_slice %arg5[%dma_wait3A_137, %dma_wait3A_138] : memref<79x128xi32, #tpu.memory_space<vmem>> -> memref<1x128xi32, #tpu.memory_space<vmem>>
      %dma_wait3A_140 = tpu.memref_squeeze %dma_wait3A_139 : memref<1x128xi32, #tpu.memory_space<vmem>> -> memref<128xi32, #tpu.memory_space<vmem>>
      %dma_wait3A_141 = arith.constant 0 : i32
      %dma_wait3A_142 = arith.constant 0 : i32
      %dma_wait3A_143 = tpu.memref_slice %arg9[%dma_wait3A_141, %dma_wait3A_142] : memref<10240x64xf32, #tpu.memory_space<vmem_shared>> -> memref<10240x64xf32, #tpu.memory_space<vmem_shared>>
      tpu.wait_indirect_dma semaphore(%arg11 : memref<!tpu.dma_semaphore, #tpu.memory_space<semaphore_mem>>) src(%dma_wait3A_143 : memref<10240x64xf32, #tpu.memory_space<vmem_shared>>) dst(%arg7 : memref<128x64xf32, #tpu.memory_space<vmem>>)
      %run_scoped3A_144 = arith.constant 78 : i32
      "tpu.region"() ({
        %run_scoped3A_145 = tpu.sem_alloc : memref<!tpu.dma_semaphore, #tpu.memory_space<semaphore_mem>>
        %dma_start3A_146 = arith.constant 0 : i32
        %dma_start3A_147 = tpu.memref_slice %arg6[%run_scoped3A_144, %dma_start3A_146] : memref<79x128xi32, #tpu.memory_space<vmem>> -> memref<1x128xi32, #tpu.memory_space<vmem>>
        %dma_start3A_148 = tpu.memref_squeeze %dma_start3A_147 : memref<1x128xi32, #tpu.memory_space<vmem>> -> memref<128xi32, #tpu.memory_space<vmem>>
        %dma_start3A_149 = arith.constant 0 : i32
        %dma_start3A_150 = arith.constant 0 : i32
        %dma_start3A_151 = tpu.memref_slice %arg10[%dma_start3A_149, %dma_start3A_150] : memref<10240x64xf32, #tpu.memory_space<vmem_shared>> -> memref<10240x64xf32, #tpu.memory_space<vmem_shared>>
        tpu.enqueue_indirect_dma source(%arg7 : memref<128x64xf32, #tpu.memory_space<vmem>>) target(%dma_start3A_151 : memref<10240x64xf32, #tpu.memory_space<vmem_shared>>) offsets(%dma_start3A_148 : memref<128xi32, #tpu.memory_space<vmem>>) semaphore(%run_scoped3A_145 : memref<!tpu.dma_semaphore, #tpu.memory_space<semaphore_mem>>) {add = true}
        %dma_wait3A_152 = arith.constant 0 : i32
        %dma_wait3A_153 = tpu.memref_slice %arg6[%run_scoped3A_144, %dma_wait3A_152] : memref<79x128xi32, #tpu.memory_space<vmem>> -> memref<1x128xi32, #tpu.memory_space<vmem>>
        %dma_wait3A_154 = tpu.memref_squeeze %dma_wait3A_153 : memref<1x128xi32, #tpu.memory_space<vmem>> -> memref<128xi32, #tpu.memory_space<vmem>>
        %dma_wait3A_155 = arith.constant 0 : i32
        %dma_wait3A_156 = arith.constant 0 : i32
        %dma_wait3A_157 = tpu.memref_slice %arg10[%dma_wait3A_155, %dma_wait3A_156] : memref<10240x64xf32, #tpu.memory_space<vmem_shared>> -> memref<10240x64xf32, #tpu.memory_space<vmem_shared>>
        tpu.wait_indirect_dma semaphore(%run_scoped3A_145 : memref<!tpu.dma_semaphore, #tpu.memory_space<semaphore_mem>>) src(%arg7 : memref<128x64xf32, #tpu.memory_space<vmem>>) dst(%dma_wait3A_157 : memref<10240x64xf32, #tpu.memory_space<vmem_shared>>)
        tpu.yield
      }) : () -> ()
    } else {
    }
    %dma_start3A_91 = arith.constant 0 : i32
    %dma_start3A_92 = arith.constant 0 : i32
    %dma_start3A_93 = tpu.memref_slice %arg5[%dma_start3A_91, %dma_start3A_92] : memref<79x128xi32, #tpu.memory_space<vmem>> -> memref<1x128xi32, #tpu.memory_space<vmem>>
    %dma_start3A_94 = tpu.memref_squeeze %dma_start3A_93 : memref<1x128xi32, #tpu.memory_space<vmem>> -> memref<128xi32, #tpu.memory_space<vmem>>
    %dma_start3A_95 = arith.constant 0 : i32
    %dma_start3A_96 = arith.constant 0 : i32
    %dma_start3A_97 = tpu.memref_slice %arg9[%dma_start3A_95, %dma_start3A_96] : memref<10240x64xf32, #tpu.memory_space<vmem_shared>> -> memref<10240x64xf32, #tpu.memory_space<vmem_shared>>
    tpu.enqueue_indirect_dma source(%dma_start3A_97 : memref<10240x64xf32, #tpu.memory_space<vmem_shared>>) target(%arg7 : memref<128x64xf32, #tpu.memory_space<vmem>>) offsets(%dma_start3A_94 : memref<128xi32, #tpu.memory_space<vmem>>) semaphore(%arg11 : memref<!tpu.dma_semaphore, #tpu.memory_space<semaphore_mem>>)
    %dma_start3A_98 = arith.constant 1 : i32
    %dma_start3A_99 = arith.constant 0 : i32
    %dma_start3A_100 = tpu.memref_slice %arg5[%dma_start3A_98, %dma_start3A_99] : memref<79x128xi32, #tpu.memory_space<vmem>> -> memref<1x128xi32, #tpu.memory_space<vmem>>
    %dma_start3A_101 = tpu.memref_squeeze %dma_start3A_100 : memref<1x128xi32, #tpu.memory_space<vmem>> -> memref<128xi32, #tpu.memory_space<vmem>>
    %dma_start3A_102 = arith.constant 0 : i32
    %dma_start3A_103 = arith.constant 0 : i32
    %dma_start3A_104 = tpu.memref_slice %arg9[%dma_start3A_102, %dma_start3A_103] : memref<10240x64xf32, #tpu.memory_space<vmem_shared>> -> memref<10240x64xf32, #tpu.memory_space<vmem_shared>>
    tpu.enqueue_indirect_dma source(%dma_start3A_104 : memref<10240x64xf32, #tpu.memory_space<vmem_shared>>) target(%arg8 : memref<128x64xf32, #tpu.memory_space<vmem>>) offsets(%dma_start3A_101 : memref<128xi32, #tpu.memory_space<vmem>>) semaphore(%arg12 : memref<!tpu.dma_semaphore, #tpu.memory_space<semaphore_mem>>)
    %scan3A_105 = arith.constant 0 : i32
    %scan3A_106 = arith.constant 38 : i32
    %scan3A_107 = arith.addi %scan3A_105, %scan3A_106 : i32
    %scan3A_108 = arith.constant 1 : i32
    scf.for %scan3A_130 = %scan3A_105 to %scan3A_107 step %scan3A_108  : i32 {
      %mul3A_131 = arith.constant 2 : i32
      %mul3A_132 = arith.muli %scan3A_130, %mul3A_131 : i32
      %add3A_133 = arith.constant 0 : i32
      %add3A_134 = arith.addi %mul3A_132, %add3A_133 : i32
      %dma_wait3A_135 = arith.constant 0 : i32
      %dma_wait3A_136 = tpu.memref_slice %arg5[%add3A_134, %dma_wait3A_135] : memref<79x128xi32, #tpu.memory_space<vmem>> -> memref<1x128xi32, #tpu.memory_space<vmem>>
      %dma_wait3A_137 = tpu.memref_squeeze %dma_wait3A_136 : memref<1x128xi32, #tpu.memory_space<vmem>> -> memref<128xi32, #tpu.memory_space<vmem>>
      %dma_wait3A_138 = arith.constant 0 : i32
      %dma_wait3A_139 = arith.constant 0 : i32
      %dma_wait3A_140 = tpu.memref_slice %arg9[%dma_wait3A_138, %dma_wait3A_139] : memref<10240x64xf32, #tpu.memory_space<vmem_shared>> -> memref<10240x64xf32, #tpu.memory_space<vmem_shared>>
      tpu.wait_indirect_dma semaphore(%arg11 : memref<!tpu.dma_semaphore, #tpu.memory_space<semaphore_mem>>) src(%dma_wait3A_140 : memref<10240x64xf32, #tpu.memory_space<vmem_shared>>) dst(%arg7 : memref<128x64xf32, #tpu.memory_space<vmem>>)
      "tpu.region"() ({
        %run_scoped3A_167 = tpu.sem_alloc : memref<!tpu.dma_semaphore, #tpu.memory_space<semaphore_mem>>
        %dma_start3A_168 = arith.constant 0 : i32
        %dma_start3A_169 = tpu.memref_slice %arg6[%add3A_134, %dma_start3A_168] : memref<79x128xi32, #tpu.memory_space<vmem>> -> memref<1x128xi32, #tpu.memory_space<vmem>>
        %dma_start3A_170 = tpu.memref_squeeze %dma_start3A_169 : memref<1x128xi32, #tpu.memory_space<vmem>> -> memref<128xi32, #tpu.memory_space<vmem>>
        %dma_start3A_171 = arith.constant 0 : i32
        %dma_start3A_172 = arith.constant 0 : i32
        %dma_start3A_173 = tpu.memref_slice %arg10[%dma_start3A_171, %dma_start3A_172] : memref<10240x64xf32, #tpu.memory_space<vmem_shared>> -> memref<10240x64xf32, #tpu.memory_space<vmem_shared>>
        tpu.enqueue_indirect_dma source(%arg7 : memref<128x64xf32, #tpu.memory_space<vmem>>) target(%dma_start3A_173 : memref<10240x64xf32, #tpu.memory_space<vmem_shared>>) offsets(%dma_start3A_170 : memref<128xi32, #tpu.memory_space<vmem>>) semaphore(%run_scoped3A_167 : memref<!tpu.dma_semaphore, #tpu.memory_space<semaphore_mem>>) {add = true}
        %dma_wait3A_174 = arith.constant 0 : i32
        %dma_wait3A_175 = tpu.memref_slice %arg6[%add3A_134, %dma_wait3A_174] : memref<79x128xi32, #tpu.memory_space<vmem>> -> memref<1x128xi32, #tpu.memory_space<vmem>>
        %dma_wait3A_176 = tpu.memref_squeeze %dma_wait3A_175 : memref<1x128xi32, #tpu.memory_space<vmem>> -> memref<128xi32, #tpu.memory_space<vmem>>
        %dma_wait3A_177 = arith.constant 0 : i32
        %dma_wait3A_178 = arith.constant 0 : i32
        %dma_wait3A_179 = tpu.memref_slice %arg10[%dma_wait3A_177, %dma_wait3A_178] : memref<10240x64xf32, #tpu.memory_space<vmem_shared>> -> memref<10240x64xf32, #tpu.memory_space<vmem_shared>>
        tpu.wait_indirect_dma semaphore(%run_scoped3A_167 : memref<!tpu.dma_semaphore, #tpu.memory_space<semaphore_mem>>) src(%arg7 : memref<128x64xf32, #tpu.memory_space<vmem>>) dst(%dma_wait3A_179 : memref<10240x64xf32, #tpu.memory_space<vmem_shared>>)
        tpu.yield
      }) : () -> ()
      %add3A_141 = arith.constant 2 : i32
      %add3A_142 = arith.addi %add3A_134, %add3A_141 : i32
      %dma_start3A_143 = arith.constant 0 : i32
      %dma_start3A_144 = tpu.memref_slice %arg5[%add3A_142, %dma_start3A_143] : memref<79x128xi32, #tpu.memory_space<vmem>> -> memref<1x128xi32, #tpu.memory_space<vmem>>
      %dma_start3A_145 = tpu.memref_squeeze %dma_start3A_144 : memref<1x128xi32, #tpu.memory_space<vmem>> -> memref<128xi32, #tpu.memory_space<vmem>>
      %dma_start3A_146 = arith.constant 0 : i32
      %dma_start3A_147 = arith.constant 0 : i32
      %dma_start3A_148 = tpu.memref_slice %arg9[%dma_start3A_146, %dma_start3A_147] : memref<10240x64xf32, #tpu.memory_space<vmem_shared>> -> memref<10240x64xf32, #tpu.memory_space<vmem_shared>>
      tpu.enqueue_indirect_dma source(%dma_start3A_148 : memref<10240x64xf32, #tpu.memory_space<vmem_shared>>) target(%arg7 : memref<128x64xf32, #tpu.memory_space<vmem>>) offsets(%dma_start3A_145 : memref<128xi32, #tpu.memory_space<vmem>>) semaphore(%arg11 : memref<!tpu.dma_semaphore, #tpu.memory_space<semaphore_mem>>)
      %mul3A_149 = arith.constant 2 : i32
      %mul3A_150 = arith.muli %scan3A_130, %mul3A_149 : i32
      %add3A_151 = arith.constant 1 : i32
      %add3A_152 = arith.addi %mul3A_150, %add3A_151 : i32
      %dma_wait3A_153 = arith.constant 0 : i32
      %dma_wait3A_154 = tpu.memref_slice %arg5[%add3A_152, %dma_wait3A_153] : memref<79x128xi32, #tpu.memory_space<vmem>> -> memref<1x128xi32, #tpu.memory_space<vmem>>
      %dma_wait3A_155 = tpu.memref_squeeze %dma_wait3A_154 : memref<1x128xi32, #tpu.memory_space<vmem>> -> memref<128xi32, #tpu.memory_space<vmem>>
      %dma_wait3A_156 = arith.constant 0 : i32
      %dma_wait3A_157 = arith.constant 0 : i32
      %dma_wait3A_158 = tpu.memref_slice %arg9[%dma_wait3A_156, %dma_wait3A_157] : memref<10240x64xf32, #tpu.memory_space<vmem_shared>> -> memref<10240x64xf32, #tpu.memory_space<vmem_shared>>
      tpu.wait_indirect_dma semaphore(%arg12 : memref<!tpu.dma_semaphore, #tpu.memory_space<semaphore_mem>>) src(%dma_wait3A_158 : memref<10240x64xf32, #tpu.memory_space<vmem_shared>>) dst(%arg8 : memref<128x64xf32, #tpu.memory_space<vmem>>)
      "tpu.region"() ({
        %run_scoped3A_167 = tpu.sem_alloc : memref<!tpu.dma_semaphore, #tpu.memory_space<semaphore_mem>>
        %dma_start3A_168 = arith.constant 0 : i32
        %dma_start3A_169 = tpu.memref_slice %arg6[%add3A_152, %dma_start3A_168] : memref<79x128xi32, #tpu.memory_space<vmem>> -> memref<1x128xi32, #tpu.memory_space<vmem>>
        %dma_start3A_170 = tpu.memref_squeeze %dma_start3A_169 : memref<1x128xi32, #tpu.memory_space<vmem>> -> memref<128xi32, #tpu.memory_space<vmem>>
        %dma_start3A_171 = arith.constant 0 : i32
        %dma_start3A_172 = arith.constant 0 : i32
        %dma_start3A_173 = tpu.memref_slice %arg10[%dma_start3A_171, %dma_start3A_172] : memref<10240x64xf32, #tpu.memory_space<vmem_shared>> -> memref<10240x64xf32, #tpu.memory_space<vmem_shared>>
        tpu.enqueue_indirect_dma source(%arg8 : memref<128x64xf32, #tpu.memory_space<vmem>>) target(%dma_start3A_173 : memref<10240x64xf32, #tpu.memory_space<vmem_shared>>) offsets(%dma_start3A_170 : memref<128xi32, #tpu.memory_space<vmem>>) semaphore(%run_scoped3A_167 : memref<!tpu.dma_semaphore, #tpu.memory_space<semaphore_mem>>) {add = true}
        %dma_wait3A_174 = arith.constant 0 : i32
        %dma_wait3A_175 = tpu.memref_slice %arg6[%add3A_152, %dma_wait3A_174] : memref<79x128xi32, #tpu.memory_space<vmem>> -> memref<1x128xi32, #tpu.memory_space<vmem>>
        %dma_wait3A_176 = tpu.memref_squeeze %dma_wait3A_175 : memref<1x128xi32, #tpu.memory_space<vmem>> -> memref<128xi32, #tpu.memory_space<vmem>>
        %dma_wait3A_177 = arith.constant 0 : i32
        %dma_wait3A_178 = arith.constant 0 : i32
        %dma_wait3A_179 = tpu.memref_slice %arg10[%dma_wait3A_177, %dma_wait3A_178] : memref<10240x64xf32, #tpu.memory_space<vmem_shared>> -> memref<10240x64xf32, #tpu.memory_space<vmem_shared>>
        tpu.wait_indirect_dma semaphore(%run_scoped3A_167 : memref<!tpu.dma_semaphore, #tpu.memory_space<semaphore_mem>>) src(%arg8 : memref<128x64xf32, #tpu.memory_space<vmem>>) dst(%dma_wait3A_179 : memref<10240x64xf32, #tpu.memory_space<vmem_shared>>)
        tpu.yield
      }) : () -> ()
      %add3A_159 = arith.constant 2 : i32
      %add3A_160 = arith.addi %add3A_152, %add3A_159 : i32
      %dma_start3A_161 = arith.constant 0 : i32
      %dma_start3A_162 = tpu.memref_slice %arg5[%add3A_160, %dma_start3A_161] : memref<79x128xi32, #tpu.memory_space<vmem>> -> memref<1x128xi32, #tpu.memory_space<vmem>>
      %dma_start3A_163 = tpu.memref_squeeze %dma_start3A_162 : memref<1x128xi32, #tpu.memory_space<vmem>> -> memref<128xi32, #tpu.memory_space<vmem>>
      %dma_start3A_164 = arith.constant 0 : i32
      %dma_start3A_165 = arith.constant 0 : i32
      %dma_start3A_166 = tpu.memref_slice %arg9[%dma_start3A_164, %dma_start3A_165] : memref<10240x64xf32, #tpu.memory_space<vmem_shared>> -> memref<10240x64xf32, #tpu.memory_space<vmem_shared>>
      tpu.enqueue_indirect_dma source(%dma_start3A_166 : memref<10240x64xf32, #tpu.memory_space<vmem_shared>>) target(%arg8 : memref<128x64xf32, #tpu.memory_space<vmem>>) offsets(%dma_start3A_163 : memref<128xi32, #tpu.memory_space<vmem>>) semaphore(%arg12 : memref<!tpu.dma_semaphore, #tpu.memory_space<semaphore_mem>>)
    }
    %scan3A_109 = arith.constant 38 : i32
    %dma_wait3A_110 = arith.constant 76 : i32
    %dma_wait3A_111 = arith.constant 0 : i32
    %dma_wait3A_112 = tpu.memref_slice %arg5[%dma_wait3A_110, %dma_wait3A_111] : memref<79x128xi32, #tpu.memory_space<vmem>> -> memref<1x128xi32, #tpu.memory_space<vmem>>
    %dma_wait3A_113 = tpu.memref_squeeze %dma_wait3A_112 : memref<1x128xi32, #tpu.memory_space<vmem>> -> memref<128xi32, #tpu.memory_space<vmem>>
    %dma_wait3A_114 = arith.constant 0 : i32
    %dma_wait3A_115 = arith.constant 0 : i32
    %dma_wait3A_116 = tpu.memref_slice %arg9[%dma_wait3A_114, %dma_wait3A_115] : memref<10240x64xf32, #tpu.memory_space<vmem_shared>> -> memref<10240x64xf32, #tpu.memory_space<vmem_shared>>
    tpu.wait_indirect_dma semaphore(%arg11 : memref<!tpu.dma_semaphore, #tpu.memory_space<semaphore_mem>>) src(%dma_wait3A_116 : memref<10240x64xf32, #tpu.memory_space<vmem_shared>>) dst(%arg7 : memref<128x64xf32, #tpu.memory_space<vmem>>)
    %run_scoped3A = arith.constant 76 : i32
    "tpu.region"() ({
      %run_scoped3A_130 = tpu.sem_alloc : memref<!tpu.dma_semaphore, #tpu.memory_space<semaphore_mem>>
      %dma_start3A_131 = arith.constant 0 : i32
      %dma_start3A_132 = tpu.memref_slice %arg6[%run_scoped3A, %dma_start3A_131] : memref<79x128xi32, #tpu.memory_space<vmem>> -> memref<1x128xi32, #tpu.memory_space<vmem>>
      %dma_start3A_133 = tpu.memref_squeeze %dma_start3A_132 : memref<1x128xi32, #tpu.memory_space<vmem>> -> memref<128xi32, #tpu.memory_space<vmem>>
      %dma_start3A_134 = arith.constant 0 : i32
      %dma_start3A_135 = arith.constant 0 : i32
      %dma_start3A_136 = tpu.memref_slice %arg10[%dma_start3A_134, %dma_start3A_135] : memref<10240x64xf32, #tpu.memory_space<vmem_shared>> -> memref<10240x64xf32, #tpu.memory_space<vmem_shared>>
      tpu.enqueue_indirect_dma source(%arg7 : memref<128x64xf32, #tpu.memory_space<vmem>>) target(%dma_start3A_136 : memref<10240x64xf32, #tpu.memory_space<vmem_shared>>) offsets(%dma_start3A_133 : memref<128xi32, #tpu.memory_space<vmem>>) semaphore(%run_scoped3A_130 : memref<!tpu.dma_semaphore, #tpu.memory_space<semaphore_mem>>) {add = true}
      %dma_wait3A_137 = arith.constant 0 : i32
      %dma_wait3A_138 = tpu.memref_slice %arg6[%run_scoped3A, %dma_wait3A_137] : memref<79x128xi32, #tpu.memory_space<vmem>> -> memref<1x128xi32, #tpu.memory_space<vmem>>
      %dma_wait3A_139 = tpu.memref_squeeze %dma_wait3A_138 : memref<1x128xi32, #tpu.memory_space<vmem>> -> memref<128xi32, #tpu.memory_space<vmem>>
      %dma_wait3A_140 = arith.constant 0 : i32
      %dma_wait3A_141 = arith.constant 0 : i32
      %dma_wait3A_142 = tpu.memref_slice %arg10[%dma_wait3A_140, %dma_wait3A_141] : memref<10240x64xf32, #tpu.memory_space<vmem_shared>> -> memref<10240x64xf32, #tpu.memory_space<vmem_shared>>
      tpu.wait_indirect_dma semaphore(%run_scoped3A_130 : memref<!tpu.dma_semaphore, #tpu.memory_space<semaphore_mem>>) src(%arg7 : memref<128x64xf32, #tpu.memory_space<vmem>>) dst(%dma_wait3A_142 : memref<10240x64xf32, #tpu.memory_space<vmem_shared>>)
      tpu.yield
    }) : () -> ()
    %dma_wait3A_117 = arith.constant 77 : i32
    %dma_wait3A_118 = arith.constant 0 : i32
    %dma_wait3A_119 = tpu.memref_slice %arg5[%dma_wait3A_117, %dma_wait3A_118] : memref<79x128xi32, #tpu.memory_space<vmem>> -> memref<1x128xi32, #tpu.memory_space<vmem>>
    %dma_wait3A_120 = tpu.memref_squeeze %dma_wait3A_119 : memref<1x128xi32, #tpu.memory_space<vmem>> -> memref<128xi32, #tpu.memory_space<vmem>>
    %dma_wait3A_121 = arith.constant 0 : i32
    %dma_wait3A_122 = arith.constant 0 : i32
    %dma_wait3A_123 = tpu.memref_slice %arg9[%dma_wait3A_121, %dma_wait3A_122] : memref<10240x64xf32, #tpu.memory_space<vmem_shared>> -> memref<10240x64xf32, #tpu.memory_space<vmem_shared>>
    tpu.wait_indirect_dma semaphore(%arg12 : memref<!tpu.dma_semaphore, #tpu.memory_space<semaphore_mem>>) src(%dma_wait3A_123 : memref<10240x64xf32, #tpu.memory_space<vmem_shared>>) dst(%arg8 : memref<128x64xf32, #tpu.memory_space<vmem>>)
    %run_scoped3A_124 = arith.constant 77 : i32
    "tpu.region"() ({
      %run_scoped3A_130 = tpu.sem_alloc : memref<!tpu.dma_semaphore, #tpu.memory_space<semaphore_mem>>
      %dma_start3A_131 = arith.constant 0 : i32
      %dma_start3A_132 = tpu.memref_slice %arg6[%run_scoped3A_124, %dma_start3A_131] : memref<79x128xi32, #tpu.memory_space<vmem>> -> memref<1x128xi32, #tpu.memory_space<vmem>>
      %dma_start3A_133 = tpu.memref_squeeze %dma_start3A_132 : memref<1x128xi32, #tpu.memory_space<vmem>> -> memref<128xi32, #tpu.memory_space<vmem>>
      %dma_start3A_134 = arith.constant 0 : i32
      %dma_start3A_135 = arith.constant 0 : i32
      %dma_start3A_136 = tpu.memref_slice %arg10[%dma_start3A_134, %dma_start3A_135] : memref<10240x64xf32, #tpu.memory_space<vmem_shared>> -> memref<10240x64xf32, #tpu.memory_space<vmem_shared>>
      tpu.enqueue_indirect_dma source(%arg8 : memref<128x64xf32, #tpu.memory_space<vmem>>) target(%dma_start3A_136 : memref<10240x64xf32, #tpu.memory_space<vmem_shared>>) offsets(%dma_start3A_133 : memref<128xi32, #tpu.memory_space<vmem>>) semaphore(%run_scoped3A_130 : memref<!tpu.dma_semaphore, #tpu.memory_space<semaphore_mem>>) {add = true}
      %dma_wait3A_137 = arith.constant 0 : i32
      %dma_wait3A_138 = tpu.memref_slice %arg6[%run_scoped3A_124, %dma_wait3A_137] : memref<79x128xi32, #tpu.memory_space<vmem>> -> memref<1x128xi32, #tpu.memory_space<vmem>>
      %dma_wait3A_139 = tpu.memref_squeeze %dma_wait3A_138 : memref<1x128xi32, #tpu.memory_space<vmem>> -> memref<128xi32, #tpu.memory_space<vmem>>
      %dma_wait3A_140 = arith.constant 0 : i32
      %dma_wait3A_141 = arith.constant 0 : i32
      %dma_wait3A_142 = tpu.memref_slice %arg10[%dma_wait3A_140, %dma_wait3A_141] : memref<10240x64xf32, #tpu.memory_space<vmem_shared>> -> memref<10240x64xf32, #tpu.memory_space<vmem_shared>>
      tpu.wait_indirect_dma semaphore(%run_scoped3A_130 : memref<!tpu.dma_semaphore, #tpu.memory_space<semaphore_mem>>) src(%arg8 : memref<128x64xf32, #tpu.memory_space<vmem>>) dst(%dma_wait3A_142 : memref<10240x64xf32, #tpu.memory_space<vmem_shared>>)
      tpu.yield
    }) : () -> ()
    %barrier3A_125 = arith.constant 0 : index
    tpu.barrier barrier_id(%barrier3A_125)
    %mul3A_126 = arith.constant 640 : i32
    %mul3A_127 = arith.muli %arg1, %mul3A_126 : i32
    %mul3A_128 = arith.constant 640 : i32
    %mul3A_129 = arith.muli %arg1, %mul3A_128 : i32
    "tpu.region"() ({
      %run_scoped3A_130 = tpu.sem_alloc : memref<!tpu.dma_semaphore, #tpu.memory_space<semaphore_mem>>
      %dma_start3A_131 = arith.constant 0 : i32
      %dma_start3A_132 = tpu.memref_slice %arg4[%arg0, %mul3A_129, %dma_start3A_131] : memref<2x10240x64xf32, #tpu.memory_space<hbm>> -> memref<1x640x64xf32, #tpu.memory_space<hbm>>
      %dma_start3A_133 = tpu.memref_squeeze %dma_start3A_132 : memref<1x640x64xf32, #tpu.memory_space<hbm>> -> memref<640x64xf32, #tpu.memory_space<hbm>>
      %dma_start3A_134 = arith.constant 0 : i32
      %dma_start3A_135 = tpu.memref_slice %arg10[%mul3A_127, %dma_start3A_134] : memref<10240x64xf32, #tpu.memory_space<vmem_shared>> -> memref<640x64xf32, #tpu.memory_space<vmem_shared>>
      tpu.enqueue_dma source(%dma_start3A_135 : memref<640x64xf32, #tpu.memory_space<vmem_shared>>) target(%dma_start3A_133 : memref<640x64xf32, #tpu.memory_space<hbm>>) target_semaphore(%run_scoped3A_130 : memref<!tpu.dma_semaphore, #tpu.memory_space<semaphore_mem>>)
      %dma_wait3A_136 = arith.constant 0 : i32
      %dma_wait3A_137 = tpu.memref_slice %arg4[%arg0, %mul3A_129, %dma_wait3A_136] : memref<2x10240x64xf32, #tpu.memory_space<hbm>> -> memref<1x640x64xf32, #tpu.memory_space<hbm>>
      %dma_wait3A_138 = tpu.memref_squeeze %dma_wait3A_137 : memref<1x640x64xf32, #tpu.memory_space<hbm>> -> memref<640x64xf32, #tpu.memory_space<hbm>>
      %dma_wait3A_139 = arith.constant 0 : i32
      %dma_wait3A_140 = tpu.memref_slice %arg10[%mul3A_127, %dma_wait3A_139] : memref<10240x64xf32, #tpu.memory_space<vmem_shared>> -> memref<640x64xf32, #tpu.memory_space<vmem_shared>>
      tpu.wait_dma2 semaphore(%run_scoped3A_130 : memref<!tpu.dma_semaphore, #tpu.memory_space<semaphore_mem>>) src(%dma_wait3A_140 : memref<640x64xf32, #tpu.memory_space<vmem_shared>>) dst(%dma_wait3A_138 : memref<640x64xf32, #tpu.memory_space<hbm>>)
      tpu.yield
    }) : () -> ()
    return
  }
}

#map = affine_map<(d0, d1) -> (0, 0, 0)>
#map1 = affine_map<(d0, d1) -> (0, 0)>
module attributes {stable_mosaic.version = 14 : i64} {
  func.func @_agg64(%arg0: i32, %arg1: i32, %arg2: memref<2x2500x128xi32, #tpu.memory_space<hbm>>, %arg3: memref<10240x128xf32, #tpu.memory_space<hbm>>, %arg4: memref<2x10240x64xf32, #tpu.memory_space<hbm>>, %arg5: memref<79x128xi32, #tpu.memory_space<vmem>>, %arg6: memref<79x128xi32, #tpu.memory_space<vmem>>, %arg7: memref<128x64xf32, #tpu.memory_space<vmem>>, %arg8: memref<128x64xf32, #tpu.memory_space<vmem>>, %arg9: memref<10240x64xf32, #tpu.memory_space<vmem_shared>>, %arg10: memref<10240x64xf32, #tpu.memory_space<vmem_shared>>, %arg11: memref<!tpu.dma_semaphore, #tpu.memory_space<semaphore_mem>>, %arg12: memref<!tpu.dma_semaphore, #tpu.memory_space<semaphore_mem>>, %arg13: memref<!tpu.dma_semaphore, #tpu.memory_space<semaphore_mem>>, %arg14: memref<!tpu.dma_semaphore, #tpu.memory_space<semaphore_mem>>, %arg15: memref<!tpu.dma_semaphore, #tpu.memory_space<semaphore_mem>>, %arg16: memref<!tpu.dma_semaphore, #tpu.memory_space<semaphore_mem>>) attributes {dimension_semantics = [#tpu.dimension_semantics<core_parallel>, #tpu.dimension_semantics<subcore_parallel>], iteration_bounds = array<i64: 2, 16>, scalar_prefetch = 0 : i64, scratch_operands = 12 : i64, tpu.core_type = #tpu.core_type<sc_vector_subcore>, window_params = [{transform_indices = #map}, {transform_indices = #map1}, {transform_indices = #map}]} {
    %mul3A = arith.constant 2 : i32
    %mul3A_0 = arith.muli %arg1, %mul3A : i32
    %add3A = arith.addi %mul3A_0, %arg0 : i32
    %lt3A = arith.constant 4 : i32
    %lt3A_1 = arith.cmpi slt, %add3A, %lt3A : i32
    %mul3A_2 = arith.constant 79 : i32
    %mul3A_3 = arith.muli %add3A, %mul3A_2 : i32
    %mul3A_4 = arith.constant 78 : i32
    %mul3A_5 = arith.muli %add3A, %mul3A_4 : i32
    %add3A_6 = arith.constant 4 : i32
    %add3A_7 = arith.addi %mul3A_5, %add3A_6 : i32
    %select_n3A = arith.select %lt3A_1, %mul3A_3, %add3A_7 : i32
    %dma_start3A = arith.constant 0 : i32
    %dma_start3A_8 = arith.constant 0 : i32
    %dma_start3A_9 = arith.constant 0 : i32
    %dma_start3A_10 = tpu.memref_slice %arg5[%dma_start3A_8, %dma_start3A_9] : memref<79x128xi32, #tpu.memory_space<vmem>> -> memref<78x128xi32, #tpu.memory_space<vmem>>
    %dma_start3A_11 = arith.constant 0 : i32
    %dma_start3A_12 = tpu.memref_slice %arg2[%dma_start3A, %select_n3A, %dma_start3A_11] : memref<2x2500x128xi32, #tpu.memory_space<hbm>> -> memref<1x78x128xi32, #tpu.memory_space<hbm>>
    %dma_start3A_13 = tpu.memref_squeeze %dma_start3A_12 : memref<1x78x128xi32, #tpu.memory_space<hbm>> -> memref<78x128xi32, #tpu.memory_space<hbm>>
    %dma_start3A_14 = arith.constant 0 : i32
    %dma_start3A_15 = arith.constant 0 : i32
    %dma_start3A_16 = tpu.memref_slice %arg5[%dma_start3A_14, %dma_start3A_15] : memref<79x128xi32, #tpu.memory_space<vmem>> -> memref<78x128xi32, #tpu.memory_space<vmem>>
    %dma_start3A_17 = arith.constant 0 : i32
    %dma_start3A_18 = tpu.memref_slice %arg2[%dma_start3A, %select_n3A, %dma_start3A_17] : memref<2x2500x128xi32, #tpu.memory_space<hbm>> -> memref<1x78x128xi32, #tpu.memory_space<hbm>>
    %dma_start3A_19 = tpu.memref_squeeze %dma_start3A_18 : memref<1x78x128xi32, #tpu.memory_space<hbm>> -> memref<78x128xi32, #tpu.memory_space<hbm>>
    tpu.enqueue_dma source(%dma_start3A_19 : memref<78x128xi32, #tpu.memory_space<hbm>>) target(%dma_start3A_16 : memref<78x128xi32, #tpu.memory_space<vmem>>) target_semaphore(%arg15 : memref<!tpu.dma_semaphore, #tpu.memory_space<semaphore_mem>>)
    %dma_start3A_20 = arith.constant 1 : i32
    %dma_start3A_21 = arith.constant 0 : i32
    %dma_start3A_22 = arith.constant 0 : i32
    %dma_start3A_23 = tpu.memref_slice %arg6[%dma_start3A_21, %dma_start3A_22] : memref<79x128xi32, #tpu.memory_space<vmem>> -> memref<78x128xi32, #tpu.memory_space<vmem>>
    %dma_start3A_24 = arith.constant 0 : i32
    %dma_start3A_25 = tpu.memref_slice %arg2[%dma_start3A_20, %select_n3A, %dma_start3A_24] : memref<2x2500x128xi32, #tpu.memory_space<hbm>> -> memref<1x78x128xi32, #tpu.memory_space<hbm>>
    %dma_start3A_26 = tpu.memref_squeeze %dma_start3A_25 : memref<1x78x128xi32, #tpu.memory_space<hbm>> -> memref<78x128xi32, #tpu.memory_space<hbm>>
    %dma_start3A_27 = arith.constant 0 : i32
    %dma_start3A_28 = arith.constant 0 : i32
    %dma_start3A_29 = tpu.memref_slice %arg6[%dma_start3A_27, %dma_start3A_28] : memref<79x128xi32, #tpu.memory_space<vmem>> -> memref<78x128xi32, #tpu.memory_space<vmem>>
    %dma_start3A_30 = arith.constant 0 : i32
    %dma_start3A_31 = tpu.memref_slice %arg2[%dma_start3A_20, %select_n3A, %dma_start3A_30] : memref<2x2500x128xi32, #tpu.memory_space<hbm>> -> memref<1x78x128xi32, #tpu.memory_space<hbm>>
    %dma_start3A_32 = tpu.memref_squeeze %dma_start3A_31 : memref<1x78x128xi32, #tpu.memory_space<hbm>> -> memref<78x128xi32, #tpu.memory_space<hbm>>
    tpu.enqueue_dma source(%dma_start3A_32 : memref<78x128xi32, #tpu.memory_space<hbm>>) target(%dma_start3A_29 : memref<78x128xi32, #tpu.memory_space<vmem>>) target_semaphore(%arg15 : memref<!tpu.dma_semaphore, #tpu.memory_space<semaphore_mem>>)
    %mul3A_33 = arith.constant 640 : i32
    %mul3A_34 = arith.muli %arg1, %mul3A_33 : i32
    %mul3A_35 = arith.constant 640 : i32
    %mul3A_36 = arith.muli %arg1, %mul3A_35 : i32
    %dma_start3A_37 = arith.constant 0 : i32
    %dma_start3A_38 = tpu.memref_slice %arg9[%mul3A_36, %dma_start3A_37] : memref<10240x64xf32, #tpu.memory_space<vmem_shared>> -> memref<640x64xf32, #tpu.memory_space<vmem_shared>>
    %dma_start3A_39 = arith.constant 64 : i32
    %dma_start3A_40 = tpu.memref_slice %arg3[%mul3A_34, %dma_start3A_39] : memref<10240x128xf32, #tpu.memory_space<hbm>> -> memref<640x64xf32, #tpu.memory_space<hbm>>
    tpu.enqueue_dma source(%dma_start3A_40 : memref<640x64xf32, #tpu.memory_space<hbm>>) target(%dma_start3A_38 : memref<640x64xf32, #tpu.memory_space<vmem_shared>>) target_semaphore(%arg16 : memref<!tpu.dma_semaphore, #tpu.memory_space<semaphore_mem>>)
    %scan3A = arith.constant 0 : i32
    %scan3A_41 = arith.constant 512 : i32
    %scan3A_42 = arith.addi %scan3A, %scan3A_41 : i32
    %scan3A_43 = arith.constant 1 : i32
    scf.for %scan3A_130 = %scan3A to %scan3A_42 step %scan3A_43  : i32 {
      %broadcast_in_dim3A = arith.constant 0.000000e+00 : f32
      %broadcast_in_dim3A_131 = vector.broadcast %broadcast_in_dim3A : f32 to vector<16xf32>
      %jit3A = arith.constant 4 : i32
      %div3A = arith.divsi %scan3A_130, %jit3A : i32
      %sign3A = arith.constant 0 : i32
      %sign3A_132 = arith.cmpi sgt, %scan3A_130, %sign3A : i32
      %sign3A_133 = arith.extui %sign3A_132 : i1 to i32
      %sign3A_134 = arith.constant 0 : i32
      %sign3A_135 = arith.cmpi slt, %scan3A_130, %sign3A_134 : i32
      %sign3A_136 = arith.extui %sign3A_135 : i1 to i32
      %sign3A_137 = arith.subi %sign3A_133, %sign3A_136 : i32
      %sign3A_138 = arith.constant 0 : i32
      %sign3A_139 = arith.cmpi sgt, %jit3A, %sign3A_138 : i32
      %sign3A_140 = arith.extui %sign3A_139 : i1 to i32
      %sign3A_141 = arith.constant 0 : i32
      %sign3A_142 = arith.cmpi slt, %jit3A, %sign3A_141 : i32
      %sign3A_143 = arith.extui %sign3A_142 : i1 to i32
      %sign3A_144 = arith.subi %sign3A_140, %sign3A_143 : i32
      %ne3A = arith.cmpi ne, %sign3A_137, %sign3A_144 : i32
      %rem3A = arith.remsi %scan3A_130, %jit3A : i32
      %ne3A_145 = arith.constant 0 : i32
      %ne3A_146 = arith.cmpi ne, %rem3A, %ne3A_145 : i32
      %and3A = arith.andi %ne3A, %ne3A_146 : i1
      %sub3A = arith.constant 1 : i32
      %sub3A_147 = arith.subi %div3A, %sub3A : i32
      %select_n3A_148 = arith.select %and3A, %sub3A_147, %div3A : i32
      %jit3A_149 = arith.constant 4 : i32
      %eq3A = arith.constant 0 : i32
      %eq3A_150 = arith.cmpi eq, %jit3A_149, %eq3A : i32
      %jit3A_151 = arith.constant 1 : i32
      %select_n3A_152 = arith.select %eq3A_150, %jit3A_151, %jit3A_149 : i32
      %rem3A_153 = arith.remsi %scan3A_130, %select_n3A_152 : i32
      %ne3A_154 = arith.constant 0 : i32
      %ne3A_155 = arith.cmpi ne, %rem3A_153, %ne3A_154 : i32
      %lt3A_156 = arith.constant 0 : i32
      %lt3A_157 = arith.cmpi slt, %rem3A_153, %lt3A_156 : i32
      %lt3A_158 = arith.constant 0 : i32
      %lt3A_159 = arith.cmpi slt, %select_n3A_152, %lt3A_158 : i32
      %ne3A_160 = arith.xori %lt3A_157, %lt3A_159 : i1
      %and3A_161 = arith.andi %ne3A_160, %ne3A_155 : i1
      %add3A_162 = arith.addi %rem3A_153, %select_n3A_152 : i32
      %select_n3A_163 = arith.select %and3A_161, %add3A_162, %rem3A_153 : i32
      %mul3A_164 = arith.constant 16 : i32
      %mul3A_165 = arith.muli %select_n3A_163, %mul3A_164 : i32
      %swap3A = arith.index_cast %select_n3A_148 : i32 to index
      %swap3A_166 = arith.index_cast %mul3A_165 : i32 to index
      %swap3A_167 = tpu.vector_load %arg7[%swap3A, %swap3A_166] {strides = array<i32>} : memref<128x64xf32, #tpu.memory_space<vmem>>, vector<1x16xf32>,
      %swap3A_168 = vector.shape_cast %swap3A_167 : vector<1x16xf32> to vector<16xf32>
      %swap3A_169 = vector.shape_cast %broadcast_in_dim3A_131 : vector<16xf32> to vector<1x16xf32>
      tpu.vector_store %arg7[%swap3A, %swap3A_166], %swap3A_169 {strides = array<i32>} : memref<128x64xf32, #tpu.memory_space<vmem>>, vector<1x16xf32>,
    }
    %scan3A_44 = arith.constant 512 : i32
    %scan3A_45 = arith.constant 0 : i32
    %scan3A_46 = arith.constant 5 : i32
    %scan3A_47 = arith.addi %scan3A_45, %scan3A_46 : i32
    %scan3A_48 = arith.constant 1 : i32
    scf.for %scan3A_130 = %scan3A_45 to %scan3A_47 step %scan3A_48  : i32 {
      %mul3A_131 = arith.constant 640 : i32
      %mul3A_132 = arith.muli %arg1, %mul3A_131 : i32
      %mul3A_133 = arith.constant 128 : i32
      %mul3A_134 = arith.muli %scan3A_130, %mul3A_133 : i32
      %add3A_135 = arith.addi %mul3A_132, %mul3A_134 : i32
      "tpu.region"() ({
        %run_scoped3A_136 = tpu.sem_alloc : memref<!tpu.dma_semaphore, #tpu.memory_space<semaphore_mem>>
        %dma_start3A_137 = arith.constant 0 : i32
        %dma_start3A_138 = tpu.memref_slice %arg10[%add3A_135, %dma_start3A_137] : memref<10240x64xf32, #tpu.memory_space<vmem_shared>> -> memref<128x64xf32, #tpu.memory_space<vmem_shared>>
        %dma_start3A_139 = arith.constant 0 : i32
        %dma_start3A_140 = tpu.memref_slice %arg10[%add3A_135, %dma_start3A_139] : memref<10240x64xf32, #tpu.memory_space<vmem_shared>> -> memref<128x64xf32, #tpu.memory_space<vmem_shared>>
        tpu.enqueue_dma source(%arg7 : memref<128x64xf32, #tpu.memory_space<vmem>>) target(%dma_start3A_140 : memref<128x64xf32, #tpu.memory_space<vmem_shared>>) target_semaphore(%run_scoped3A_136 : memref<!tpu.dma_semaphore, #tpu.memory_space<semaphore_mem>>)
        %dma_wait3A_141 = arith.constant 0 : i32
        %dma_wait3A_142 = tpu.memref_slice %arg10[%add3A_135, %dma_wait3A_141] : memref<10240x64xf32, #tpu.memory_space<vmem_shared>> -> memref<128x64xf32, #tpu.memory_space<vmem_shared>>
        %dma_wait3A_143 = arith.constant 0 : i32
        %dma_wait3A_144 = tpu.memref_slice %arg10[%add3A_135, %dma_wait3A_143] : memref<10240x64xf32, #tpu.memory_space<vmem_shared>> -> memref<128x64xf32, #tpu.memory_space<vmem_shared>>
        tpu.wait_dma2 semaphore(%run_scoped3A_136 : memref<!tpu.dma_semaphore, #tpu.memory_space<semaphore_mem>>) src(%arg7 : memref<128x64xf32, #tpu.memory_space<vmem>>) dst(%dma_wait3A_144 : memref<128x64xf32, #tpu.memory_space<vmem_shared>>)
        tpu.yield
      }) : () -> ()
    }
    %scan3A_49 = arith.constant 5 : i32
    %dma_wait3A = arith.constant 0 : i32
    %dma_wait3A_50 = arith.constant 0 : i32
    %dma_wait3A_51 = arith.constant 0 : i32
    %dma_wait3A_52 = tpu.memref_slice %arg5[%dma_wait3A_50, %dma_wait3A_51] : memref<79x128xi32, #tpu.memory_space<vmem>> -> memref<78x128xi32, #tpu.memory_space<vmem>>
    %dma_wait3A_53 = arith.constant 0 : i32
    %dma_wait3A_54 = tpu.memref_slice %arg2[%dma_wait3A, %select_n3A, %dma_wait3A_53] : memref<2x2500x128xi32, #tpu.memory_space<hbm>> -> memref<1x78x128xi32, #tpu.memory_space<hbm>>
    %dma_wait3A_55 = tpu.memref_squeeze %dma_wait3A_54 : memref<1x78x128xi32, #tpu.memory_space<hbm>> -> memref<78x128xi32, #tpu.memory_space<hbm>>
    %dma_wait3A_56 = arith.constant 0 : i32
    %dma_wait3A_57 = arith.constant 0 : i32
    %dma_wait3A_58 = tpu.memref_slice %arg5[%dma_wait3A_56, %dma_wait3A_57] : memref<79x128xi32, #tpu.memory_space<vmem>> -> memref<78x128xi32, #tpu.memory_space<vmem>>
    %dma_wait3A_59 = arith.constant 0 : i32
    %dma_wait3A_60 = tpu.memref_slice %arg2[%dma_wait3A, %select_n3A, %dma_wait3A_59] : memref<2x2500x128xi32, #tpu.memory_space<hbm>> -> memref<1x78x128xi32, #tpu.memory_space<hbm>>
    %dma_wait3A_61 = tpu.memref_squeeze %dma_wait3A_60 : memref<1x78x128xi32, #tpu.memory_space<hbm>> -> memref<78x128xi32, #tpu.memory_space<hbm>>
    tpu.wait_dma2 semaphore(%arg15 : memref<!tpu.dma_semaphore, #tpu.memory_space<semaphore_mem>>) src(%dma_wait3A_61 : memref<78x128xi32, #tpu.memory_space<hbm>>) dst(%dma_wait3A_58 : memref<78x128xi32, #tpu.memory_space<vmem>>)
    %dma_wait3A_62 = arith.constant 1 : i32
    %dma_wait3A_63 = arith.constant 0 : i32
    %dma_wait3A_64 = arith.constant 0 : i32
    %dma_wait3A_65 = tpu.memref_slice %arg6[%dma_wait3A_63, %dma_wait3A_64] : memref<79x128xi32, #tpu.memory_space<vmem>> -> memref<78x128xi32, #tpu.memory_space<vmem>>
    %dma_wait3A_66 = arith.constant 0 : i32
    %dma_wait3A_67 = tpu.memref_slice %arg2[%dma_wait3A_62, %select_n3A, %dma_wait3A_66] : memref<2x2500x128xi32, #tpu.memory_space<hbm>> -> memref<1x78x128xi32, #tpu.memory_space<hbm>>
    %dma_wait3A_68 = tpu.memref_squeeze %dma_wait3A_67 : memref<1x78x128xi32, #tpu.memory_space<hbm>> -> memref<78x128xi32, #tpu.memory_space<hbm>>
    %dma_wait3A_69 = arith.constant 0 : i32
    %dma_wait3A_70 = arith.constant 0 : i32
    %dma_wait3A_71 = tpu.memref_slice %arg6[%dma_wait3A_69, %dma_wait3A_70] : memref<79x128xi32, #tpu.memory_space<vmem>> -> memref<78x128xi32, #tpu.memory_space<vmem>>
    %dma_wait3A_72 = arith.constant 0 : i32
    %dma_wait3A_73 = tpu.memref_slice %arg2[%dma_wait3A_62, %select_n3A, %dma_wait3A_72] : memref<2x2500x128xi32, #tpu.memory_space<hbm>> -> memref<1x78x128xi32, #tpu.memory_space<hbm>>
    %dma_wait3A_74 = tpu.memref_squeeze %dma_wait3A_73 : memref<1x78x128xi32, #tpu.memory_space<hbm>> -> memref<78x128xi32, #tpu.memory_space<hbm>>
    tpu.wait_dma2 semaphore(%arg15 : memref<!tpu.dma_semaphore, #tpu.memory_space<semaphore_mem>>) src(%dma_wait3A_74 : memref<78x128xi32, #tpu.memory_space<hbm>>) dst(%dma_wait3A_71 : memref<78x128xi32, #tpu.memory_space<vmem>>)
    %lt3A_75 = arith.constant 4 : i32
    %lt3A_76 = arith.cmpi slt, %add3A, %lt3A_75 : i32
    %convert_element_type3A = arith.extui %lt3A_76 : i1 to i32
    %cond3A = arith.constant 0 : i32
    %cond3A_77 = arith.cmpi ne, %convert_element_type3A, %cond3A : i32
    scf.if %cond3A_77 {
      %add3A_130 = arith.constant 78 : i32
      %add3A_131 = arith.addi %select_n3A, %add3A_130 : i32
      %run_scoped3A_132 = arith.constant 0 : i32
      "tpu.region"() ({
        %run_scoped3A_136 = tpu.sem_alloc : memref<!tpu.dma_semaphore, #tpu.memory_space<semaphore_mem>>
        %dma_start3A_137 = arith.constant 78 : i32
        %dma_start3A_138 = arith.constant 0 : i32
        %dma_start3A_139 = tpu.memref_slice %arg5[%dma_start3A_137, %dma_start3A_138] : memref<79x128xi32, #tpu.memory_space<vmem>> -> memref<1x128xi32, #tpu.memory_space<vmem>>
        %dma_start3A_140 = arith.constant 0 : i32
        %dma_start3A_141 = tpu.memref_slice %arg2[%run_scoped3A_132, %add3A_131, %dma_start3A_140] : memref<2x2500x128xi32, #tpu.memory_space<hbm>> -> memref<1x1x128xi32, #tpu.memory_space<hbm>>
        %dma_start3A_142 = tpu.memref_squeeze %dma_start3A_141 : memref<1x1x128xi32, #tpu.memory_space<hbm>> -> memref<1x128xi32, #tpu.memory_space<hbm>>
        %dma_start3A_143 = arith.constant 78 : i32
        %dma_start3A_144 = arith.constant 0 : i32
        %dma_start3A_145 = tpu.memref_slice %arg5[%dma_start3A_143, %dma_start3A_144] : memref<79x128xi32, #tpu.memory_space<vmem>> -> memref<1x128xi32, #tpu.memory_space<vmem>>
        %dma_start3A_146 = arith.constant 0 : i32
        %dma_start3A_147 = tpu.memref_slice %arg2[%run_scoped3A_132, %add3A_131, %dma_start3A_146] : memref<2x2500x128xi32, #tpu.memory_space<hbm>> -> memref<1x1x128xi32, #tpu.memory_space<hbm>>
        %dma_start3A_148 = tpu.memref_squeeze %dma_start3A_147 : memref<1x1x128xi32, #tpu.memory_space<hbm>> -> memref<1x128xi32, #tpu.memory_space<hbm>>
        tpu.enqueue_dma source(%dma_start3A_148 : memref<1x128xi32, #tpu.memory_space<hbm>>) target(%dma_start3A_145 : memref<1x128xi32, #tpu.memory_space<vmem>>) target_semaphore(%run_scoped3A_136 : memref<!tpu.dma_semaphore, #tpu.memory_space<semaphore_mem>>)
        %dma_wait3A_149 = arith.constant 78 : i32
        %dma_wait3A_150 = arith.constant 0 : i32
        %dma_wait3A_151 = tpu.memref_slice %arg5[%dma_wait3A_149, %dma_wait3A_150] : memref<79x128xi32, #tpu.memory_space<vmem>> -> memref<1x128xi32, #tpu.memory_space<vmem>>
        %dma_wait3A_152 = arith.constant 0 : i32
        %dma_wait3A_153 = tpu.memref_slice %arg2[%run_scoped3A_132, %add3A_131, %dma_wait3A_152] : memref<2x2500x128xi32, #tpu.memory_space<hbm>> -> memref<1x1x128xi32, #tpu.memory_space<hbm>>
        %dma_wait3A_154 = tpu.memref_squeeze %dma_wait3A_153 : memref<1x1x128xi32, #tpu.memory_space<hbm>> -> memref<1x128xi32, #tpu.memory_space<hbm>>
        %dma_wait3A_155 = arith.constant 78 : i32
        %dma_wait3A_156 = arith.constant 0 : i32
        %dma_wait3A_157 = tpu.memref_slice %arg5[%dma_wait3A_155, %dma_wait3A_156] : memref<79x128xi32, #tpu.memory_space<vmem>> -> memref<1x128xi32, #tpu.memory_space<vmem>>
        %dma_wait3A_158 = arith.constant 0 : i32
        %dma_wait3A_159 = tpu.memref_slice %arg2[%run_scoped3A_132, %add3A_131, %dma_wait3A_158] : memref<2x2500x128xi32, #tpu.memory_space<hbm>> -> memref<1x1x128xi32, #tpu.memory_space<hbm>>
        %dma_wait3A_160 = tpu.memref_squeeze %dma_wait3A_159 : memref<1x1x128xi32, #tpu.memory_space<hbm>> -> memref<1x128xi32, #tpu.memory_space<hbm>>
        tpu.wait_dma2 semaphore(%run_scoped3A_136 : memref<!tpu.dma_semaphore, #tpu.memory_space<semaphore_mem>>) src(%dma_wait3A_160 : memref<1x128xi32, #tpu.memory_space<hbm>>) dst(%dma_wait3A_157 : memref<1x128xi32, #tpu.memory_space<vmem>>)
        tpu.yield
      }) : () -> ()
      %add3A_133 = arith.constant 78 : i32
      %add3A_134 = arith.addi %select_n3A, %add3A_133 : i32
      %run_scoped3A_135 = arith.constant 1 : i32
      "tpu.region"() ({
        %run_scoped3A_136 = tpu.sem_alloc : memref<!tpu.dma_semaphore, #tpu.memory_space<semaphore_mem>>
        %dma_start3A_137 = arith.constant 78 : i32
        %dma_start3A_138 = arith.constant 0 : i32
        %dma_start3A_139 = tpu.memref_slice %arg6[%dma_start3A_137, %dma_start3A_138] : memref<79x128xi32, #tpu.memory_space<vmem>> -> memref<1x128xi32, #tpu.memory_space<vmem>>
        %dma_start3A_140 = arith.constant 0 : i32
        %dma_start3A_141 = tpu.memref_slice %arg2[%run_scoped3A_135, %add3A_134, %dma_start3A_140] : memref<2x2500x128xi32, #tpu.memory_space<hbm>> -> memref<1x1x128xi32, #tpu.memory_space<hbm>>
        %dma_start3A_142 = tpu.memref_squeeze %dma_start3A_141 : memref<1x1x128xi32, #tpu.memory_space<hbm>> -> memref<1x128xi32, #tpu.memory_space<hbm>>
        %dma_start3A_143 = arith.constant 78 : i32
        %dma_start3A_144 = arith.constant 0 : i32
        %dma_start3A_145 = tpu.memref_slice %arg6[%dma_start3A_143, %dma_start3A_144] : memref<79x128xi32, #tpu.memory_space<vmem>> -> memref<1x128xi32, #tpu.memory_space<vmem>>
        %dma_start3A_146 = arith.constant 0 : i32
        %dma_start3A_147 = tpu.memref_slice %arg2[%run_scoped3A_135, %add3A_134, %dma_start3A_146] : memref<2x2500x128xi32, #tpu.memory_space<hbm>> -> memref<1x1x128xi32, #tpu.memory_space<hbm>>
        %dma_start3A_148 = tpu.memref_squeeze %dma_start3A_147 : memref<1x1x128xi32, #tpu.memory_space<hbm>> -> memref<1x128xi32, #tpu.memory_space<hbm>>
        tpu.enqueue_dma source(%dma_start3A_148 : memref<1x128xi32, #tpu.memory_space<hbm>>) target(%dma_start3A_145 : memref<1x128xi32, #tpu.memory_space<vmem>>) target_semaphore(%run_scoped3A_136 : memref<!tpu.dma_semaphore, #tpu.memory_space<semaphore_mem>>)
        %dma_wait3A_149 = arith.constant 78 : i32
        %dma_wait3A_150 = arith.constant 0 : i32
        %dma_wait3A_151 = tpu.memref_slice %arg6[%dma_wait3A_149, %dma_wait3A_150] : memref<79x128xi32, #tpu.memory_space<vmem>> -> memref<1x128xi32, #tpu.memory_space<vmem>>
        %dma_wait3A_152 = arith.constant 0 : i32
        %dma_wait3A_153 = tpu.memref_slice %arg2[%run_scoped3A_135, %add3A_134, %dma_wait3A_152] : memref<2x2500x128xi32, #tpu.memory_space<hbm>> -> memref<1x1x128xi32, #tpu.memory_space<hbm>>
        %dma_wait3A_154 = tpu.memref_squeeze %dma_wait3A_153 : memref<1x1x128xi32, #tpu.memory_space<hbm>> -> memref<1x128xi32, #tpu.memory_space<hbm>>
        %dma_wait3A_155 = arith.constant 78 : i32
        %dma_wait3A_156 = arith.constant 0 : i32
        %dma_wait3A_157 = tpu.memref_slice %arg6[%dma_wait3A_155, %dma_wait3A_156] : memref<79x128xi32, #tpu.memory_space<vmem>> -> memref<1x128xi32, #tpu.memory_space<vmem>>
        %dma_wait3A_158 = arith.constant 0 : i32
        %dma_wait3A_159 = tpu.memref_slice %arg2[%run_scoped3A_135, %add3A_134, %dma_wait3A_158] : memref<2x2500x128xi32, #tpu.memory_space<hbm>> -> memref<1x1x128xi32, #tpu.memory_space<hbm>>
        %dma_wait3A_160 = tpu.memref_squeeze %dma_wait3A_159 : memref<1x1x128xi32, #tpu.memory_space<hbm>> -> memref<1x128xi32, #tpu.memory_space<hbm>>
        tpu.wait_dma2 semaphore(%run_scoped3A_136 : memref<!tpu.dma_semaphore, #tpu.memory_space<semaphore_mem>>) src(%dma_wait3A_160 : memref<1x128xi32, #tpu.memory_space<hbm>>) dst(%dma_wait3A_157 : memref<1x128xi32, #tpu.memory_space<vmem>>)
        tpu.yield
      }) : () -> ()
    } else {
    }
    %mul3A_78 = arith.constant 640 : i32
    %mul3A_79 = arith.muli %arg1, %mul3A_78 : i32
    %mul3A_80 = arith.constant 640 : i32
    %mul3A_81 = arith.muli %arg1, %mul3A_80 : i32
    %dma_wait3A_82 = arith.constant 0 : i32
    %dma_wait3A_83 = tpu.memref_slice %arg9[%mul3A_81, %dma_wait3A_82] : memref<10240x64xf32, #tpu.memory_space<vmem_shared>> -> memref<640x64xf32, #tpu.memory_space<vmem_shared>>
    %dma_wait3A_84 = arith.constant 64 : i32
    %dma_wait3A_85 = tpu.memref_slice %arg3[%mul3A_79, %dma_wait3A_84] : memref<10240x128xf32, #tpu.memory_space<hbm>> -> memref<640x64xf32, #tpu.memory_space<hbm>>
    tpu.wait_dma2 semaphore(%arg16 : memref<!tpu.dma_semaphore, #tpu.memory_space<semaphore_mem>>) src(%dma_wait3A_85 : memref<640x64xf32, #tpu.memory_space<hbm>>) dst(%dma_wait3A_83 : memref<640x64xf32, #tpu.memory_space<vmem_shared>>)
    %barrier3A = arith.constant 0 : index
    tpu.barrier barrier_id(%barrier3A)
    %lt3A_86 = arith.constant 4 : i32
    %lt3A_87 = arith.cmpi slt, %add3A, %lt3A_86 : i32
    %convert_element_type3A_88 = arith.extui %lt3A_87 : i1 to i32
    %cond3A_89 = arith.constant 0 : i32
    %cond3A_90 = arith.cmpi ne, %convert_element_type3A_88, %cond3A_89 : i32
    scf.if %cond3A_90 {
      %dma_start3A_130 = arith.constant 78 : i32
      %dma_start3A_131 = arith.constant 0 : i32
      %dma_start3A_132 = tpu.memref_slice %arg5[%dma_start3A_130, %dma_start3A_131] : memref<79x128xi32, #tpu.memory_space<vmem>> -> memref<1x128xi32, #tpu.memory_space<vmem>>
      %dma_start3A_133 = tpu.memref_squeeze %dma_start3A_132 : memref<1x128xi32, #tpu.memory_space<vmem>> -> memref<128xi32, #tpu.memory_space<vmem>>
      %dma_start3A_134 = arith.constant 0 : i32
      %dma_start3A_135 = arith.constant 0 : i32
      %dma_start3A_136 = tpu.memref_slice %arg9[%dma_start3A_134, %dma_start3A_135] : memref<10240x64xf32, #tpu.memory_space<vmem_shared>> -> memref<10240x64xf32, #tpu.memory_space<vmem_shared>>
      tpu.enqueue_indirect_dma source(%dma_start3A_136 : memref<10240x64xf32, #tpu.memory_space<vmem_shared>>) target(%arg7 : memref<128x64xf32, #tpu.memory_space<vmem>>) offsets(%dma_start3A_133 : memref<128xi32, #tpu.memory_space<vmem>>) semaphore(%arg11 : memref<!tpu.dma_semaphore, #tpu.memory_space<semaphore_mem>>)
      %dma_wait3A_137 = arith.constant 78 : i32
      %dma_wait3A_138 = arith.constant 0 : i32
      %dma_wait3A_139 = tpu.memref_slice %arg5[%dma_wait3A_137, %dma_wait3A_138] : memref<79x128xi32, #tpu.memory_space<vmem>> -> memref<1x128xi32, #tpu.memory_space<vmem>>
      %dma_wait3A_140 = tpu.memref_squeeze %dma_wait3A_139 : memref<1x128xi32, #tpu.memory_space<vmem>> -> memref<128xi32, #tpu.memory_space<vmem>>
      %dma_wait3A_141 = arith.constant 0 : i32
      %dma_wait3A_142 = arith.constant 0 : i32
      %dma_wait3A_143 = tpu.memref_slice %arg9[%dma_wait3A_141, %dma_wait3A_142] : memref<10240x64xf32, #tpu.memory_space<vmem_shared>> -> memref<10240x64xf32, #tpu.memory_space<vmem_shared>>
      tpu.wait_indirect_dma semaphore(%arg11 : memref<!tpu.dma_semaphore, #tpu.memory_space<semaphore_mem>>) src(%dma_wait3A_143 : memref<10240x64xf32, #tpu.memory_space<vmem_shared>>) dst(%arg7 : memref<128x64xf32, #tpu.memory_space<vmem>>)
      %run_scoped3A_144 = arith.constant 78 : i32
      "tpu.region"() ({
        %run_scoped3A_145 = tpu.sem_alloc : memref<!tpu.dma_semaphore, #tpu.memory_space<semaphore_mem>>
        %dma_start3A_146 = arith.constant 0 : i32
        %dma_start3A_147 = tpu.memref_slice %arg6[%run_scoped3A_144, %dma_start3A_146] : memref<79x128xi32, #tpu.memory_space<vmem>> -> memref<1x128xi32, #tpu.memory_space<vmem>>
        %dma_start3A_148 = tpu.memref_squeeze %dma_start3A_147 : memref<1x128xi32, #tpu.memory_space<vmem>> -> memref<128xi32, #tpu.memory_space<vmem>>
        %dma_start3A_149 = arith.constant 0 : i32
        %dma_start3A_150 = arith.constant 0 : i32
        %dma_start3A_151 = tpu.memref_slice %arg10[%dma_start3A_149, %dma_start3A_150] : memref<10240x64xf32, #tpu.memory_space<vmem_shared>> -> memref<10240x64xf32, #tpu.memory_space<vmem_shared>>
        tpu.enqueue_indirect_dma source(%arg7 : memref<128x64xf32, #tpu.memory_space<vmem>>) target(%dma_start3A_151 : memref<10240x64xf32, #tpu.memory_space<vmem_shared>>) offsets(%dma_start3A_148 : memref<128xi32, #tpu.memory_space<vmem>>) semaphore(%run_scoped3A_145 : memref<!tpu.dma_semaphore, #tpu.memory_space<semaphore_mem>>) {add = true}
        %dma_wait3A_152 = arith.constant 0 : i32
        %dma_wait3A_153 = tpu.memref_slice %arg6[%run_scoped3A_144, %dma_wait3A_152] : memref<79x128xi32, #tpu.memory_space<vmem>> -> memref<1x128xi32, #tpu.memory_space<vmem>>
        %dma_wait3A_154 = tpu.memref_squeeze %dma_wait3A_153 : memref<1x128xi32, #tpu.memory_space<vmem>> -> memref<128xi32, #tpu.memory_space<vmem>>
        %dma_wait3A_155 = arith.constant 0 : i32
        %dma_wait3A_156 = arith.constant 0 : i32
        %dma_wait3A_157 = tpu.memref_slice %arg10[%dma_wait3A_155, %dma_wait3A_156] : memref<10240x64xf32, #tpu.memory_space<vmem_shared>> -> memref<10240x64xf32, #tpu.memory_space<vmem_shared>>
        tpu.wait_indirect_dma semaphore(%run_scoped3A_145 : memref<!tpu.dma_semaphore, #tpu.memory_space<semaphore_mem>>) src(%arg7 : memref<128x64xf32, #tpu.memory_space<vmem>>) dst(%dma_wait3A_157 : memref<10240x64xf32, #tpu.memory_space<vmem_shared>>)
        tpu.yield
      }) : () -> ()
    } else {
    }
    %dma_start3A_91 = arith.constant 0 : i32
    %dma_start3A_92 = arith.constant 0 : i32
    %dma_start3A_93 = tpu.memref_slice %arg5[%dma_start3A_91, %dma_start3A_92] : memref<79x128xi32, #tpu.memory_space<vmem>> -> memref<1x128xi32, #tpu.memory_space<vmem>>
    %dma_start3A_94 = tpu.memref_squeeze %dma_start3A_93 : memref<1x128xi32, #tpu.memory_space<vmem>> -> memref<128xi32, #tpu.memory_space<vmem>>
    %dma_start3A_95 = arith.constant 0 : i32
    %dma_start3A_96 = arith.constant 0 : i32
    %dma_start3A_97 = tpu.memref_slice %arg9[%dma_start3A_95, %dma_start3A_96] : memref<10240x64xf32, #tpu.memory_space<vmem_shared>> -> memref<10240x64xf32, #tpu.memory_space<vmem_shared>>
    tpu.enqueue_indirect_dma source(%dma_start3A_97 : memref<10240x64xf32, #tpu.memory_space<vmem_shared>>) target(%arg7 : memref<128x64xf32, #tpu.memory_space<vmem>>) offsets(%dma_start3A_94 : memref<128xi32, #tpu.memory_space<vmem>>) semaphore(%arg11 : memref<!tpu.dma_semaphore, #tpu.memory_space<semaphore_mem>>)
    %dma_start3A_98 = arith.constant 1 : i32
    %dma_start3A_99 = arith.constant 0 : i32
    %dma_start3A_100 = tpu.memref_slice %arg5[%dma_start3A_98, %dma_start3A_99] : memref<79x128xi32, #tpu.memory_space<vmem>> -> memref<1x128xi32, #tpu.memory_space<vmem>>
    %dma_start3A_101 = tpu.memref_squeeze %dma_start3A_100 : memref<1x128xi32, #tpu.memory_space<vmem>> -> memref<128xi32, #tpu.memory_space<vmem>>
    %dma_start3A_102 = arith.constant 0 : i32
    %dma_start3A_103 = arith.constant 0 : i32
    %dma_start3A_104 = tpu.memref_slice %arg9[%dma_start3A_102, %dma_start3A_103] : memref<10240x64xf32, #tpu.memory_space<vmem_shared>> -> memref<10240x64xf32, #tpu.memory_space<vmem_shared>>
    tpu.enqueue_indirect_dma source(%dma_start3A_104 : memref<10240x64xf32, #tpu.memory_space<vmem_shared>>) target(%arg8 : memref<128x64xf32, #tpu.memory_space<vmem>>) offsets(%dma_start3A_101 : memref<128xi32, #tpu.memory_space<vmem>>) semaphore(%arg12 : memref<!tpu.dma_semaphore, #tpu.memory_space<semaphore_mem>>)
    %scan3A_105 = arith.constant 0 : i32
    %scan3A_106 = arith.constant 38 : i32
    %scan3A_107 = arith.addi %scan3A_105, %scan3A_106 : i32
    %scan3A_108 = arith.constant 1 : i32
    scf.for %scan3A_130 = %scan3A_105 to %scan3A_107 step %scan3A_108  : i32 {
      %mul3A_131 = arith.constant 2 : i32
      %mul3A_132 = arith.muli %scan3A_130, %mul3A_131 : i32
      %add3A_133 = arith.constant 0 : i32
      %add3A_134 = arith.addi %mul3A_132, %add3A_133 : i32
      %dma_wait3A_135 = arith.constant 0 : i32
      %dma_wait3A_136 = tpu.memref_slice %arg5[%add3A_134, %dma_wait3A_135] : memref<79x128xi32, #tpu.memory_space<vmem>> -> memref<1x128xi32, #tpu.memory_space<vmem>>
      %dma_wait3A_137 = tpu.memref_squeeze %dma_wait3A_136 : memref<1x128xi32, #tpu.memory_space<vmem>> -> memref<128xi32, #tpu.memory_space<vmem>>
      %dma_wait3A_138 = arith.constant 0 : i32
      %dma_wait3A_139 = arith.constant 0 : i32
      %dma_wait3A_140 = tpu.memref_slice %arg9[%dma_wait3A_138, %dma_wait3A_139] : memref<10240x64xf32, #tpu.memory_space<vmem_shared>> -> memref<10240x64xf32, #tpu.memory_space<vmem_shared>>
      tpu.wait_indirect_dma semaphore(%arg11 : memref<!tpu.dma_semaphore, #tpu.memory_space<semaphore_mem>>) src(%dma_wait3A_140 : memref<10240x64xf32, #tpu.memory_space<vmem_shared>>) dst(%arg7 : memref<128x64xf32, #tpu.memory_space<vmem>>)
      "tpu.region"() ({
        %run_scoped3A_167 = tpu.sem_alloc : memref<!tpu.dma_semaphore, #tpu.memory_space<semaphore_mem>>
        %dma_start3A_168 = arith.constant 0 : i32
        %dma_start3A_169 = tpu.memref_slice %arg6[%add3A_134, %dma_start3A_168] : memref<79x128xi32, #tpu.memory_space<vmem>> -> memref<1x128xi32, #tpu.memory_space<vmem>>
        %dma_start3A_170 = tpu.memref_squeeze %dma_start3A_169 : memref<1x128xi32, #tpu.memory_space<vmem>> -> memref<128xi32, #tpu.memory_space<vmem>>
        %dma_start3A_171 = arith.constant 0 : i32
        %dma_start3A_172 = arith.constant 0 : i32
        %dma_start3A_173 = tpu.memref_slice %arg10[%dma_start3A_171, %dma_start3A_172] : memref<10240x64xf32, #tpu.memory_space<vmem_shared>> -> memref<10240x64xf32, #tpu.memory_space<vmem_shared>>
        tpu.enqueue_indirect_dma source(%arg7 : memref<128x64xf32, #tpu.memory_space<vmem>>) target(%dma_start3A_173 : memref<10240x64xf32, #tpu.memory_space<vmem_shared>>) offsets(%dma_start3A_170 : memref<128xi32, #tpu.memory_space<vmem>>) semaphore(%run_scoped3A_167 : memref<!tpu.dma_semaphore, #tpu.memory_space<semaphore_mem>>) {add = true}
        %dma_wait3A_174 = arith.constant 0 : i32
        %dma_wait3A_175 = tpu.memref_slice %arg6[%add3A_134, %dma_wait3A_174] : memref<79x128xi32, #tpu.memory_space<vmem>> -> memref<1x128xi32, #tpu.memory_space<vmem>>
        %dma_wait3A_176 = tpu.memref_squeeze %dma_wait3A_175 : memref<1x128xi32, #tpu.memory_space<vmem>> -> memref<128xi32, #tpu.memory_space<vmem>>
        %dma_wait3A_177 = arith.constant 0 : i32
        %dma_wait3A_178 = arith.constant 0 : i32
        %dma_wait3A_179 = tpu.memref_slice %arg10[%dma_wait3A_177, %dma_wait3A_178] : memref<10240x64xf32, #tpu.memory_space<vmem_shared>> -> memref<10240x64xf32, #tpu.memory_space<vmem_shared>>
        tpu.wait_indirect_dma semaphore(%run_scoped3A_167 : memref<!tpu.dma_semaphore, #tpu.memory_space<semaphore_mem>>) src(%arg7 : memref<128x64xf32, #tpu.memory_space<vmem>>) dst(%dma_wait3A_179 : memref<10240x64xf32, #tpu.memory_space<vmem_shared>>)
        tpu.yield
      }) : () -> ()
      %add3A_141 = arith.constant 2 : i32
      %add3A_142 = arith.addi %add3A_134, %add3A_141 : i32
      %dma_start3A_143 = arith.constant 0 : i32
      %dma_start3A_144 = tpu.memref_slice %arg5[%add3A_142, %dma_start3A_143] : memref<79x128xi32, #tpu.memory_space<vmem>> -> memref<1x128xi32, #tpu.memory_space<vmem>>
      %dma_start3A_145 = tpu.memref_squeeze %dma_start3A_144 : memref<1x128xi32, #tpu.memory_space<vmem>> -> memref<128xi32, #tpu.memory_space<vmem>>
      %dma_start3A_146 = arith.constant 0 : i32
      %dma_start3A_147 = arith.constant 0 : i32
      %dma_start3A_148 = tpu.memref_slice %arg9[%dma_start3A_146, %dma_start3A_147] : memref<10240x64xf32, #tpu.memory_space<vmem_shared>> -> memref<10240x64xf32, #tpu.memory_space<vmem_shared>>
      tpu.enqueue_indirect_dma source(%dma_start3A_148 : memref<10240x64xf32, #tpu.memory_space<vmem_shared>>) target(%arg7 : memref<128x64xf32, #tpu.memory_space<vmem>>) offsets(%dma_start3A_145 : memref<128xi32, #tpu.memory_space<vmem>>) semaphore(%arg11 : memref<!tpu.dma_semaphore, #tpu.memory_space<semaphore_mem>>)
      %mul3A_149 = arith.constant 2 : i32
      %mul3A_150 = arith.muli %scan3A_130, %mul3A_149 : i32
      %add3A_151 = arith.constant 1 : i32
      %add3A_152 = arith.addi %mul3A_150, %add3A_151 : i32
      %dma_wait3A_153 = arith.constant 0 : i32
      %dma_wait3A_154 = tpu.memref_slice %arg5[%add3A_152, %dma_wait3A_153] : memref<79x128xi32, #tpu.memory_space<vmem>> -> memref<1x128xi32, #tpu.memory_space<vmem>>
      %dma_wait3A_155 = tpu.memref_squeeze %dma_wait3A_154 : memref<1x128xi32, #tpu.memory_space<vmem>> -> memref<128xi32, #tpu.memory_space<vmem>>
      %dma_wait3A_156 = arith.constant 0 : i32
      %dma_wait3A_157 = arith.constant 0 : i32
      %dma_wait3A_158 = tpu.memref_slice %arg9[%dma_wait3A_156, %dma_wait3A_157] : memref<10240x64xf32, #tpu.memory_space<vmem_shared>> -> memref<10240x64xf32, #tpu.memory_space<vmem_shared>>
      tpu.wait_indirect_dma semaphore(%arg12 : memref<!tpu.dma_semaphore, #tpu.memory_space<semaphore_mem>>) src(%dma_wait3A_158 : memref<10240x64xf32, #tpu.memory_space<vmem_shared>>) dst(%arg8 : memref<128x64xf32, #tpu.memory_space<vmem>>)
      "tpu.region"() ({
        %run_scoped3A_167 = tpu.sem_alloc : memref<!tpu.dma_semaphore, #tpu.memory_space<semaphore_mem>>
        %dma_start3A_168 = arith.constant 0 : i32
        %dma_start3A_169 = tpu.memref_slice %arg6[%add3A_152, %dma_start3A_168] : memref<79x128xi32, #tpu.memory_space<vmem>> -> memref<1x128xi32, #tpu.memory_space<vmem>>
        %dma_start3A_170 = tpu.memref_squeeze %dma_start3A_169 : memref<1x128xi32, #tpu.memory_space<vmem>> -> memref<128xi32, #tpu.memory_space<vmem>>
        %dma_start3A_171 = arith.constant 0 : i32
        %dma_start3A_172 = arith.constant 0 : i32
        %dma_start3A_173 = tpu.memref_slice %arg10[%dma_start3A_171, %dma_start3A_172] : memref<10240x64xf32, #tpu.memory_space<vmem_shared>> -> memref<10240x64xf32, #tpu.memory_space<vmem_shared>>
        tpu.enqueue_indirect_dma source(%arg8 : memref<128x64xf32, #tpu.memory_space<vmem>>) target(%dma_start3A_173 : memref<10240x64xf32, #tpu.memory_space<vmem_shared>>) offsets(%dma_start3A_170 : memref<128xi32, #tpu.memory_space<vmem>>) semaphore(%run_scoped3A_167 : memref<!tpu.dma_semaphore, #tpu.memory_space<semaphore_mem>>) {add = true}
        %dma_wait3A_174 = arith.constant 0 : i32
        %dma_wait3A_175 = tpu.memref_slice %arg6[%add3A_152, %dma_wait3A_174] : memref<79x128xi32, #tpu.memory_space<vmem>> -> memref<1x128xi32, #tpu.memory_space<vmem>>
        %dma_wait3A_176 = tpu.memref_squeeze %dma_wait3A_175 : memref<1x128xi32, #tpu.memory_space<vmem>> -> memref<128xi32, #tpu.memory_space<vmem>>
        %dma_wait3A_177 = arith.constant 0 : i32
        %dma_wait3A_178 = arith.constant 0 : i32
        %dma_wait3A_179 = tpu.memref_slice %arg10[%dma_wait3A_177, %dma_wait3A_178] : memref<10240x64xf32, #tpu.memory_space<vmem_shared>> -> memref<10240x64xf32, #tpu.memory_space<vmem_shared>>
        tpu.wait_indirect_dma semaphore(%run_scoped3A_167 : memref<!tpu.dma_semaphore, #tpu.memory_space<semaphore_mem>>) src(%arg8 : memref<128x64xf32, #tpu.memory_space<vmem>>) dst(%dma_wait3A_179 : memref<10240x64xf32, #tpu.memory_space<vmem_shared>>)
        tpu.yield
      }) : () -> ()
      %add3A_159 = arith.constant 2 : i32
      %add3A_160 = arith.addi %add3A_152, %add3A_159 : i32
      %dma_start3A_161 = arith.constant 0 : i32
      %dma_start3A_162 = tpu.memref_slice %arg5[%add3A_160, %dma_start3A_161] : memref<79x128xi32, #tpu.memory_space<vmem>> -> memref<1x128xi32, #tpu.memory_space<vmem>>
      %dma_start3A_163 = tpu.memref_squeeze %dma_start3A_162 : memref<1x128xi32, #tpu.memory_space<vmem>> -> memref<128xi32, #tpu.memory_space<vmem>>
      %dma_start3A_164 = arith.constant 0 : i32
      %dma_start3A_165 = arith.constant 0 : i32
      %dma_start3A_166 = tpu.memref_slice %arg9[%dma_start3A_164, %dma_start3A_165] : memref<10240x64xf32, #tpu.memory_space<vmem_shared>> -> memref<10240x64xf32, #tpu.memory_space<vmem_shared>>
      tpu.enqueue_indirect_dma source(%dma_start3A_166 : memref<10240x64xf32, #tpu.memory_space<vmem_shared>>) target(%arg8 : memref<128x64xf32, #tpu.memory_space<vmem>>) offsets(%dma_start3A_163 : memref<128xi32, #tpu.memory_space<vmem>>) semaphore(%arg12 : memref<!tpu.dma_semaphore, #tpu.memory_space<semaphore_mem>>)
    }
    %scan3A_109 = arith.constant 38 : i32
    %dma_wait3A_110 = arith.constant 76 : i32
    %dma_wait3A_111 = arith.constant 0 : i32
    %dma_wait3A_112 = tpu.memref_slice %arg5[%dma_wait3A_110, %dma_wait3A_111] : memref<79x128xi32, #tpu.memory_space<vmem>> -> memref<1x128xi32, #tpu.memory_space<vmem>>
    %dma_wait3A_113 = tpu.memref_squeeze %dma_wait3A_112 : memref<1x128xi32, #tpu.memory_space<vmem>> -> memref<128xi32, #tpu.memory_space<vmem>>
    %dma_wait3A_114 = arith.constant 0 : i32
    %dma_wait3A_115 = arith.constant 0 : i32
    %dma_wait3A_116 = tpu.memref_slice %arg9[%dma_wait3A_114, %dma_wait3A_115] : memref<10240x64xf32, #tpu.memory_space<vmem_shared>> -> memref<10240x64xf32, #tpu.memory_space<vmem_shared>>
    tpu.wait_indirect_dma semaphore(%arg11 : memref<!tpu.dma_semaphore, #tpu.memory_space<semaphore_mem>>) src(%dma_wait3A_116 : memref<10240x64xf32, #tpu.memory_space<vmem_shared>>) dst(%arg7 : memref<128x64xf32, #tpu.memory_space<vmem>>)
    %run_scoped3A = arith.constant 76 : i32
    "tpu.region"() ({
      %run_scoped3A_130 = tpu.sem_alloc : memref<!tpu.dma_semaphore, #tpu.memory_space<semaphore_mem>>
      %dma_start3A_131 = arith.constant 0 : i32
      %dma_start3A_132 = tpu.memref_slice %arg6[%run_scoped3A, %dma_start3A_131] : memref<79x128xi32, #tpu.memory_space<vmem>> -> memref<1x128xi32, #tpu.memory_space<vmem>>
      %dma_start3A_133 = tpu.memref_squeeze %dma_start3A_132 : memref<1x128xi32, #tpu.memory_space<vmem>> -> memref<128xi32, #tpu.memory_space<vmem>>
      %dma_start3A_134 = arith.constant 0 : i32
      %dma_start3A_135 = arith.constant 0 : i32
      %dma_start3A_136 = tpu.memref_slice %arg10[%dma_start3A_134, %dma_start3A_135] : memref<10240x64xf32, #tpu.memory_space<vmem_shared>> -> memref<10240x64xf32, #tpu.memory_space<vmem_shared>>
      tpu.enqueue_indirect_dma source(%arg7 : memref<128x64xf32, #tpu.memory_space<vmem>>) target(%dma_start3A_136 : memref<10240x64xf32, #tpu.memory_space<vmem_shared>>) offsets(%dma_start3A_133 : memref<128xi32, #tpu.memory_space<vmem>>) semaphore(%run_scoped3A_130 : memref<!tpu.dma_semaphore, #tpu.memory_space<semaphore_mem>>) {add = true}
      %dma_wait3A_137 = arith.constant 0 : i32
      %dma_wait3A_138 = tpu.memref_slice %arg6[%run_scoped3A, %dma_wait3A_137] : memref<79x128xi32, #tpu.memory_space<vmem>> -> memref<1x128xi32, #tpu.memory_space<vmem>>
      %dma_wait3A_139 = tpu.memref_squeeze %dma_wait3A_138 : memref<1x128xi32, #tpu.memory_space<vmem>> -> memref<128xi32, #tpu.memory_space<vmem>>
      %dma_wait3A_140 = arith.constant 0 : i32
      %dma_wait3A_141 = arith.constant 0 : i32
      %dma_wait3A_142 = tpu.memref_slice %arg10[%dma_wait3A_140, %dma_wait3A_141] : memref<10240x64xf32, #tpu.memory_space<vmem_shared>> -> memref<10240x64xf32, #tpu.memory_space<vmem_shared>>
      tpu.wait_indirect_dma semaphore(%run_scoped3A_130 : memref<!tpu.dma_semaphore, #tpu.memory_space<semaphore_mem>>) src(%arg7 : memref<128x64xf32, #tpu.memory_space<vmem>>) dst(%dma_wait3A_142 : memref<10240x64xf32, #tpu.memory_space<vmem_shared>>)
      tpu.yield
    }) : () -> ()
    %dma_wait3A_117 = arith.constant 77 : i32
    %dma_wait3A_118 = arith.constant 0 : i32
    %dma_wait3A_119 = tpu.memref_slice %arg5[%dma_wait3A_117, %dma_wait3A_118] : memref<79x128xi32, #tpu.memory_space<vmem>> -> memref<1x128xi32, #tpu.memory_space<vmem>>
    %dma_wait3A_120 = tpu.memref_squeeze %dma_wait3A_119 : memref<1x128xi32, #tpu.memory_space<vmem>> -> memref<128xi32, #tpu.memory_space<vmem>>
    %dma_wait3A_121 = arith.constant 0 : i32
    %dma_wait3A_122 = arith.constant 0 : i32
    %dma_wait3A_123 = tpu.memref_slice %arg9[%dma_wait3A_121, %dma_wait3A_122] : memref<10240x64xf32, #tpu.memory_space<vmem_shared>> -> memref<10240x64xf32, #tpu.memory_space<vmem_shared>>
    tpu.wait_indirect_dma semaphore(%arg12 : memref<!tpu.dma_semaphore, #tpu.memory_space<semaphore_mem>>) src(%dma_wait3A_123 : memref<10240x64xf32, #tpu.memory_space<vmem_shared>>) dst(%arg8 : memref<128x64xf32, #tpu.memory_space<vmem>>)
    %run_scoped3A_124 = arith.constant 77 : i32
    "tpu.region"() ({
      %run_scoped3A_130 = tpu.sem_alloc : memref<!tpu.dma_semaphore, #tpu.memory_space<semaphore_mem>>
      %dma_start3A_131 = arith.constant 0 : i32
      %dma_start3A_132 = tpu.memref_slice %arg6[%run_scoped3A_124, %dma_start3A_131] : memref<79x128xi32, #tpu.memory_space<vmem>> -> memref<1x128xi32, #tpu.memory_space<vmem>>
      %dma_start3A_133 = tpu.memref_squeeze %dma_start3A_132 : memref<1x128xi32, #tpu.memory_space<vmem>> -> memref<128xi32, #tpu.memory_space<vmem>>
      %dma_start3A_134 = arith.constant 0 : i32
      %dma_start3A_135 = arith.constant 0 : i32
      %dma_start3A_136 = tpu.memref_slice %arg10[%dma_start3A_134, %dma_start3A_135] : memref<10240x64xf32, #tpu.memory_space<vmem_shared>> -> memref<10240x64xf32, #tpu.memory_space<vmem_shared>>
      tpu.enqueue_indirect_dma source(%arg8 : memref<128x64xf32, #tpu.memory_space<vmem>>) target(%dma_start3A_136 : memref<10240x64xf32, #tpu.memory_space<vmem_shared>>) offsets(%dma_start3A_133 : memref<128xi32, #tpu.memory_space<vmem>>) semaphore(%run_scoped3A_130 : memref<!tpu.dma_semaphore, #tpu.memory_space<semaphore_mem>>) {add = true}
      %dma_wait3A_137 = arith.constant 0 : i32
      %dma_wait3A_138 = tpu.memref_slice %arg6[%run_scoped3A_124, %dma_wait3A_137] : memref<79x128xi32, #tpu.memory_space<vmem>> -> memref<1x128xi32, #tpu.memory_space<vmem>>
      %dma_wait3A_139 = tpu.memref_squeeze %dma_wait3A_138 : memref<1x128xi32, #tpu.memory_space<vmem>> -> memref<128xi32, #tpu.memory_space<vmem>>
      %dma_wait3A_140 = arith.constant 0 : i32
      %dma_wait3A_141 = arith.constant 0 : i32
      %dma_wait3A_142 = tpu.memref_slice %arg10[%dma_wait3A_140, %dma_wait3A_141] : memref<10240x64xf32, #tpu.memory_space<vmem_shared>> -> memref<10240x64xf32, #tpu.memory_space<vmem_shared>>
      tpu.wait_indirect_dma semaphore(%run_scoped3A_130 : memref<!tpu.dma_semaphore, #tpu.memory_space<semaphore_mem>>) src(%arg8 : memref<128x64xf32, #tpu.memory_space<vmem>>) dst(%dma_wait3A_142 : memref<10240x64xf32, #tpu.memory_space<vmem_shared>>)
      tpu.yield
    }) : () -> ()
    %barrier3A_125 = arith.constant 0 : index
    tpu.barrier barrier_id(%barrier3A_125)
    %mul3A_126 = arith.constant 640 : i32
    %mul3A_127 = arith.muli %arg1, %mul3A_126 : i32
    %mul3A_128 = arith.constant 640 : i32
    %mul3A_129 = arith.muli %arg1, %mul3A_128 : i32
    "tpu.region"() ({
      %run_scoped3A_130 = tpu.sem_alloc : memref<!tpu.dma_semaphore, #tpu.memory_space<semaphore_mem>>
      %dma_start3A_131 = arith.constant 0 : i32
      %dma_start3A_132 = tpu.memref_slice %arg4[%arg0, %mul3A_129, %dma_start3A_131] : memref<2x10240x64xf32, #tpu.memory_space<hbm>> -> memref<1x640x64xf32, #tpu.memory_space<hbm>>
      %dma_start3A_133 = tpu.memref_squeeze %dma_start3A_132 : memref<1x640x64xf32, #tpu.memory_space<hbm>> -> memref<640x64xf32, #tpu.memory_space<hbm>>
      %dma_start3A_134 = arith.constant 0 : i32
      %dma_start3A_135 = tpu.memref_slice %arg10[%mul3A_127, %dma_start3A_134] : memref<10240x64xf32, #tpu.memory_space<vmem_shared>> -> memref<640x64xf32, #tpu.memory_space<vmem_shared>>
      tpu.enqueue_dma source(%dma_start3A_135 : memref<640x64xf32, #tpu.memory_space<vmem_shared>>) target(%dma_start3A_133 : memref<640x64xf32, #tpu.memory_space<hbm>>) target_semaphore(%run_scoped3A_130 : memref<!tpu.dma_semaphore, #tpu.memory_space<semaphore_mem>>)
      %dma_wait3A_136 = arith.constant 0 : i32
      %dma_wait3A_137 = tpu.memref_slice %arg4[%arg0, %mul3A_129, %dma_wait3A_136] : memref<2x10240x64xf32, #tpu.memory_space<hbm>> -> memref<1x640x64xf32, #tpu.memory_space<hbm>>
      %dma_wait3A_138 = tpu.memref_squeeze %dma_wait3A_137 : memref<1x640x64xf32, #tpu.memory_space<hbm>> -> memref<640x64xf32, #tpu.memory_space<hbm>>
      %dma_wait3A_139 = arith.constant 0 : i32
      %dma_wait3A_140 = tpu.memref_slice %arg10[%mul3A_127, %dma_wait3A_139] : memref<10240x64xf32, #tpu.memory_space<vmem_shared>> -> memref<640x64xf32, #tpu.memory_space<vmem_shared>>
      tpu.wait_dma2 semaphore(%run_scoped3A_130 : memref<!tpu.dma_semaphore, #tpu.memory_space<semaphore_mem>>) src(%dma_wait3A_140 : memref<640x64xf32, #tpu.memory_space<vmem_shared>>) dst(%dma_wait3A_138 : memref<640x64xf32, #tpu.memory_space<hbm>>)
      tpu.yield
    }) : () -> ()
    return
  }
}

module attributes {stable_mosaic.version = 14 : i64} {
  func.func @_scale_body(%arg0: i32, %arg1: memref<2x1024x16xf32, #tpu.memory_space<vmem>>, %arg2: memref<1024x128xf32, #tpu.memory_space<vmem>>, %arg3: memref<1024x128xf32, #tpu.memory_space<vmem>>) attributes {dimension_semantics = [#tpu.dimension_semantics<arbitrary>], iteration_bounds = array<i64: 10>, scalar_prefetch = 0 : i64, scratch_operands = 0 : i64, tpu.core_type = #tpu.core_type<tc>, window_params = [{transform_indices = @transform_0, window_bounds = array<i64: 2, 1024, 16>}, {transform_indices = @transform_1, window_bounds = array<i64: 1024, 128>}, {transform_indices = @transform_2, window_bounds = array<i64: 1024, 128>}]} {
    %get3A = arith.constant 0 : index
    %get3A_0 = arith.constant 0 : index
    %get3A_1 = arith.constant 0 : index
    %get3A_2 = vector.load %arg1[%get3A, %get3A_0, %get3A_1] : memref<2x1024x16xf32, #tpu.memory_space<vmem>>, vector<1x1024x16xf32>
    %get3A_3 = vector.shape_cast %get3A_2 : vector<1x1024x16xf32> to vector<1024x16xf32>
    %get3A_4 = arith.constant 1 : index
    %get3A_5 = arith.constant 0 : index
    %get3A_6 = arith.constant 0 : index
    %get3A_7 = vector.load %arg1[%get3A_4, %get3A_5, %get3A_6] : memref<2x1024x16xf32, #tpu.memory_space<vmem>>, vector<1x1024x16xf32>
    %get3A_8 = vector.shape_cast %get3A_7 : vector<1x1024x16xf32> to vector<1024x16xf32>
    %add3A = arith.addf %get3A_3, %get3A_8 : vector<1024x16xf32>
    %reduce_sum3A = arith.constant dense<0.000000e+00> : vector<1024xf32>
    %reduce_sum3A_9 = vector.multi_reduction <add>, %add3A, %reduce_sum3A [1] : vector<1024x16xf32> to vector<1024xf32>
    %broadcast_in_dim3A = vector.shape_cast %reduce_sum3A_9 : vector<1024xf32> to vector<1024x1xf32>
    %mul3A = arith.constant 6.250000e-02 : f32
    %mul3A_10 = vector.broadcast %mul3A : f32 to vector<1024x1xf32>
    %mul3A_11 = arith.mulf %broadcast_in_dim3A, %mul3A_10 : vector<1024x1xf32>
    %add3A_12 = arith.constant 1.000000e+00 : f32
    %add3A_13 = vector.broadcast %add3A_12 : f32 to vector<1024x1xf32>
    %add3A_14 = arith.addf %add3A_13, %mul3A_11 : vector<1024x1xf32>
    %rsqrt3A = math.rsqrt %add3A_14 : vector<1024x1xf32>
    %get3A_15 = arith.constant 0 : index
    %get3A_16 = arith.constant 0 : index
    %get3A_17 = vector.load %arg2[%get3A_15, %get3A_16] : memref<1024x128xf32, #tpu.memory_space<vmem>>, vector<1024x128xf32>
    %mul3A_18 = vector.broadcast %rsqrt3A : vector<1024x1xf32> to vector<1024x128xf32>
    %mul3A_19 = arith.mulf %mul3A_18, %get3A_17 : vector<1024x128xf32>
    %swap3A = arith.constant 0 : index
    %swap3A_20 = arith.constant 0 : index
    %swap3A_21 = vector.load %arg3[%swap3A, %swap3A_20] : memref<1024x128xf32, #tpu.memory_space<vmem>>, vector<1024x128xf32>
    tpu.vector_store %arg3[%swap3A, %swap3A_20], %mul3A_19 {strides = array<i32>} : memref<1024x128xf32, #tpu.memory_space<vmem>>, vector<1024x128xf32>,
    return
  }
  func.func @transform_0(%arg0: i32) -> (i32, i32, i32) {
    %c0_i32 = arith.constant 0 : i32
    %c0_i32_0 = arith.constant 0 : i32
    %c0_i32_1 = arith.constant 0 : i32
    return %c0_i32, %arg0, %c0_i32_0 : i32, i32, i32
  }
  func.func @transform_1(%arg0: i32) -> (i32, i32) {
    %c0_i32 = arith.constant 0 : i32
    %c0_i32_0 = arith.constant 0 : i32
    return %arg0, %c0_i32 : i32, i32
  }
  func.func @transform_2(%arg0: i32) -> (i32, i32) {
    %c0_i32 = arith.constant 0 : i32
    %c0_i32_0 = arith.constant 0 : i32
    return %arg0, %c0_i32 : i32, i32
  }
}

module attributes {stable_mosaic.version = 14 : i64} {
  func.func @_mid_body(%arg0: i32, %arg1: memref<2x1024x64xf32, #tpu.memory_space<vmem>>, %arg2: memref<2x1024x64xf32, #tpu.memory_space<vmem>>, %arg3: memref<2x1024x16xf32, #tpu.memory_space<vmem>>, %arg4: memref<1024x128xf32, #tpu.memory_space<vmem>>, %arg5: memref<64x256xf32, #tpu.memory_space<vmem>>, %arg6: memref<64x256xf32, #tpu.memory_space<vmem>>, %arg7: memref<1x256xf32, #tpu.memory_space<vmem>>, %arg8: memref<256x64xf32, #tpu.memory_space<vmem>>, %arg9: memref<1024x128xf32, #tpu.memory_space<vmem>>) attributes {dimension_semantics = [#tpu.dimension_semantics<arbitrary>], iteration_bounds = array<i64: 10>, scalar_prefetch = 0 : i64, scratch_operands = 0 : i64, tpu.core_type = #tpu.core_type<tc>, window_params = [{transform_indices = @transform_0, window_bounds = array<i64: 2, 1024, 64>}, {transform_indices = @transform_1, window_bounds = array<i64: 2, 1024, 64>}, {transform_indices = @transform_2, window_bounds = array<i64: 2, 1024, 16>}, {transform_indices = @transform_3, window_bounds = array<i64: 1024, 128>}, {pipeline_mode = #tpu.pipeline_mode<synchronous>, transform_indices = @transform_4, window_bounds = array<i64: 64, 256>}, {pipeline_mode = #tpu.pipeline_mode<synchronous>, transform_indices = @transform_5, window_bounds = array<i64: 64, 256>}, {pipeline_mode = #tpu.pipeline_mode<synchronous>, transform_indices = @transform_6, window_bounds = array<i64: 1, 256>}, {pipeline_mode = #tpu.pipeline_mode<synchronous>, transform_indices = @transform_7, window_bounds = array<i64: 256, 64>}, {transform_indices = @transform_8, window_bounds = array<i64: 1024, 128>}]} {
    %get3A = arith.constant 0 : index
    %get3A_0 = arith.constant 0 : index
    %get3A_1 = arith.constant 0 : index
    %get3A_2 = vector.load %arg3[%get3A, %get3A_0, %get3A_1] : memref<2x1024x16xf32, #tpu.memory_space<vmem>>, vector<1x1024x16xf32>
    %get3A_3 = vector.shape_cast %get3A_2 : vector<1x1024x16xf32> to vector<1024x16xf32>
    %get3A_4 = arith.constant 1 : index
    %get3A_5 = arith.constant 0 : index
    %get3A_6 = arith.constant 0 : index
    %get3A_7 = vector.load %arg3[%get3A_4, %get3A_5, %get3A_6] : memref<2x1024x16xf32, #tpu.memory_space<vmem>>, vector<1x1024x16xf32>
    %get3A_8 = vector.shape_cast %get3A_7 : vector<1x1024x16xf32> to vector<1024x16xf32>
    %add3A = arith.addf %get3A_3, %get3A_8 : vector<1024x16xf32>
    %reduce_sum3A = arith.constant dense<0.000000e+00> : vector<1024xf32>
    %reduce_sum3A_9 = vector.multi_reduction <add>, %add3A, %reduce_sum3A [1] : vector<1024x16xf32> to vector<1024xf32>
    %broadcast_in_dim3A = vector.shape_cast %reduce_sum3A_9 : vector<1024xf32> to vector<1024x1xf32>
    %mul3A = arith.constant 6.250000e-02 : f32
    %mul3A_10 = vector.broadcast %mul3A : f32 to vector<1024x1xf32>
    %mul3A_11 = arith.mulf %broadcast_in_dim3A, %mul3A_10 : vector<1024x1xf32>
    %add3A_12 = arith.constant 1.000000e+00 : f32
    %add3A_13 = vector.broadcast %add3A_12 : f32 to vector<1024x1xf32>
    %add3A_14 = arith.addf %add3A_13, %mul3A_11 : vector<1024x1xf32>
    %rsqrt3A = math.rsqrt %add3A_14 : vector<1024x1xf32>
    %mul3A_15 = arith.mulf %rsqrt3A, %rsqrt3A : vector<1024x1xf32>
    %get3A_16 = arith.constant 0 : index
    %get3A_17 = arith.constant 0 : index
    %get3A_18 = vector.load %arg4[%get3A_16, %get3A_17] : memref<1024x128xf32, #tpu.memory_space<vmem>>, vector<1024x128xf32>
    %get3A_19 = arith.constant 0 : index
    %get3A_20 = arith.constant 0 : index
    %get3A_21 = arith.constant 0 : index
    %get3A_22 = vector.load %arg1[%get3A_19, %get3A_20, %get3A_21] : memref<2x1024x64xf32, #tpu.memory_space<vmem>>, vector<1x1024x64xf32>
    %get3A_23 = vector.shape_cast %get3A_22 : vector<1x1024x64xf32> to vector<1024x64xf32>
    %get3A_24 = arith.constant 1 : index
    %get3A_25 = arith.constant 0 : index
    %get3A_26 = arith.constant 0 : index
    %get3A_27 = vector.load %arg1[%get3A_24, %get3A_25, %get3A_26] : memref<2x1024x64xf32, #tpu.memory_space<vmem>>, vector<1x1024x64xf32>
    %get3A_28 = vector.shape_cast %get3A_27 : vector<1x1024x64xf32> to vector<1024x64xf32>
    %add3A_29 = arith.addf %get3A_23, %get3A_28 : vector<1024x64xf32>
    %mul3A_30 = vector.broadcast %rsqrt3A : vector<1024x1xf32> to vector<1024x64xf32>
    %mul3A_31 = arith.mulf %mul3A_30, %add3A_29 : vector<1024x64xf32>
    %slice3A = vector.extract_strided_slice %get3A_18 {offsets = [0, 0], sizes = [1024, 64], strides = [1, 1]} : vector<1024x128xf32> to vector<1024x64xf32>
    %mul3A_32 = vector.broadcast %mul3A_15 : vector<1024x1xf32> to vector<1024x64xf32>
    %mul3A_33 = arith.mulf %mul3A_32, %slice3A : vector<1024x64xf32>
    %add3A_34 = arith.addf %mul3A_31, %mul3A_33 : vector<1024x64xf32>
    %get3A_35 = arith.constant 0 : index
    %get3A_36 = arith.constant 0 : index
    %get3A_37 = arith.constant 0 : index
    %get3A_38 = vector.load %arg2[%get3A_35, %get3A_36, %get3A_37] : memref<2x1024x64xf32, #tpu.memory_space<vmem>>, vector<1x1024x64xf32>
    %get3A_39 = vector.shape_cast %get3A_38 : vector<1x1024x64xf32> to vector<1024x64xf32>
    %get3A_40 = arith.constant 1 : index
    %get3A_41 = arith.constant 0 : index
    %get3A_42 = arith.constant 0 : index
    %get3A_43 = vector.load %arg2[%get3A_40, %get3A_41, %get3A_42] : memref<2x1024x64xf32, #tpu.memory_space<vmem>>, vector<1x1024x64xf32>
    %get3A_44 = vector.shape_cast %get3A_43 : vector<1x1024x64xf32> to vector<1024x64xf32>
    %add3A_45 = arith.addf %get3A_39, %get3A_44 : vector<1024x64xf32>
    %mul3A_46 = vector.broadcast %rsqrt3A : vector<1024x1xf32> to vector<1024x64xf32>
    %mul3A_47 = arith.mulf %mul3A_46, %add3A_45 : vector<1024x64xf32>
    %slice3A_48 = vector.extract_strided_slice %get3A_18 {offsets = [0, 64], sizes = [1024, 64], strides = [1, 1]} : vector<1024x128xf32> to vector<1024x64xf32>
    %mul3A_49 = vector.broadcast %mul3A_15 : vector<1024x1xf32> to vector<1024x64xf32>
    %mul3A_50 = arith.mulf %mul3A_49, %slice3A_48 : vector<1024x64xf32>
    %add3A_51 = arith.addf %mul3A_47, %mul3A_50 : vector<1024x64xf32>
    %get3A_52 = arith.constant 0 : index
    %get3A_53 = arith.constant 0 : index
    %get3A_54 = vector.load %arg5[%get3A_52, %get3A_53] : memref<64x256xf32, #tpu.memory_space<vmem>>, vector<64x256xf32>
    %dot_general3A = arith.constant dense<0.000000e+00> : vector<1024x256xf32>
    %dot_general3A_55 = tpu.matmul %add3A_34, %get3A_54, %dot_general3A {dimension_numbers = #tpu.dot_dimension_numbers<[1], [0], [0], [1], [0, 0, 1, 1], [], []>, transpose_lhs_hint = false} : vector<1024x64xf32>, vector<64x256xf32>, vector<1024x256xf32> -> vector<1024x256xf32>
    %get3A_56 = arith.constant 0 : index
    %get3A_57 = arith.constant 0 : index
    %get3A_58 = vector.load %arg6[%get3A_56, %get3A_57] : memref<64x256xf32, #tpu.memory_space<vmem>>, vector<64x256xf32>
    %dot_general3A_59 = arith.constant dense<0.000000e+00> : vector<1024x256xf32>
    %dot_general3A_60 = tpu.matmul %add3A_51, %get3A_58, %dot_general3A_59 {dimension_numbers = #tpu.dot_dimension_numbers<[1], [0], [0], [1], [0, 0, 1, 1], [], []>, transpose_lhs_hint = false} : vector<1024x64xf32>, vector<64x256xf32>, vector<1024x256xf32> -> vector<1024x256xf32>
    %add3A_61 = arith.addf %dot_general3A_55, %dot_general3A_60 : vector<1024x256xf32>
    %get3A_62 = arith.constant 0 : index
    %get3A_63 = arith.constant 0 : index
    %get3A_64 = vector.load %arg7[%get3A_62, %get3A_63] : memref<1x256xf32, #tpu.memory_space<vmem>>, vector<1x256xf32>
    %add3A_65 = vector.broadcast %get3A_64 : vector<1x256xf32> to vector<1024x256xf32>
    %add3A_66 = arith.addf %add3A_61, %add3A_65 : vector<1024x256xf32>
    %max3A = arith.constant 0.000000e+00 : f32
    %max3A_67 = vector.broadcast %max3A : f32 to vector<1024x256xf32>
    %max3A_68 = arith.maximumf %add3A_66, %max3A_67 : vector<1024x256xf32>
    %get3A_69 = arith.constant 0 : index
    %get3A_70 = arith.constant 0 : index
    %get3A_71 = vector.load %arg8[%get3A_69, %get3A_70] : memref<256x64xf32, #tpu.memory_space<vmem>>, vector<256x64xf32>
    %dot_general3A_72 = arith.constant dense<0.000000e+00> : vector<1024x64xf32>
    %dot_general3A_73 = tpu.matmul %max3A_68, %get3A_71, %dot_general3A_72 {dimension_numbers = #tpu.dot_dimension_numbers<[1], [0], [0], [1], [0, 0, 1, 1], [], []>, transpose_lhs_hint = false} : vector<1024x256xf32>, vector<256x64xf32>, vector<1024x64xf32> -> vector<1024x64xf32>
    %mul3A_74 = vector.broadcast %rsqrt3A : vector<1024x1xf32> to vector<1024x64xf32>
    %mul3A_75 = arith.mulf %mul3A_74, %dot_general3A_73 : vector<1024x64xf32>
    %concatenate3A = tpu.concatenate %dot_general3A_73, %mul3A_75 in 1 : vector<1024x64xf32>, vector<1024x64xf32> -> vector<1024x128xf32>
    %swap3A = arith.constant 0 : index
    %swap3A_76 = arith.constant 0 : index
    %swap3A_77 = vector.load %arg9[%swap3A, %swap3A_76] : memref<1024x128xf32, #tpu.memory_space<vmem>>, vector<1024x128xf32>
    tpu.vector_store %arg9[%swap3A, %swap3A_76], %concatenate3A {strides = array<i32>} : memref<1024x128xf32, #tpu.memory_space<vmem>>, vector<1024x128xf32>,
    return
  }
  func.func @transform_0(%arg0: i32) -> (i32, i32, i32) {
    %c0_i32 = arith.constant 0 : i32
    %c0_i32_0 = arith.constant 0 : i32
    %c0_i32_1 = arith.constant 0 : i32
    return %c0_i32, %arg0, %c0_i32_0 : i32, i32, i32
  }
  func.func @transform_1(%arg0: i32) -> (i32, i32, i32) {
    %c0_i32 = arith.constant 0 : i32
    %c0_i32_0 = arith.constant 0 : i32
    %c0_i32_1 = arith.constant 0 : i32
    return %c0_i32, %arg0, %c0_i32_0 : i32, i32, i32
  }
  func.func @transform_2(%arg0: i32) -> (i32, i32, i32) {
    %c0_i32 = arith.constant 0 : i32
    %c0_i32_0 = arith.constant 0 : i32
    %c0_i32_1 = arith.constant 0 : i32
    return %c0_i32, %arg0, %c0_i32_0 : i32, i32, i32
  }
  func.func @transform_3(%arg0: i32) -> (i32, i32) {
    %c0_i32 = arith.constant 0 : i32
    %c0_i32_0 = arith.constant 0 : i32
    return %arg0, %c0_i32 : i32, i32
  }
  func.func @transform_4(%arg0: i32) -> (i32, i32) {
    %c0_i32 = arith.constant 0 : i32
    %c0_i32_0 = arith.constant 0 : i32
    %c0_i32_1 = arith.constant 0 : i32
    return %c0_i32, %c0_i32_0 : i32, i32
  }
  func.func @transform_5(%arg0: i32) -> (i32, i32) {
    %c0_i32 = arith.constant 0 : i32
    %c0_i32_0 = arith.constant 0 : i32
    %c0_i32_1 = arith.constant 0 : i32
    return %c0_i32, %c0_i32_0 : i32, i32
  }
  func.func @transform_6(%arg0: i32) -> (i32, i32) {
    %c0_i32 = arith.constant 0 : i32
    %c0_i32_0 = arith.constant 0 : i32
    %c0_i32_1 = arith.constant 0 : i32
    return %c0_i32, %c0_i32_0 : i32, i32
  }
  func.func @transform_7(%arg0: i32) -> (i32, i32) {
    %c0_i32 = arith.constant 0 : i32
    %c0_i32_0 = arith.constant 0 : i32
    %c0_i32_1 = arith.constant 0 : i32
    return %c0_i32, %c0_i32_0 : i32, i32
  }
  func.func @transform_8(%arg0: i32) -> (i32, i32) {
    %c0_i32 = arith.constant 0 : i32
    %c0_i32_0 = arith.constant 0 : i32
    return %arg0, %c0_i32 : i32, i32
  }
}

module attributes {stable_mosaic.version = 14 : i64} {
  func.func @_final_body(%arg0: i32, %arg1: memref<2x1000x64xf32, #tpu.memory_space<vmem>>, %arg2: memref<2x1000x16xf32, #tpu.memory_space<vmem>>, %arg3: memref<1000x128xf32, #tpu.memory_space<vmem>>, %arg4: memref<1x64xf32, #tpu.memory_space<vmem>>, %arg5: memref<1000x64xf32, #tpu.memory_space<vmem>>) attributes {dimension_semantics = [#tpu.dimension_semantics<arbitrary>], iteration_bounds = array<i64: 10>, scalar_prefetch = 0 : i64, scratch_operands = 0 : i64, tpu.core_type = #tpu.core_type<tc>, window_params = [{transform_indices = @transform_0, window_bounds = array<i64: 2, 1000, 64>}, {transform_indices = @transform_1, window_bounds = array<i64: 2, 1000, 16>}, {transform_indices = @transform_2, window_bounds = array<i64: 1000, 128>}, {pipeline_mode = #tpu.pipeline_mode<synchronous>, transform_indices = @transform_3, window_bounds = array<i64: 1, 64>}, {transform_indices = @transform_4, window_bounds = array<i64: 1000, 64>}]} {
    %get3A = arith.constant 0 : index
    %get3A_0 = arith.constant 0 : index
    %get3A_1 = arith.constant 0 : index
    %get3A_2 = vector.load %arg2[%get3A, %get3A_0, %get3A_1] : memref<2x1000x16xf32, #tpu.memory_space<vmem>>, vector<1x1000x16xf32>
    %get3A_3 = vector.shape_cast %get3A_2 : vector<1x1000x16xf32> to vector<1000x16xf32>
    %get3A_4 = arith.constant 1 : index
    %get3A_5 = arith.constant 0 : index
    %get3A_6 = arith.constant 0 : index
    %get3A_7 = vector.load %arg2[%get3A_4, %get3A_5, %get3A_6] : memref<2x1000x16xf32, #tpu.memory_space<vmem>>, vector<1x1000x16xf32>
    %get3A_8 = vector.shape_cast %get3A_7 : vector<1x1000x16xf32> to vector<1000x16xf32>
    %add3A = arith.addf %get3A_3, %get3A_8 : vector<1000x16xf32>
    %reduce_sum3A = arith.constant dense<0.000000e+00> : vector<1000xf32>
    %reduce_sum3A_9 = vector.multi_reduction <add>, %add3A, %reduce_sum3A [1] : vector<1000x16xf32> to vector<1000xf32>
    %broadcast_in_dim3A = vector.shape_cast %reduce_sum3A_9 : vector<1000xf32> to vector<1000x1xf32>
    %mul3A = arith.constant 6.250000e-02 : f32
    %mul3A_10 = vector.broadcast %mul3A : f32 to vector<1000x1xf32>
    %mul3A_11 = arith.mulf %broadcast_in_dim3A, %mul3A_10 : vector<1000x1xf32>
    %add3A_12 = arith.constant 1.000000e+00 : f32
    %add3A_13 = vector.broadcast %add3A_12 : f32 to vector<1000x1xf32>
    %add3A_14 = arith.addf %add3A_13, %mul3A_11 : vector<1000x1xf32>
    %rsqrt3A = math.rsqrt %add3A_14 : vector<1000x1xf32>
    %get3A_15 = arith.constant 0 : index
    %get3A_16 = arith.constant 0 : index
    %get3A_17 = vector.load %arg3[%get3A_15, %get3A_16] : memref<1000x128xf32, #tpu.memory_space<vmem>>, vector<1000x64xf32>
    %get3A_18 = arith.constant 0 : index
    %get3A_19 = arith.constant 0 : index
    %get3A_20 = arith.constant 0 : index
    %get3A_21 = vector.load %arg1[%get3A_18, %get3A_19, %get3A_20] : memref<2x1000x64xf32, #tpu.memory_space<vmem>>, vector<1x1000x64xf32>
    %get3A_22 = vector.shape_cast %get3A_21 : vector<1x1000x64xf32> to vector<1000x64xf32>
    %get3A_23 = arith.constant 1 : index
    %get3A_24 = arith.constant 0 : index
    %get3A_25 = arith.constant 0 : index
    %get3A_26 = vector.load %arg1[%get3A_23, %get3A_24, %get3A_25] : memref<2x1000x64xf32, #tpu.memory_space<vmem>>, vector<1x1000x64xf32>
    %get3A_27 = vector.shape_cast %get3A_26 : vector<1x1000x64xf32> to vector<1000x64xf32>
    %add3A_28 = arith.addf %get3A_22, %get3A_27 : vector<1000x64xf32>
    %mul3A_29 = vector.broadcast %rsqrt3A : vector<1000x1xf32> to vector<1000x64xf32>
    %mul3A_30 = arith.mulf %mul3A_29, %add3A_28 : vector<1000x64xf32>
    %mul3A_31 = arith.mulf %rsqrt3A, %rsqrt3A : vector<1000x1xf32>
    %mul3A_32 = vector.broadcast %mul3A_31 : vector<1000x1xf32> to vector<1000x64xf32>
    %mul3A_33 = arith.mulf %mul3A_32, %get3A_17 : vector<1000x64xf32>
    %add3A_34 = arith.addf %mul3A_30, %mul3A_33 : vector<1000x64xf32>
    %get3A_35 = arith.constant 0 : index
    %get3A_36 = arith.constant 0 : index
    %get3A_37 = vector.load %arg4[%get3A_35, %get3A_36] : memref<1x64xf32, #tpu.memory_space<vmem>>, vector<1x64xf32>
    %add3A_38 = vector.broadcast %get3A_37 : vector<1x64xf32> to vector<1000x64xf32>
    %add3A_39 = arith.addf %add3A_34, %add3A_38 : vector<1000x64xf32>
    %swap3A = arith.constant 0 : index
    %swap3A_40 = arith.constant 0 : index
    %swap3A_41 = vector.load %arg5[%swap3A, %swap3A_40] : memref<1000x64xf32, #tpu.memory_space<vmem>>, vector<1000x64xf32>
    tpu.vector_store %arg5[%swap3A, %swap3A_40], %add3A_39 {strides = array<i32>} : memref<1000x64xf32, #tpu.memory_space<vmem>>, vector<1000x64xf32>,
    return
  }
  func.func @transform_0(%arg0: i32) -> (i32, i32, i32) {
    %c0_i32 = arith.constant 0 : i32
    %c0_i32_0 = arith.constant 0 : i32
    %c0_i32_1 = arith.constant 0 : i32
    return %c0_i32, %arg0, %c0_i32_0 : i32, i32, i32
  }
  func.func @transform_1(%arg0: i32) -> (i32, i32, i32) {
    %c0_i32 = arith.constant 0 : i32
    %c0_i32_0 = arith.constant 0 : i32
    %c0_i32_1 = arith.constant 0 : i32
    return %c0_i32, %arg0, %c0_i32_0 : i32, i32, i32
  }
  func.func @transform_2(%arg0: i32) -> (i32, i32) {
    %c0_i32 = arith.constant 0 : i32
    %c0_i32_0 = arith.constant 0 : i32
    return %arg0, %c0_i32 : i32, i32
  }
  func.func @transform_3(%arg0: i32) -> (i32, i32) {
    %c0_i32 = arith.constant 0 : i32
    %c0_i32_0 = arith.constant 0 : i32
    %c0_i32_1 = arith.constant 0 : i32
    return %c0_i32, %c0_i32_0 : i32, i32
  }
  func.func @transform_4(%arg0: i32) -> (i32, i32) {
    %c0_i32 = arith.constant 0 : i32
    %c0_i32_0 = arith.constant 0 : i32
    return %arg0, %c0_i32 : i32, i32
  }
}

</mosaic_0001>

<sc_bundles>
// kernel: kernel.12.cloned.1.call-start
scs
__scs_entry_jumppad:
0x0: {  	(pc) =	sbr.rel $0x88, $3  }
0x1: {  	(tag) =	ssettag $0x0;
	lr =	simm.s32 $0x1  }
0x2: {  	[smem:$0x3F9B] =	sst lr;
	_ =	strace $0xD0000000  }
0x3: {  	_ = 	snop  }
0x4: {  	_ = 	snop  }
0x5: {  	_ = 	snop  }
0x6: {  	_ = 	snop  }
0x7: {  	_ = 	snop  }
__scs_overlays_trampoline_lowered:
0x8: {  	[smem:$0x3FAA] =	sst s0  }
0x9: {  	[smem:$0x3FAB] =	sst s1  }
0xa: {  	[smem:$0x3FAC] =	sst s2  }
0xb: {  	[smem:$0x3FAD] =	sst s3  }
0xc: {  	[smem:$0x3FAE] =	sst s4  }
0xd: {  	[smem:$0x3FAF] =	sst s5  }
0xe: {  	[smem:$0x3FB0] =	sst s6  }
0xf: {  	[smem:$0x3FB1] =	sst s7  }
0x10: {  	[smem:$0x3FB2] =	sst s8  }
0x11: {  	[smem:$0x3FB3] =	sst s9;
	s0 =	simm.s32 @!p0 $0x0  }
0x12: {  	s1 =	sld [smem:$0x3F99];
	s0 =	simm.s32 @p0 $0x1  }
0x13: {  	[smem:$0x3FB4] =	sst s0;
	s0 =	simm.s32 @!p1 $0x0  }
0x14: {  	s2 =	sld [smem:$0x3F98];
	s0 =	simm.s32 @p1 $0x1  }
0x15: {  	[smem:$0x3FB5] =	sst s0;
	s0 =	simm.s32 @!p2 $0x0  }
0x16: {  	s3 =	sld [smem:$0x3FDB];
	s0 =	simm.s32 @p2 $0x1  }
0x17: {  	s4 =	simm.s32 $0x1BF5;
	[smem:$0x3FB7] =	sst s0  }
0x18: {  	s0 =	sld [smem:$0x3F9A];
	_ =	swait.ge [sflag:s4], $0x0  }
0x19: {  	s7 =	sld [smem:$0x3F9B]  }
0x1a: {  	s8 =	sadd.s32 $0xFFFFE003, lr  }
0x1b: {  	s9 =	sadd.s32 $0xFFFFFEF7, lr;
	s5 =	simm.s32 $0xFFFFFFFF;
	p2 =	slt.u32 s8, $0xFFFFF086  }
0x1c: {  	p1 =	slt.u32 s9, $0xF7A;
	s5 =	simm.s32 @!p2 $0x0  }
0x1d: {  	s5 =	simm.s32 @p1 $0x1;
	p0 =	seq.s32 s7, s2  }
0x1e: {  	s7 =	smul.u32 @!p0 $0xF7A, s2;
	p2 =	seq.s32 @!p0 s5, $0x0  }
0x1f: {  	s9 =	smul.u32 $0xF7A, s1;
	s8 =	simm.s32 @!p0 $0x1BF5;
	p2 =	por !p2, p0  }
0x20: {  	[sflag:s8] =	ssyncset.s32 @!p0 $0xFFFFF086;
	s6 =	sadd.s32 @!p0 s3, s7;
	s7 =	simm.s32 @!p0 $0x108  }
0x21: {  	s3 =	sadd.s32 s3, s9;
	s6 =	sadd.s32 @!p0 $0x88, s6;
	s7 =	simm.s32 @p2 $0x1082  }
0x22: {  	[simem:s7], [sflag:s8] =	dma.local @!p0 [hbm:s6], $0xF7A  }
0x23: {  	s9 =	sor.u32 $0xD0000000, s2;
	s6 =	simm.s32 $0x108;
	_ =	swait.ge @!p0 [sflag:s8], $0x0  }
0x24: {  	s3 =	sadd.s32 $0x88, s3;
	s6 =	simm.s32 @!p1 $0x1082;
	[sflag:s4] =	ssyncset.s32 $0xFFFFF086  }
0x25: {  	[simem:s6], [sflag:s4] =	dma.local [hbm:s3], $0xF7A  }
0x26: {  	[smem:$0x3F9B] =	sst s1;
	(tag) =	ssettag s2;
	_ =	strace s9  }
0x27: {  	s1 =	sld [smem:$0x3FAB]  }
0x28: {  	s2 =	sld [smem:$0x3FAC]  }
0x29: {  	s4 =	sld [smem:$0x3FAE]  }
0x2a: {  	p0 =	seq.s32 s5, $0x0;
	s5 =	sld [smem:$0x3FAF]  }
0x2b: {  	s6 =	sld [smem:$0x3FB0]  }
0x2c: {  	s7 =	sld [smem:$0x3FB1]  }
0x2d: {  	s3 =	simm.s32 $0x108;
	s8 =	sld [smem:$0x3FB2]  }
0x2e: {  	s3 =	simm.s32 @!p0 $0x1082;
	s9 =	sld [smem:$0x3FB3]  }
0x2f: {  	lr =	sadd.s32 s0, s3;
	s0 =	sld [smem:$0x3FAA]  }
0x30: {  	s3 =	sld [smem:$0x3FAD]  }
0x31: {  	[smem:$0x3FB6] =	sst s10  }
0x32: {  	s10 =	sld [smem:$0x3FB4];
	_ =	sdelay $0x3  }
0x33: {  	p0 =	seq.s32 s10, $0x1;
	s10 =	sld [smem:$0x3FB6];
	_ =	sdelay $0x3  }
0x34: {  	[smem:$0x3FB6] =	sst s10  }
0x35: {  	s10 =	sld [smem:$0x3FB5];
	_ =	sdelay $0x3  }
0x36: {  	p1 =	seq.s32 s10, $0x1;
	s10 =	sld [smem:$0x3FB6];
	_ =	sdelay $0x3  }
0x37: {  	[smem:$0x3FB6] =	sst s10  }
0x38: {  	s10 =	sld [smem:$0x3FB7]  }
0x39: {  	_ = 	snop;
	(pc) =	sbr.ind lr, $3  }
0x3a: {  	_ = 	snop  }
0x3b: {  	_ = 	snop  }
0x3c: {  	p2 =	seq.s32 s10, $0x1;
	s10 =	sld [smem:$0x3FB6]  }
0x3d: {  	_ =	shalt  }
0x3e: {  	_ =	shalt  }
0x3f: {  	_ =	shalt  }
0x40: {  	_ =	shalt  }
0x41: {  	_ =	shalt  }
0x42: {  	_ =	shalt  }
0x43: {  	_ =	shalt  }
0x44: {  	_ =	shalt  }
0x45: {  	_ =	shalt  }
0x46: {  	_ =	shalt  }
0x47: {  	_ =	shalt  }
0x48: {  	_ =	shalt  }
0x49: {  	_ =	shalt  }
0x4a: {  	_ =	shalt  }
0x4b: {  	_ =	shalt  }
0x4c: {  	_ =	shalt  }
0x4d: {  	_ =	shalt  }
0x4e: {  	_ =	shalt  }
0x4f: {  	_ =	shalt  }
0x50: {  	_ =	shalt  }
0x51: {  	_ =	shalt  }
0x52: {  	_ =	shalt  }
0x53: {  	_ =	shalt  }
0x54: {  	_ =	shalt  }
0x55: {  	_ =	shalt  }
0x56: {  	_ =	shalt  }
0x57: {  	_ =	shalt  }
0x58: {  	_ =	shalt  }
0x59: {  	_ =	shalt  }
0x5a: {  	_ =	shalt  }
0x5b: {  	_ =	shalt  }
0x5c: {  	_ =	shalt  }
0x5d: {  	_ =	shalt  }
0x5e: {  	_ =	shalt  }
0x5f: {  	_ =	shalt  }
0x60: {  	_ =	shalt  }
0x61: {  	_ =	shalt  }
0x62: {  	_ =	shalt  }
0x63: {  	_ =	shalt  }
0x64: {  	_ =	shalt  }
0x65: {  	_ =	shalt  }
0x66: {  	_ =	shalt  }
0x67: {  	_ =	shalt  }
0x68: {  	_ =	shalt  }
0x69: {  	_ =	shalt  }
0x6a: {  	_ =	shalt  }
0x6b: {  	_ =	shalt  }
0x6c: {  	_ =	shalt  }
0x6d: {  	_ =	shalt  }
0x6e: {  	_ =	shalt  }
0x6f: {  	_ =	shalt  }
0x70: {  	_ =	shalt  }
0x71: {  	_ =	shalt  }
0x72: {  	_ =	shalt  }
0x73: {  	_ =	shalt  }
0x74: {  	_ =	shalt  }
0x75: {  	_ =	shalt  }
0x76: {  	_ =	shalt  }
0x77: {  	_ =	shalt  }
0x78: {  	_ =	shalt  }
0x79: {  	_ =	shalt  }
0x7a: {  	_ =	shalt  }
0x7b: {  	_ =	shalt  }
0x7c: {  	_ =	shalt  }
0x7d: {  	_ =	shalt  }
0x7e: {  	_ =	shalt  }
0x7f: {  	_ =	shalt  }
0x80: {  	_ =	shalt  }
0x81: {  	_ =	shalt  }
0x82: {  	_ =	shalt  }
0x83: {  	_ =	shalt  }
0x84: {  	_ =	shalt  }
0x85: {  	_ =	shalt  }
0x86: {  	_ =	shalt  }
0x87: {  	_ =	shalt  }
.Lfunc_end0:
.L_simem_size_0:
called_computation.1_lowered:
.L_overlay_start_0:
0x88: {  	s2 =	sld [smem:$0x3FD9]  }
0x89: {  	s3 =	sld [smem:$0x3FFE];
	_ =	sdelay $0x1  }
0x8a: {  	s1 =	srdreg.scid  }
0x8b: {  	s0 =	sand.u32 $0x1, s1  }
0x8c: {  	s17 =	sshll.u32 s0, $0xA;
	s2 =	sadd.s32 s3, s2  }
0x8d: {  	s2 =	sadd.s32 s2, s17  }
0x8e: {  	[smem:$0x3FC2] =	sst s2  }
0x8f: {  	_ = 	snop  }
0x90: {  	s18 =	sld [smem:$0x3FD0];
	(tm) =	ssettm $0x1  }
0x91: {  	s19 =	sld [smem:$0x3FFB];
	_ =	sdelay $0x3  }
0x92: {  	_ =	strace s19  }
0x93: {  	s2 =	sld [smem:$0x3FFC];
	_ =	sdelay $0x3  }
0x94: {  	_ =	strace s2  }
0x95: {  	s2 =	sld [smem:$0x3FFD];
	_ =	sdelay $0x3  }
0x96: {  	_ =	strace s2  }
0x97: {  	_ =	strace $0x8FFFFFFF  }
0x98: {  	s20 =	sld [smem:$0x3FDB];
	_ =	sdelay $0x1  }
0x99: {  	s4 =	simm.s32 $_scs_section_size  }
0x9a: {  	s5 =	simm.s32 $_size__tile_overlayer_lowered;
	s6 =	simm.s32 $_tile_overlayer_lowered  }
0x9b: {  	s7 =	simm.s32 $0x1BFF;
	s21 =	sshll.u32 s6, $0x1;
	s4 =	sadd.s32 s4, s20  }
0x9c: {  	s22 =	simm.s32 $0x0;
	s5 =	sshll.u32 s5, $0x1;
	s6 =	sadd.s32 s21, s4  }
0x9d: {  	[timem:s22], [sflag:s7] =	dma.local [hbm:s6], s5  }
0x9e: {  	_ =	swait.ge [sflag:s7], s5  }
0x9f: {  	s5 =	ssub.s32 $0x0, s5;
	[sflag:s7] =	ssyncset.done $0x0  }
0xa0: {  	[sflag:s7] =	ssyncadd.s32 s5;
	_ =	sdelay $0x1  }
0xa1: {  	s23 =	simm.s32 $0x1B8B  }
0xa2: {  	_ =	swait.ge [sflag:s23], $0x1  }
0xa3: {  	[sflag:s23] =	ssyncset.done $0x0  }
0xa4: {  	[sflag:s23] =	ssyncadd.s32 $0xFFFFFFFF  }
0xa5: {  	s5 =	sld [smem:$0x0]  }
0xa6: {  	s6 =	sand.u32 $0xFFFFFFFE, s1  }
0xa7: {  	p0 =	sne.s32 s1, s6  }
0xa8: {  	s6 =	sshll.u32 @p0 s6, $0xE  }
0xa9: {  	s6 =	sadd.s32 @p0 $0x11B8D, s6;
	s7 =	sshll.u32 @p0 s5, $0x11  }
0xaa: {  	s6 =	sor.u32 @p0 s7, s6  }
0xab: {  	[sflag:s6] =	ssyncadd.remote.s32 @p0 $0x1;
	_ =	sdelay $0x1  }
0xac: {  	s6 =	simm.s32 @p0 $0x1B8D  }
0xad: {  	_ =	swait.eq @p0 [sflag:s6], $0x1  }
0xae: {  	[sflag:s6] =	ssyncadd.s32 @p0 $0xFFFFFFFF  }
0xaf: {  	s7 =	sshll.u32 @!p0 s1, $0xE  }
0xb0: {  	s7 =	sor.u32 @!p0 $0x4000, s7;
	s6 =	simm.s32 @!p0 $0x1B8D  }
0xb1: {  	s5 =	sshll.u32 @!p0 s5, $0x11;
	s7 =	sadd.s32 @!p0 $0x11B8D, s7;
	_ =	swait.eq @!p0 [sflag:s6], $0x1  }
0xb2: {  	s5 =	sor.u32 @!p0 s5, s7;
	[sflag:s6] =	ssyncadd.s32 @!p0 $0xFFFFFFFF  }
0xb3: {  	s25 =	simm.s32 $0x1B8E;
	s24 =	sld [smem:$0x3FFE];
	[sflag:s5] =	ssyncadd.remote.s32 @!p0 $0x1  }
0xb4: {  	s26 =	simm.s32 $execute0_lowered;
	[smem:$0x3FD2] =	sst s25  }
0xb5: {  	s6 =	sshll.u32 s26, $0x1;
	_ =	strace $0x8000004C;
	[dreg:$0x1] =	wrdreg $0xFFFFFFFF  }
0xb6: {  	s28 =	simm.s32 $_size_execute0_lowered;
	s4 =	sadd.s32 s4, s6;
	[dreg:$0x0] =	wrdreg $0x0  }
0xb7: {  	s6 =	sshll.u32 s28, $0x1;
	[dreg:$0x2] =	wrdreg s4  }
0xb8: {  	[dreg:$0x3] =	wrdreg s6  }
0xb9: {  	[dreg:$0x4] =	wrdreg $0xC0  }
0xba: {  	_ =	task [dreg:s22], $0x5FFFF  }
0xbb: {  	[dreg:$0x1] =	wrdreg $0xFFFFFFFF  }
0xbc: {  	[dreg:$0x0] =	wrdreg $0x60  }
0xbd: {  	[dreg:$0x2] =	wrdreg s18  }
0xbe: {  	[dreg:$0x3] =	wrdreg s24  }
0xbf: {  	[dreg:$0x4] =	wrdreg $0x8F000  }
0xc0: {  	[dreg:$0x5] =	wrdreg $0x12F000  }
0xc1: {  	[dreg:$0x6] =	wrdreg $0x9  }
0xc2: {  	_ =	task.clear_ibuf [dreg:s22], $0x7FFFF;
	_ =	strace $0x9000004C  }
0xc3: {  	s29 =	simm.s32 $0x9;
	_ =	strace $0x8000004E  }
0xc4: {  	_ =	swait.ge [sflag:s29], $0x1  }
0xc5: {  	[sflag:s29] =	ssyncadd.s32 $0xFFFFFFFF  }
0xc6: {  	_ =	strace $0x9000004E  }
0xc7: {  	_ =	sfence  }
0xc8: {  	s30 =	sld [smem:$0x0];
	_ =	sdelay $0x2  }
0xc9: {  	s31 =	sshll.u32 s1, $0xD;
	s1 =	sshrl.u32 s1, $0x2  }
0xca: {  	s4 =	sand.u32 $0x4000, s31;
	s1 =	sadd.s32 s1, s30  }
0xcb: {  	s0 =	sor.u32 s4, s0;
	s1 =	sshll.u32 s1, $0x11  }
0xcc: {  	s0 =	sor.u32 s1, s0  }
0xcd: {  	s0 =	sadd.s32 $0x8F2B, s0  }
0xce: {  	[sflag:s0] =	ssyncadd.remote.s32 $0x1  }
0xcf: {  	_ =	sfence.sel $0xFFFF  }
0xd0: {  	[dreg:$0x0] =	wrdreg $0xFFFFFFFF;
	(pc) =	sbr.abs _section_cstart, $3  }
0xd1: {  	[dreg:$0x1] =	wrdreg $0xFFFFFFFF  }
0xd2: {  	_ =	task.clear_ibuf [dreg:s22], $0x2FFFF;
	_ =	strace $0x9FFFFFFF  }
0xd3: {  	(tm) =	ssettm $0x7FFFFFFF  }
tec
execute0_lowered:
.L_overlay_start_1:
0x0: {  	(tag) =	ssettag $0x1  }
0x1: {  	s0 =	rddreg [dreg:$0x0]  }
0x2: {  	s2 =	rddreg [dreg:$0x1]  }
0x3: {  	s1 =	rddreg [dreg:$0x2]  }
0x4: {  	s11 =	stileid.u32;
	s3 =	srdreg.scid  }
0x5: {  	s21 =	simm.s32 $0x1;
	s28 =	simm.s32 $0x3;
	s29 =	simm.s32 $0x80  }
0x6: {  	s30 =	simm.s32 $0x6F00;
	s31 =	simm.s32 $0x2;
	s14 =	smul.u32 $0xA000, s11  }
0x7: {  	s19 =	simm.s32 $0x0;
	s5 =	sand.u32 $0x1, s3;
	s9 =	smul.u32 $0x2800, s11  }
0x8: {  	s4 =	sshll.u32 s11, $0x1;
	s3 =	rddreg [dreg:$0x3];
	s10 =	smul.u32 $0x28000, s11  }
0x9: {  	p0 =	slt.u32 s11, $0x2;
	s6 =	smul.u32 $0xA0000, s5;
	s7 =	sor.u32 s5, s4  }
0xa: {  	s4 =	simm.s32 $0x0;
	s5 =	ssub.s32 $0x2, s5;
	s8 =	smul.u32 $0x4E, s7  }
0xb: {  	[smem:$0x7FF] =	sst s4;
	s7 =	smul.u32 $0x4F, s7;
	s9 =	sadd.s32 s9, s2  }
0xc: {  	s24 =	sshrl.u32 s5, $0x1;
	s25 =	sadd.s32 s14, s1;
	s10 =	sshrl.u32 s10, $0x2  }
0xd: {  	s26 =	sadd.s32 s14, s3;
	_ =	strace $0x8000004D;
	s6 =	sadd.s32 s14, s6  }
0xe: {  	s15 =	ssub.s32 s5, s24;
	s10 =	sadd.s32 s10, s3;
	s20 =	sshrl.u32 s25, $0x3  }
0xf: {  	s24 =	simm.s32 $0x4F00;
	s25 =	sshrl.u32 s26, $0x3;
	s26 =	simm.s32 $0x5  }
0x10: {  	s8 =	sadd.s32 $0x4, s8;
	s6 =	sshrl.u32 s6, $0x3;
	s14 =	smax.u32 s15, $0x1  }
0x11: {  	s15 =	sadd.s32 $0x2000, s10;
	s16 =	sadd.s32 $0x4000, s10;
	s8 =	smov.u32 @p0 s7  }
0x12: {  	s17 =	sadd.s32 $0x6000, s10;
	s18 =	sadd.s32 $0x8000, s10;
	s7 =	sshll.u32 s8, $0x4  }
0x13: {  	s2 =	sadd.s32 s6, s2;
	s8 =	sadd.s32 $0x52A00, s9;
	s23 =	sand.u32 $0x1FFFFFF0, s7  }
0x14: {  	s13 =	sadd.s32 $0xA2A00, s2;
	s12 =	sadd.s32 s0, s23;
	s0 =	sadd.s32 s0, s7  }
0x15: {  	s7 =	sshll.u32 s11, $0x6;
	[dreg:$0x5] =	wrdreg s0;
	s6 =	sadd.s32 $0x9C40, s12  }
0x16: {  	v0 =	vimm.f32 $0.0e+00;
	s9 =	sor.u32 $0x1C04, s7;
	s11 =	sadd.s32 $0x4E0, s12;
	s12 =	sadd.s32 $0xA120, s12  }
.LBB2_1:
0x17: {  	s0 =	rddreg [dreg:$0x5]  }
0x18: {  	[tilespmem:s4], [sflag:$0x3] =	stream.linear.gather [hbm4b:s0+s4], $0x2700, $0x38;
	[tilespmem:$0x1CF00] =	vst v63  }
0x19: {  	s2 =	simm.s32 $0x2780;
	s5 =	simm.s32 $0x8;
	s22 =	sand.u32 $0x7F00, s4  }
0x1a: {  	[tilespmem:s2], [sflag:$0x3] =	stream.linear.gather [hbm4b:s6+s4], $0x2700, $0x38;
	[tilespmem:$0x1CF00] =	vst v63  }
0x1b: {  	s23 =	sand.u32 $0x30, s4;
	s0 =	sshrl.u32 s22, $0x2;
	s2 =	simm.s32 $0x10  }
0x1c: {  	[spmem:s20@s5], [sflag:s9] =	dma.strided [hbm:s8@s2], $0x1400, s21, $0x8   }
0x1d: {  	s22 =	simm.s32 $0x40;
	s2 =	sor.u32 s23, s0;
	s23 =	simm.s32 $0x0  }
.LBB2_2:
0x1e: {  	p1 =	seq.s32 s22, $0x7FC0  }
0x1f: {  	[tilespmem:s2+$0x4F00] =	vst v0;
	s23 =	sadd.s32 $0x10, s23;
	s0 =	smov.u32 s22;
	s22 =	sadd.s32 $0x40, s22  }
.Ltmp0:
0x20: {  	(pc) =	sbr.rel @!p1 .LBB2_2-.Ltmp0, $4  }
0x21: {  	_ = 	snop  }
0x22: {  	s0 =	sand.u32 $0x7F00, s0  }
0x23: {  	s2 =	sand.u32 $0x30, s23;
	s0 =	sshrl.u32 s0, $0x2  }
0x24: {  	s2 =	sor.u32 s2, s0  }
0x25: {  	[tilespmem:s2+$0x4F00] =	vst v0  }
0x26: {  	[spmem:s10] =	stream.linear.scatter [tilespmem:s24], [sflag:$0x5], $0x2000, $0x38;
	[tilespmem:$0x1CF00] =	vst v63  }
0x27: {  	_ =	swait.ge [sflag:s26], $0x2000  }
0x28: {  	[sflag:s26] =	ssyncset.done $0x0  }
0x29: {  	[sflag:s26] =	ssyncadd.s32 $0xFFFFE000  }
0x2a: {  	[spmem:s15] =	stream.linear.scatter [tilespmem:s24], [sflag:$0x5], $0x2000, $0x38;
	[tilespmem:$0x1CF00] =	vst v63  }
0x2b: {  	_ =	swait.ge [sflag:s26], $0x2000  }
0x2c: {  	[sflag:s26] =	ssyncset.done $0x0  }
0x2d: {  	[sflag:s26] =	ssyncadd.s32 $0xFFFFE000  }
0x2e: {  	[spmem:s16] =	stream.linear.scatter [tilespmem:s24], [sflag:$0x5], $0x2000, $0x38;
	[tilespmem:$0x1CF00] =	vst v63  }
0x2f: {  	_ =	swait.ge [sflag:s26], $0x2000  }
0x30: {  	[sflag:s26] =	ssyncset.done $0x0  }
0x31: {  	[sflag:s26] =	ssyncadd.s32 $0xFFFFE000  }
0x32: {  	[spmem:s17] =	stream.linear.scatter [tilespmem:s24], [sflag:$0x5], $0x2000, $0x38;
	[tilespmem:$0x1CF00] =	vst v63  }
0x33: {  	_ =	swait.ge [sflag:s26], $0x2000  }
0x34: {  	[sflag:s26] =	ssyncset.done $0x0  }
0x35: {  	[sflag:s26] =	ssyncadd.s32 $0xFFFFE000  }
0x36: {  	[spmem:s18] =	stream.linear.scatter [tilespmem:s24], [sflag:$0x5], $0x2000, $0x38;
	[tilespmem:$0x1CF00] =	vst v63  }
0x37: {  	_ =	swait.ge [sflag:s26], $0x2000  }
0x38: {  	[sflag:s26] =	ssyncset.done $0x0  }
0x39: {  	[sflag:s26] =	ssyncadd.s32 $0xFFFFE000  }
0x3a: {  	_ =	swait.ge [sflag:s28], $0x2700  }
0x3b: {  	[sflag:s28] =	ssyncset.done $0x0  }
0x3c: {  	[sflag:s28] =	ssyncadd.s32 $0xFFFFD900  }
0x3d: {  	_ =	swait.ge [sflag:s28], $0x2700  }
0x3e: {  	s2 =	simm.s32 @p0 $0x0;
	[sflag:s28] =	ssyncset.done $0x0  }
0x3f: {  	s22 =	simm.s32 @p0 $0x2700;
	s23 =	simm.s32 @p0 $0x5;
	[sflag:s28] =	ssyncadd.s32 $0xFFFFD900  }
0x40: {  	[tilespmem:s22], [sflag:$0x5] =	stream.linear.gather @p0 [hbm4b:s11+s2], $0x80, $0x38;
	[tilespmem:$0x1CF00] =	vst v63  }
0x41: {  	_ =	swait.ge @p0 [sflag:s23], $0x80  }
0x42: {  	[sflag:s23] =	ssyncset.done @p0 $0x0  }
0x43: {  	s0 =	simm.s32 @p0 $0x4E80;
	[sflag:s23] =	ssyncadd.s32 @p0 $0xFFFFFF80  }
0x44: {  	[tilespmem:s0], [sflag:$0x5] =	stream.linear.gather @p0 [hbm4b:s12+s2], $0x80, $0x38;
	[tilespmem:$0x1CF00] =	vst v63  }
0x45: {  	_ =	swait.ge @p0 [sflag:s23], $0x80  }
0x46: {  	[sflag:s23] =	ssyncset.done @p0 $0x0  }
0x47: {  	s2 =	simm.s32 @p0 $0x4;
	[sflag:s23] =	ssyncadd.s32 @p0 $0xFFFFFF80  }
0x48: {  	_ =	swait.ge @p0 [sflag:s2], $0x1400  }
0x49: {  	[sflag:s2] =	ssyncset.done @p0 $0x0  }
0x4a: {  	[sflag:s2] =	ssyncadd.s32 @p0 $0xFFFFEC00  }
0x4b: {  	s5 =	simm.s32 @p0 $0x4F00;
	s2 =	simm.s32 @p0 $0x80;
	[bflag:$0x0] =	sbarrier.arrive @p0 $0xFFFF  }
0x4c: {  	[tilespmem:s5], [sflag:$0x1] =	stream.indirect.gather @p0 [spmem:s1], $0x40, s22, s2, $0xb8;
	[tilespmem:$0x1CF00] =	vst v63  }
0x4d: {  	s22 =	simm.s32 @p0 $0x1  }
0x4e: {  	_ =	swait.ge @p0 [sflag:s22], $0x2000  }
0x4f: {  	[sflag:s22] =	ssyncset.done @p0 $0x0  }
0x50: {  	[sflag:s22] =	ssyncadd.s32 @p0 $0xFFFFE000  }
0x51: {  	[spmem:s3] =	stream.indirect.scatter.add.f32 @p0 [tilespmem:s5], [sflag:$0x5], $0x40, s0, s2, $0xb8;
	[tilespmem:$0x1CF00] =	vst v63  }
0x52: {  	_ =	swait.ge @p0 [sflag:s23], $0x2000  }
0x53: {  	[sflag:s23] =	ssyncset.done @p0 $0x0  }
0x54: {  	s0 =	simm.s32 @!p0 $0x4;
	[sflag:s23] =	ssyncadd.s32 @p0 $0xFFFFE000  }
0x55: {  	_ =	swait.ge @!p0 [sflag:s0], $0x1400  }
0x56: {  	[sflag:s0] =	ssyncset.done @!p0 $0x0  }
0x57: {  	[sflag:s0] =	ssyncadd.s32 @!p0 $0xFFFFEC00  }
0x58: {  	s2 =	simm.s32 $0x0;
	[bflag:$0x0] =	sbarrier.arrive @!p0 $0xFFFF  }
0x59: {  	[tilespmem:s24], [sflag:$0x1] =	stream.indirect.gather [spmem:s1], $0x40, s2, s29, $0xb8;
	[tilespmem:$0x1CF00] =	vst v63  }
0x5a: {  	_ = 	snop  }
0x5b: {  	[tilespmem:s30], [sflag:$0x2] =	stream.indirect.gather [spmem:s1], $0x40, s29, s29, $0xb8;
	[tilespmem:$0x1CF00] =	vst v63  }
0x5c: {  	_ =	swait.ge [sflag:s21], $0x2000  }
0x5d: {  	[sflag:s21] =	ssyncset.done $0x0  }
0x5e: {  	s5 =	simm.s32 $0x2780;
	[sflag:s21] =	ssyncadd.s32 $0xFFFFE000  }
0x5f: {  	[spmem:s3] =	stream.indirect.scatter.add.f32 [tilespmem:s24], [sflag:$0x5], $0x40, s5, s29, $0xb8;
	[tilespmem:$0x1CF00] =	vst v63  }
0x60: {  	_ =	swait.ge [sflag:s26], $0x2000  }
0x61: {  	[sflag:s26] =	ssyncset.done $0x0  }
0x62: {  	s22 =	simm.s32 $0x100;
	[sflag:s26] =	ssyncadd.s32 $0xFFFFE000  }
0x63: {  	[tilespmem:s24], [sflag:$0x1] =	stream.indirect.gather [spmem:s1], $0x40, s22, s29, $0xb8;
	[tilespmem:$0x1CF00] =	vst v63  }
0x64: {  	_ =	swait.ge [sflag:s31], $0x2000  }
0x65: {  	[sflag:s31] =	ssyncset.done $0x0  }
0x66: {  	s23 =	simm.s32 $0x2800;
	[sflag:s31] =	ssyncadd.s32 $0xFFFFE000  }
0x67: {  	[spmem:s3] =	stream.indirect.scatter.add.f32 [tilespmem:s30], [sflag:$0x5], $0x40, s23, s29, $0xb8;
	[tilespmem:$0x1CF00] =	vst v63  }
0x68: {  	_ =	swait.ge [sflag:s26], $0x2000  }
0x69: {  	[sflag:s26] =	ssyncset.done $0x0  }
0x6a: {  	s2 =	simm.s32 $0x180;
	s22 =	simm.s32 $0x400;
	[sflag:s26] =	ssyncadd.s32 $0xFFFFE000  }
.LBB2_4:
0x6b: {  	[tilespmem:s30], [sflag:$0x2] =	stream.indirect.gather [spmem:s1], $0x40, s2, s29, $0xb8;
	[tilespmem:$0x1CF00] =	vst v63  }
0x6c: {  	s0 =	smov.u32 s22  }
0x6d: {  	p1 =	sne.s32 s22, $0x9400;
	s22 =	sadd.s32 $0x400, s22;
	_ =	swait.ge [sflag:s21], $0x2000  }
0x6e: {  	s0 =	sshra.s32 s0, $0x2;
	[sflag:s21] =	ssyncset.done $0x0  }
0x6f: {  	s2 =	sadd.s32 $0x2780, s0;
	[sflag:s21] =	ssyncadd.s32 $0xFFFFE000  }
0x70: {  	[spmem:s3] =	stream.indirect.scatter.add.f32 [tilespmem:s24], [sflag:$0x5], $0x40, s2, s29, $0xb8;
	[tilespmem:$0x1CF00] =	vst v63  }
0x71: {  	_ =	swait.ge [sflag:s26], $0x2000  }
0x72: {  	[sflag:s26] =	ssyncset.done $0x0  }
0x73: {  	s2 =	sadd.s32 $0x100, s0;
	[sflag:s26] =	ssyncadd.s32 $0xFFFFE000  }
0x74: {  	[tilespmem:s24], [sflag:$0x1] =	stream.indirect.gather [spmem:s1], $0x40, s2, s29, $0xb8;
	[tilespmem:$0x1CF00] =	vst v63  }
0x75: {  	_ =	swait.ge [sflag:s31], $0x2000  }
0x76: {  	[sflag:s31] =	ssyncset.done $0x0  }
.Ltmp1:
0x77: {  	s2 =	sadd.s32 $0x2800, s0;
	[sflag:s31] =	ssyncadd.s32 $0xFFFFE000;
	(pc) =	sbr.rel @p1 .LBB2_4-.Ltmp1, $4  }
0x78: {  	[spmem:s3] =	stream.indirect.scatter.add.f32 [tilespmem:s30], [sflag:$0x5], $0x40, s2, s29, $0xb8;
	[tilespmem:$0x1CF00] =	vst v63  }
0x79: {  	_ =	swait.ge [sflag:s26], $0x2000  }
0x7a: {  	[sflag:s26] =	ssyncset.done $0x0  }
0x7b: {  	s2 =	sadd.s32 $0x180, s0;
	[sflag:s26] =	ssyncadd.s32 $0xFFFFE000  }
0x7c: {  	[tilespmem:s30], [sflag:$0x2] =	stream.indirect.gather [spmem:s1], $0x40, s2, s29, $0xb8;
	[tilespmem:$0x1CF00] =	vst v63  }
0x7d: {  	_ =	swait.ge [sflag:s21], $0x2000  }
0x7e: {  	[sflag:s21] =	ssyncset.done $0x0  }
0x7f: {  	s0 =	simm.s32 $0x4D80;
	[sflag:s21] =	ssyncadd.s32 $0xFFFFE000  }
0x80: {  	[spmem:s3] =	stream.indirect.scatter.add.f32 [tilespmem:s24], [sflag:$0x5], $0x40, s0, s29, $0xb8;
	[tilespmem:$0x1CF00] =	vst v63  }
0x81: {  	_ =	swait.ge [sflag:s26], $0x2000  }
0x82: {  	[sflag:s26] =	ssyncset.done $0x0  }
0x83: {  	[sflag:s26] =	ssyncadd.s32 $0xFFFFE000  }
0x84: {  	_ =	swait.ge [sflag:s31], $0x2000  }
0x85: {  	[sflag:s31] =	ssyncset.done $0x0  }
0x86: {  	s22 =	simm.s32 $0x4E00;
	[sflag:s31] =	ssyncadd.s32 $0xFFFFE000  }
0x87: {  	[spmem:s3] =	stream.indirect.scatter.add.f32 [tilespmem:s30], [sflag:$0x5], $0x40, s22, s29, $0xb8;
	[tilespmem:$0x1CF00] =	vst v63  }
0x88: {  	_ =	swait.ge [sflag:s26], $0x2000  }
0x89: {  	s19 =	sadd.s32 $0x1, s19;
	[sflag:s26] =	ssyncset.done $0x0  }
0x8a: {  	p1 =	sne.s32 s19, s14;
	[sflag:s26] =	ssyncadd.s32 $0xFFFFE000  }
.Ltmp2:
0x8b: {  	s23 =	sor.u32 $0x1C05, s7;
	[bflag:$0x0] =	sbarrier.arrive $0xFFFF;
	(pc) =	sbr.rel @p1 .LBB2_1-.Ltmp2, $4  }
0x8c: {  	[hbm:s13], [sflag:s23] =	dma.local [spmem:s25], $0x1400  }
0x8d: {  	_ =	swait.ge [sflag:s26], $0x1400  }
0x8e: {  	[sflag:s26] =	ssyncset.done $0x0  }
0x8f: {  	[sflag:s26] =	ssyncadd.s32 $0xFFFFEC00  }
0x90: {  	_ =	sfence.sel $0x180000  }
0x91: {  	[bflag:$0x0] =	sbarrier.arrive $0xFFFF  }
0x92: {  	_ =	strace $0x9000004D  }
0x93: {  	s0 =	stileid.u32;
	[bflag:$0x2] =	sbarrier.arrive $0xFFFF  }
0x94: {  	p0 =	sne.s32 s0, $0x0;
	s0 =	rddreg [dreg:$0x4]  }
0x95: {  	s0 =	sadd.s32 @!p0 $0x100000, s0  }
0x96: {  	[sflag:s0] =	ssyncadd.tile.s32 @!p0 $0x1;
	_ =	shalt  }
.Lfunc_end2:
_tile_overlayer_lowered:
.L_overlay_start_2:
0x97: {  	(tag) =	ssettag $0x2  }
0x98: {  	s0 =	rddreg [dreg:$0x0];
	s2 =	stileid.u32  }
0x99: {  	s1 =	rddreg [dreg:$0x1];
	p0 =	sne.s32 s2, $0x0  }
0x9a: {  	s3 =	rddreg [dreg:$0x2];
	[bflag:$0x3] =	sbarrier.arrive $0xFFFF;
	s2 =	simm.s32 @!p0 $0x1C05  }
0x9b: {  	[timem:s3], [sflag:s2] =	dma.local @!p0 [hbm:s0], s1  }
0x9c: {  	s0 =	simm.s32 @!p0 $0x5  }
0x9d: {  	_ =	swait.ge @!p0 [sflag:s0], s1  }
0x9e: {  	s1 =	ssub.s32 @!p0 $0x0, s1;
	[sflag:s0] =	ssyncset.done @!p0 $0x0  }
0x9f: {  	[sflag:s0] =	ssyncadd.s32 @!p0 s1  }
0xa0: {  	[bflag:$0x3] =	sbarrier.arrive $0xFFFF  }
0xa1: {  	_ =	shalt  }

// kernel: kernel.15.cloned.1.call-start
scs
__scs_entry_jumppad:
0x0: {  	(pc) =	sbr.rel $0x88, $3  }
0x1: {  	(tag) =	ssettag $0x0;
	lr =	simm.s32 $0x1  }
0x2: {  	[smem:$0x3F9B] =	sst lr;
	_ =	strace $0xD0000000  }
0x3: {  	_ = 	snop  }
0x4: {  	_ = 	snop  }
0x5: {  	_ = 	snop  }
0x6: {  	_ = 	snop  }
0x7: {  	_ = 	snop  }
__scs_overlays_trampoline_lowered:
0x8: {  	[smem:$0x3FAA] =	sst s0  }
0x9: {  	[smem:$0x3FAB] =	sst s1  }
0xa: {  	[smem:$0x3FAC] =	sst s2  }
0xb: {  	[smem:$0x3FAD] =	sst s3  }
0xc: {  	[smem:$0x3FAE] =	sst s4  }
0xd: {  	[smem:$0x3FAF] =	sst s5  }
0xe: {  	[smem:$0x3FB0] =	sst s6  }
0xf: {  	[smem:$0x3FB1] =	sst s7  }
0x10: {  	[smem:$0x3FB2] =	sst s8  }
0x11: {  	[smem:$0x3FB3] =	sst s9;
	s0 =	simm.s32 @!p0 $0x0  }
0x12: {  	s1 =	sld [smem:$0x3F99];
	s0 =	simm.s32 @p0 $0x1  }
0x13: {  	[smem:$0x3FB4] =	sst s0;
	s0 =	simm.s32 @!p1 $0x0  }
0x14: {  	s2 =	sld [smem:$0x3F98];
	s0 =	simm.s32 @p1 $0x1  }
0x15: {  	[smem:$0x3FB5] =	sst s0;
	s0 =	simm.s32 @!p2 $0x0  }
0x16: {  	s3 =	sld [smem:$0x3FDB];
	s0 =	simm.s32 @p2 $0x1  }
0x17: {  	s4 =	simm.s32 $0x1BF5;
	[smem:$0x3FB7] =	sst s0  }
0x18: {  	s0 =	sld [smem:$0x3F9A];
	_ =	swait.ge [sflag:s4], $0x0  }
0x19: {  	s7 =	sld [smem:$0x3F9B]  }
0x1a: {  	s8 =	sadd.s32 $0xFFFFE003, lr  }
0x1b: {  	s9 =	sadd.s32 $0xFFFFFEF7, lr;
	s5 =	simm.s32 $0xFFFFFFFF;
	p2 =	slt.u32 s8, $0xFFFFF086  }
0x1c: {  	p1 =	slt.u32 s9, $0xF7A;
	s5 =	simm.s32 @!p2 $0x0  }
0x1d: {  	s5 =	simm.s32 @p1 $0x1;
	p0 =	seq.s32 s7, s2  }
0x1e: {  	s7 =	smul.u32 @!p0 $0xF7A, s2;
	p2 =	seq.s32 @!p0 s5, $0x0  }
0x1f: {  	s9 =	smul.u32 $0xF7A, s1;
	s8 =	simm.s32 @!p0 $0x1BF5;
	p2 =	por !p2, p0  }
0x20: {  	[sflag:s8] =	ssyncset.s32 @!p0 $0xFFFFF086;
	s6 =	sadd.s32 @!p0 s3, s7;
	s7 =	simm.s32 @!p0 $0x108  }
0x21: {  	s3 =	sadd.s32 s3, s9;
	s6 =	sadd.s32 @!p0 $0x88, s6;
	s7 =	simm.s32 @p2 $0x1082  }
0x22: {  	[simem:s7], [sflag:s8] =	dma.local @!p0 [hbm:s6], $0xF7A  }
0x23: {  	s9 =	sor.u32 $0xD0000000, s2;
	s6 =	simm.s32 $0x108;
	_ =	swait.ge @!p0 [sflag:s8], $0x0  }
0x24: {  	s3 =	sadd.s32 $0x88, s3;
	s6 =	simm.s32 @!p1 $0x1082;
	[sflag:s4] =	ssyncset.s32 $0xFFFFF086  }
0x25: {  	[simem:s6], [sflag:s4] =	dma.local [hbm:s3], $0xF7A  }
0x26: {  	[smem:$0x3F9B] =	sst s1;
	(tag) =	ssettag s2;
	_ =	strace s9  }
0x27: {  	s1 =	sld [smem:$0x3FAB]  }
0x28: {  	s2 =	sld [smem:$0x3FAC]  }
0x29: {  	s4 =	sld [smem:$0x3FAE]  }
0x2a: {  	p0 =	seq.s32 s5, $0x0;
	s5 =	sld [smem:$0x3FAF]  }
0x2b: {  	s6 =	sld [smem:$0x3FB0]  }
0x2c: {  	s7 =	sld [smem:$0x3FB1]  }
0x2d: {  	s3 =	simm.s32 $0x108;
	s8 =	sld [smem:$0x3FB2]  }
0x2e: {  	s3 =	simm.s32 @!p0 $0x1082;
	s9 =	sld [smem:$0x3FB3]  }
0x2f: {  	lr =	sadd.s32 s0, s3;
	s0 =	sld [smem:$0x3FAA]  }
0x30: {  	s3 =	sld [smem:$0x3FAD]  }
0x31: {  	[smem:$0x3FB6] =	sst s10  }
0x32: {  	s10 =	sld [smem:$0x3FB4];
	_ =	sdelay $0x3  }
0x33: {  	p0 =	seq.s32 s10, $0x1;
	s10 =	sld [smem:$0x3FB6];
	_ =	sdelay $0x3  }
0x34: {  	[smem:$0x3FB6] =	sst s10  }
0x35: {  	s10 =	sld [smem:$0x3FB5];
	_ =	sdelay $0x3  }
0x36: {  	p1 =	seq.s32 s10, $0x1;
	s10 =	sld [smem:$0x3FB6];
	_ =	sdelay $0x3  }
0x37: {  	[smem:$0x3FB6] =	sst s10  }
0x38: {  	s10 =	sld [smem:$0x3FB7]  }
0x39: {  	_ = 	snop;
	(pc) =	sbr.ind lr, $3  }
0x3a: {  	_ = 	snop  }
0x3b: {  	_ = 	snop  }
0x3c: {  	p2 =	seq.s32 s10, $0x1;
	s10 =	sld [smem:$0x3FB6]  }
0x3d: {  	_ =	shalt  }
0x3e: {  	_ =	shalt  }
0x3f: {  	_ =	shalt  }
0x40: {  	_ =	shalt  }
0x41: {  	_ =	shalt  }
0x42: {  	_ =	shalt  }
0x43: {  	_ =	shalt  }
0x44: {  	_ =	shalt  }
0x45: {  	_ =	shalt  }
0x46: {  	_ =	shalt  }
0x47: {  	_ =	shalt  }
0x48: {  	_ =	shalt  }
0x49: {  	_ =	shalt  }
0x4a: {  	_ =	shalt  }
0x4b: {  	_ =	shalt  }
0x4c: {  	_ =	shalt  }
0x4d: {  	_ =	shalt  }
0x4e: {  	_ =	shalt  }
0x4f: {  	_ =	shalt  }
0x50: {  	_ =	shalt  }
0x51: {  	_ =	shalt  }
0x52: {  	_ =	shalt  }
0x53: {  	_ =	shalt  }
0x54: {  	_ =	shalt  }
0x55: {  	_ =	shalt  }
0x56: {  	_ =	shalt  }
0x57: {  	_ =	shalt  }
0x58: {  	_ =	shalt  }
0x59: {  	_ =	shalt  }
0x5a: {  	_ =	shalt  }
0x5b: {  	_ =	shalt  }
0x5c: {  	_ =	shalt  }
0x5d: {  	_ =	shalt  }
0x5e: {  	_ =	shalt  }
0x5f: {  	_ =	shalt  }
0x60: {  	_ =	shalt  }
0x61: {  	_ =	shalt  }
0x62: {  	_ =	shalt  }
0x63: {  	_ =	shalt  }
0x64: {  	_ =	shalt  }
0x65: {  	_ =	shalt  }
0x66: {  	_ =	shalt  }
0x67: {  	_ =	shalt  }
0x68: {  	_ =	shalt  }
0x69: {  	_ =	shalt  }
0x6a: {  	_ =	shalt  }
0x6b: {  	_ =	shalt  }
0x6c: {  	_ =	shalt  }
0x6d: {  	_ =	shalt  }
0x6e: {  	_ =	shalt  }
0x6f: {  	_ =	shalt  }
0x70: {  	_ =	shalt  }
0x71: {  	_ =	shalt  }
0x72: {  	_ =	shalt  }
0x73: {  	_ =	shalt  }
0x74: {  	_ =	shalt  }
0x75: {  	_ =	shalt  }
0x76: {  	_ =	shalt  }
0x77: {  	_ =	shalt  }
0x78: {  	_ =	shalt  }
0x79: {  	_ =	shalt  }
0x7a: {  	_ =	shalt  }
0x7b: {  	_ =	shalt  }
0x7c: {  	_ =	shalt  }
0x7d: {  	_ =	shalt  }
0x7e: {  	_ =	shalt  }
0x7f: {  	_ =	shalt  }
0x80: {  	_ =	shalt  }
0x81: {  	_ =	shalt  }
0x82: {  	_ =	shalt  }
0x83: {  	_ =	shalt  }
0x84: {  	_ =	shalt  }
0x85: {  	_ =	shalt  }
0x86: {  	_ =	shalt  }
0x87: {  	_ =	shalt  }
.Lfunc_end0:
.L_simem_size_0:
called_computation.2_lowered:
.L_overlay_start_0:
0x88: {  	s2 =	sld [smem:$0x3FD9]  }
0x89: {  	s3 =	sld [smem:$0x3FFE];
	_ =	sdelay $0x1  }
0x8a: {  	s1 =	srdreg.scid  }
0x8b: {  	s0 =	sand.u32 $0x1, s1  }
0x8c: {  	s17 =	sshll.u32 s0, $0xA;
	s2 =	sadd.s32 s3, s2  }
0x8d: {  	s2 =	sadd.s32 s2, s17  }
0x8e: {  	[smem:$0x3FC2] =	sst s2  }
0x8f: {  	_ = 	snop  }
0x90: {  	s2 =	sld [smem:$0x3FD0];
	(tm) =	ssettm $0x1  }
0x91: {  	s18 =	sld [smem:$0x3FFB];
	_ =	sdelay $0x3  }
0x92: {  	_ =	strace s18  }
0x93: {  	s3 =	sld [smem:$0x3FFC];
	_ =	sdelay $0x3  }
0x94: {  	_ =	strace s3  }
0x95: {  	s3 =	sld [smem:$0x3FFD];
	_ =	sdelay $0x3  }
0x96: {  	_ =	strace s3  }
0x97: {  	_ =	strace $0x8FFFFFFF  }
0x98: {  	s19 =	sld [smem:$0x3FDB];
	_ =	sdelay $0x1  }
0x99: {  	s4 =	simm.s32 $_scs_section_size  }
0x9a: {  	s5 =	simm.s32 $_size__tile_overlayer_lowered;
	s6 =	simm.s32 $_tile_overlayer_lowered  }
0x9b: {  	s22 =	simm.s32 $0x1BFF;
	s21 =	sshll.u32 s6, $0x1;
	s3 =	sadd.s32 s4, s19  }
0x9c: {  	s7 =	simm.s32 $0x0;
	s20 =	sshll.u32 s5, $0x1;
	s5 =	sadd.s32 s21, s3  }
0x9d: {  	[timem:s7], [sflag:s22] =	dma.local [hbm:s5], s20  }
0x9e: {  	_ =	swait.ge [sflag:s22], s20  }
0x9f: {  	s4 =	ssub.s32 $0x0, s20;
	[sflag:s22] =	ssyncset.done $0x0  }
0xa0: {  	[sflag:s22] =	ssyncadd.s32 s4;
	_ =	sdelay $0x1  }
0xa1: {  	s23 =	simm.s32 $0x1B8B  }
0xa2: {  	_ =	swait.ge [sflag:s23], $0x1  }
0xa3: {  	[sflag:s23] =	ssyncset.done $0x0  }
0xa4: {  	s25 =	simm.s32 $0x1B8E;
	s24 =	sld [smem:$0x3FFE];
	[sflag:s23] =	ssyncadd.s32 $0xFFFFFFFF  }
0xa5: {  	s26 =	simm.s32 $execute0_lowered;
	[smem:$0x3FD2] =	sst s25  }
0xa6: {  	s5 =	sshll.u32 s26, $0x1;
	_ =	strace $0x80000049;
	[dreg:$0x1] =	wrdreg $0xFFFFFFFF  }
0xa7: {  	s28 =	simm.s32 $_size_execute0_lowered;
	s3 =	sadd.s32 s3, s5;
	[dreg:$0x0] =	wrdreg $0x0  }
0xa8: {  	s5 =	sshll.u32 s28, $0x1;
	[dreg:$0x2] =	wrdreg s3  }
0xa9: {  	[dreg:$0x3] =	wrdreg s5  }
0xaa: {  	[dreg:$0x4] =	wrdreg $0xC0  }
0xab: {  	_ =	task [dreg:s7], $0x5FFFF  }
0xac: {  	[dreg:$0x1] =	wrdreg $0xFFFFFFFF  }
0xad: {  	[dreg:$0x0] =	wrdreg $0x60  }
0xae: {  	[dreg:$0x2] =	wrdreg s2  }
0xaf: {  	[dreg:$0x3] =	wrdreg s24  }
0xb0: {  	[dreg:$0x4] =	wrdreg $0x8F000  }
0xb1: {  	[dreg:$0x5] =	wrdreg $0x12F000  }
0xb2: {  	[dreg:$0x6] =	wrdreg $0xA  }
0xb3: {  	_ =	task.clear_ibuf [dreg:s7], $0x7FFFF;
	_ =	strace $0x90000049  }
0xb4: {  	s29 =	simm.s32 $0xA;
	_ =	strace $0x8000004B  }
0xb5: {  	_ =	swait.ge [sflag:s29], $0x1  }
0xb6: {  	[sflag:s29] =	ssyncadd.s32 $0xFFFFFFFF  }
0xb7: {  	_ =	strace $0x9000004B  }
0xb8: {  	_ =	sfence  }
0xb9: {  	s30 =	sld [smem:$0x0];
	_ =	sdelay $0x2  }
0xba: {  	s31 =	sshll.u32 s1, $0xD;
	s1 =	sshrl.u32 s1, $0x2  }
0xbb: {  	s3 =	sand.u32 $0x4000, s31;
	s1 =	sadd.s32 s1, s30  }
0xbc: {  	s0 =	sor.u32 s3, s0;
	s1 =	sshll.u32 s1, $0x11  }
0xbd: {  	s0 =	sor.u32 s1, s0  }
0xbe: {  	s0 =	sadd.s32 $0x8F2B, s0  }
0xbf: {  	[sflag:s0] =	ssyncadd.remote.s32 $0x1  }
0xc0: {  	_ =	sfence.sel $0xFFFF  }
0xc1: {  	[dreg:$0x0] =	wrdreg $0xFFFFFFFF;
	(pc) =	sbr.abs _section_cstart, $3  }
0xc2: {  	[dreg:$0x1] =	wrdreg $0xFFFFFFFF  }
0xc3: {  	_ =	task.clear_ibuf [dreg:s7], $0x2FFFF;
	_ =	strace $0x9FFFFFFF  }
0xc4: {  	(tm) =	ssettm $0x7FFFFFFF  }
0xc5: {  	_ =	shalt  }
tec
execute0_lowered:
.L_overlay_start_1:
0x0: {  	(tag) =	ssettag $0x1  }
0x1: {  	s0 =	rddreg [dreg:$0x0]  }
0x2: {  	s2 =	rddreg [dreg:$0x1]  }
0x3: {  	s1 =	rddreg [dreg:$0x2]  }
0x4: {  	s11 =	stileid.u32;
	s3 =	srdreg.scid  }
0x5: {  	s21 =	simm.s32 $0x1;
	s28 =	simm.s32 $0x3;
	s29 =	simm.s32 $0x80  }
0x6: {  	s30 =	simm.s32 $0x6F00;
	s31 =	simm.s32 $0x2;
	s14 =	smul.u32 $0xA000, s11  }
0x7: {  	s19 =	simm.s32 $0x0;
	s5 =	sand.u32 $0x1, s3;
	s9 =	smul.u32 $0x2800, s11  }
0x8: {  	s4 =	sshll.u32 s11, $0x1;
	s3 =	rddreg [dreg:$0x3];
	s10 =	smul.u32 $0x28000, s11  }
0x9: {  	p0 =	slt.u32 s11, $0x2;
	s6 =	smul.u32 $0xA0000, s5;
	s7 =	sor.u32 s5, s4  }
0xa: {  	s4 =	simm.s32 $0x0;
	s5 =	ssub.s32 $0x2, s5;
	s8 =	smul.u32 $0x4E, s7  }
0xb: {  	[smem:$0x7FF] =	sst s4;
	s7 =	smul.u32 $0x4F, s7;
	s9 =	sadd.s32 s9, s2  }
0xc: {  	s24 =	sshrl.u32 s5, $0x1;
	s25 =	sadd.s32 s14, s1;
	s10 =	sshrl.u32 s10, $0x2  }
0xd: {  	s26 =	sadd.s32 s14, s3;
	_ =	strace $0x8000004A;
	s6 =	sadd.s32 s14, s6  }
0xe: {  	s15 =	ssub.s32 s5, s24;
	s10 =	sadd.s32 s10, s3;
	s20 =	sshrl.u32 s25, $0x3  }
0xf: {  	s24 =	simm.s32 $0x4F00;
	s25 =	sshrl.u32 s26, $0x3;
	s26 =	simm.s32 $0x5  }
0x10: {  	s8 =	sadd.s32 $0x4, s8;
	s6 =	sshrl.u32 s6, $0x3;
	s14 =	smax.u32 s15, $0x1  }
0x11: {  	s15 =	sadd.s32 $0x2000, s10;
	s16 =	sadd.s32 $0x4000, s10;
	s8 =	smov.u32 @p0 s7  }
0x12: {  	s17 =	sadd.s32 $0x6000, s10;
	s18 =	sadd.s32 $0x8000, s10;
	s7 =	sshll.u32 s8, $0x4  }
0x13: {  	s2 =	sadd.s32 s6, s2;
	s8 =	sadd.s32 $0x52A08, s9;
	s23 =	sand.u32 $0x1FFFFFF0, s7  }
0x14: {  	s13 =	sadd.s32 $0x7AA00, s2;
	s12 =	sadd.s32 s0, s23;
	s0 =	sadd.s32 s0, s7  }
0x15: {  	s7 =	sshll.u32 s11, $0x6;
	[dreg:$0x5] =	wrdreg s0;
	s6 =	sadd.s32 $0x9C40, s12  }
0x16: {  	v0 =	vimm.f32 $0.0e+00;
	s9 =	sor.u32 $0x1C04, s7;
	s11 =	sadd.s32 $0x4E0, s12;
	s12 =	sadd.s32 $0xA120, s12  }
.LBB2_1:
0x17: {  	s0 =	rddreg [dreg:$0x5]  }
0x18: {  	[tilespmem:s4], [sflag:$0x3] =	stream.linear.gather [hbm4b:s0+s4], $0x2700, $0x38;
	[tilespmem:$0x1CF00] =	vst v63  }
0x19: {  	s2 =	simm.s32 $0x2780;
	s5 =	simm.s32 $0x8;
	s22 =	sand.u32 $0x7F00, s4  }
0x1a: {  	[tilespmem:s2], [sflag:$0x3] =	stream.linear.gather [hbm4b:s6+s4], $0x2700, $0x38;
	[tilespmem:$0x1CF00] =	vst v63  }
0x1b: {  	s23 =	sand.u32 $0x30, s4;
	s0 =	sshrl.u32 s22, $0x2;
	s2 =	simm.s32 $0x10  }
0x1c: {  	[spmem:s20@s5], [sflag:s9] =	dma.strided [hbm:s8@s2], $0x1400, s21, $0x8   }
0x1d: {  	s22 =	simm.s32 $0x40;
	s2 =	sor.u32 s23, s0;
	s23 =	simm.s32 $0x0  }
.LBB2_2:
0x1e: {  	p1 =	seq.s32 s22, $0x7FC0  }
0x1f: {  	[tilespmem:s2+$0x4F00] =	vst v0;
	s23 =	sadd.s32 $0x10, s23;
	s0 =	smov.u32 s22;
	s22 =	sadd.s32 $0x40, s22  }
.Ltmp0:
0x20: {  	(pc) =	sbr.rel @!p1 .LBB2_2-.Ltmp0, $4  }
0x21: {  	_ = 	snop  }
0x22: {  	s0 =	sand.u32 $0x7F00, s0  }
0x23: {  	s2 =	sand.u32 $0x30, s23;
	s0 =	sshrl.u32 s0, $0x2  }
0x24: {  	s2 =	sor.u32 s2, s0  }
0x25: {  	[tilespmem:s2+$0x4F00] =	vst v0  }
0x26: {  	[spmem:s10] =	stream.linear.scatter [tilespmem:s24], [sflag:$0x5], $0x2000, $0x38;
	[tilespmem:$0x1CF00] =	vst v63  }
0x27: {  	_ =	swait.ge [sflag:s26], $0x2000  }
0x28: {  	[sflag:s26] =	ssyncset.done $0x0  }
0x29: {  	[sflag:s26] =	ssyncadd.s32 $0xFFFFE000  }
0x2a: {  	[spmem:s15] =	stream.linear.scatter [tilespmem:s24], [sflag:$0x5], $0x2000, $0x38;
	[tilespmem:$0x1CF00] =	vst v63  }
0x2b: {  	_ =	swait.ge [sflag:s26], $0x2000  }
0x2c: {  	[sflag:s26] =	ssyncset.done $0x0  }
0x2d: {  	[sflag:s26] =	ssyncadd.s32 $0xFFFFE000  }
0x2e: {  	[spmem:s16] =	stream.linear.scatter [tilespmem:s24], [sflag:$0x5], $0x2000, $0x38;
	[tilespmem:$0x1CF00] =	vst v63  }
0x2f: {  	_ =	swait.ge [sflag:s26], $0x2000  }
0x30: {  	[sflag:s26] =	ssyncset.done $0x0  }
0x31: {  	[sflag:s26] =	ssyncadd.s32 $0xFFFFE000  }
0x32: {  	[spmem:s17] =	stream.linear.scatter [tilespmem:s24], [sflag:$0x5], $0x2000, $0x38;
	[tilespmem:$0x1CF00] =	vst v63  }
0x33: {  	_ =	swait.ge [sflag:s26], $0x2000  }
0x34: {  	[sflag:s26] =	ssyncset.done $0x0  }
0x35: {  	[sflag:s26] =	ssyncadd.s32 $0xFFFFE000  }
0x36: {  	[spmem:s18] =	stream.linear.scatter [tilespmem:s24], [sflag:$0x5], $0x2000, $0x38;
	[tilespmem:$0x1CF00] =	vst v63  }
0x37: {  	_ =	swait.ge [sflag:s26], $0x2000  }
0x38: {  	[sflag:s26] =	ssyncset.done $0x0  }
0x39: {  	[sflag:s26] =	ssyncadd.s32 $0xFFFFE000  }
0x3a: {  	_ =	swait.ge [sflag:s28], $0x2700  }
0x3b: {  	[sflag:s28] =	ssyncset.done $0x0  }
0x3c: {  	[sflag:s28] =	ssyncadd.s32 $0xFFFFD900  }
0x3d: {  	_ =	swait.ge [sflag:s28], $0x2700  }
0x3e: {  	s2 =	simm.s32 @p0 $0x0;
	[sflag:s28] =	ssyncset.done $0x0  }
0x3f: {  	s22 =	simm.s32 @p0 $0x2700;
	s23 =	simm.s32 @p0 $0x5;
	[sflag:s28] =	ssyncadd.s32 $0xFFFFD900  }
0x40: {  	[tilespmem:s22], [sflag:$0x5] =	stream.linear.gather @p0 [hbm4b:s11+s2], $0x80, $0x38;
	[tilespmem:$0x1CF00] =	vst v63  }
0x41: {  	_ =	swait.ge @p0 [sflag:s23], $0x80  }
0x42: {  	[sflag:s23] =	ssyncset.done @p0 $0x0  }
0x43: {  	s0 =	simm.s32 @p0 $0x4E80;
	[sflag:s23] =	ssyncadd.s32 @p0 $0xFFFFFF80  }
0x44: {  	[tilespmem:s0], [sflag:$0x5] =	stream.linear.gather @p0 [hbm4b:s12+s2], $0x80, $0x38;
	[tilespmem:$0x1CF00] =	vst v63  }
0x45: {  	_ =	swait.ge @p0 [sflag:s23], $0x80  }
0x46: {  	[sflag:s23] =	ssyncset.done @p0 $0x0  }
0x47: {  	s2 =	simm.s32 @p0 $0x4;
	[sflag:s23] =	ssyncadd.s32 @p0 $0xFFFFFF80  }
0x48: {  	_ =	swait.ge @p0 [sflag:s2], $0x1400  }
0x49: {  	[sflag:s2] =	ssyncset.done @p0 $0x0  }
0x4a: {  	[sflag:s2] =	ssyncadd.s32 @p0 $0xFFFFEC00  }
0x4b: {  	s5 =	simm.s32 @p0 $0x4F00;
	s2 =	simm.s32 @p0 $0x80;
	[bflag:$0x0] =	sbarrier.arrive @p0 $0xFFFF  }
0x4c: {  	[tilespmem:s5], [sflag:$0x1] =	stream.indirect.gather @p0 [spmem:s1], $0x40, s22, s2, $0xb8;
	[tilespmem:$0x1CF00] =	vst v63  }
0x4d: {  	s22 =	simm.s32 @p0 $0x1  }
0x4e: {  	_ =	swait.ge @p0 [sflag:s22], $0x2000  }
0x4f: {  	[sflag:s22] =	ssyncset.done @p0 $0x0  }
0x50: {  	[sflag:s22] =	ssyncadd.s32 @p0 $0xFFFFE000  }
0x51: {  	[spmem:s3] =	stream.indirect.scatter.add.f32 @p0 [tilespmem:s5], [sflag:$0x5], $0x40, s0, s2, $0xb8;
	[tilespmem:$0x1CF00] =	vst v63  }
0x52: {  	_ =	swait.ge @p0 [sflag:s23], $0x2000  }
0x53: {  	[sflag:s23] =	ssyncset.done @p0 $0x0  }
0x54: {  	s0 =	simm.s32 @!p0 $0x4;
	[sflag:s23] =	ssyncadd.s32 @p0 $0xFFFFE000  }
0x55: {  	_ =	swait.ge @!p0 [sflag:s0], $0x1400  }
0x56: {  	[sflag:s0] =	ssyncset.done @!p0 $0x0  }
0x57: {  	[sflag:s0] =	ssyncadd.s32 @!p0 $0xFFFFEC00  }
0x58: {  	s2 =	simm.s32 $0x0;
	[bflag:$0x0] =	sbarrier.arrive @!p0 $0xFFFF  }
0x59: {  	[tilespmem:s24], [sflag:$0x1] =	stream.indirect.gather [spmem:s1], $0x40, s2, s29, $0xb8;
	[tilespmem:$0x1CF00] =	vst v63  }
0x5a: {  	_ = 	snop  }
0x5b: {  	[tilespmem:s30], [sflag:$0x2] =	stream.indirect.gather [spmem:s1], $0x40, s29, s29, $0xb8;
	[tilespmem:$0x1CF00] =	vst v63  }
0x5c: {  	_ =	swait.ge [sflag:s21], $0x2000  }
0x5d: {  	[sflag:s21] =	ssyncset.done $0x0  }
0x5e: {  	s5 =	simm.s32 $0x2780;
	[sflag:s21] =	ssyncadd.s32 $0xFFFFE000  }
0x5f: {  	[spmem:s3] =	stream.indirect.scatter.add.f32 [tilespmem:s24], [sflag:$0x5], $0x40, s5, s29, $0xb8;
	[tilespmem:$0x1CF00] =	vst v63  }
0x60: {  	_ =	swait.ge [sflag:s26], $0x2000  }
0x61: {  	[sflag:s26] =	ssyncset.done $0x0  }
0x62: {  	s22 =	simm.s32 $0x100;
	[sflag:s26] =	ssyncadd.s32 $0xFFFFE000  }
0x63: {  	[tilespmem:s24], [sflag:$0x1] =	stream.indirect.gather [spmem:s1], $0x40, s22, s29, $0xb8;
	[tilespmem:$0x1CF00] =	vst v63  }
0x64: {  	_ =	swait.ge [sflag:s31], $0x2000  }
0x65: {  	[sflag:s31] =	ssyncset.done $0x0  }
0x66: {  	s23 =	simm.s32 $0x2800;
	[sflag:s31] =	ssyncadd.s32 $0xFFFFE000  }
0x67: {  	[spmem:s3] =	stream.indirect.scatter.add.f32 [tilespmem:s30], [sflag:$0x5], $0x40, s23, s29, $0xb8;
	[tilespmem:$0x1CF00] =	vst v63  }
0x68: {  	_ =	swait.ge [sflag:s26], $0x2000  }
0x69: {  	[sflag:s26] =	ssyncset.done $0x0  }
0x6a: {  	s2 =	simm.s32 $0x180;
	s22 =	simm.s32 $0x400;
	[sflag:s26] =	ssyncadd.s32 $0xFFFFE000  }
.LBB2_4:
0x6b: {  	[tilespmem:s30], [sflag:$0x2] =	stream.indirect.gather [spmem:s1], $0x40, s2, s29, $0xb8;
	[tilespmem:$0x1CF00] =	vst v63  }
0x6c: {  	s0 =	smov.u32 s22  }
0x6d: {  	p1 =	sne.s32 s22, $0x9400;
	s22 =	sadd.s32 $0x400, s22;
	_ =	swait.ge [sflag:s21], $0x2000  }
0x6e: {  	s0 =	sshra.s32 s0, $0x2;
	[sflag:s21] =	ssyncset.done $0x0  }
0x6f: {  	s2 =	sadd.s32 $0x2780, s0;
	[sflag:s21] =	ssyncadd.s32 $0xFFFFE000  }
0x70: {  	[spmem:s3] =	stream.indirect.scatter.add.f32 [tilespmem:s24], [sflag:$0x5], $0x40, s2, s29, $0xb8;
	[tilespmem:$0x1CF00] =	vst v63  }
0x71: {  	_ =	swait.ge [sflag:s26], $0x2000  }
0x72: {  	[sflag:s26] =	ssyncset.done $0x0  }
0x73: {  	s2 =	sadd.s32 $0x100, s0;
	[sflag:s26] =	ssyncadd.s32 $0xFFFFE000  }
0x74: {  	[tilespmem:s24], [sflag:$0x1] =	stream.indirect.gather [spmem:s1], $0x40, s2, s29, $0xb8;
	[tilespmem:$0x1CF00] =	vst v63  }
0x75: {  	_ =	swait.ge [sflag:s31], $0x2000  }
0x76: {  	[sflag:s31] =	ssyncset.done $0x0  }
.Ltmp1:
0x77: {  	s2 =	sadd.s32 $0x2800, s0;
	[sflag:s31] =	ssyncadd.s32 $0xFFFFE000;
	(pc) =	sbr.rel @p1 .LBB2_4-.Ltmp1, $4  }
0x78: {  	[spmem:s3] =	stream.indirect.scatter.add.f32 [tilespmem:s30], [sflag:$0x5], $0x40, s2, s29, $0xb8;
	[tilespmem:$0x1CF00] =	vst v63  }
0x79: {  	_ =	swait.ge [sflag:s26], $0x2000  }
0x7a: {  	[sflag:s26] =	ssyncset.done $0x0  }
0x7b: {  	s2 =	sadd.s32 $0x180, s0;
	[sflag:s26] =	ssyncadd.s32 $0xFFFFE000  }
0x7c: {  	[tilespmem:s30], [sflag:$0x2] =	stream.indirect.gather [spmem:s1], $0x40, s2, s29, $0xb8;
	[tilespmem:$0x1CF00] =	vst v63  }
0x7d: {  	_ =	swait.ge [sflag:s21], $0x2000  }
0x7e: {  	[sflag:s21] =	ssyncset.done $0x0  }
0x7f: {  	s0 =	simm.s32 $0x4D80;
	[sflag:s21] =	ssyncadd.s32 $0xFFFFE000  }
0x80: {  	[spmem:s3] =	stream.indirect.scatter.add.f32 [tilespmem:s24], [sflag:$0x5], $0x40, s0, s29, $0xb8;
	[tilespmem:$0x1CF00] =	vst v63  }
0x81: {  	_ =	swait.ge [sflag:s26], $0x2000  }
0x82: {  	[sflag:s26] =	ssyncset.done $0x0  }
0x83: {  	[sflag:s26] =	ssyncadd.s32 $0xFFFFE000  }
0x84: {  	_ =	swait.ge [sflag:s31], $0x2000  }
0x85: {  	[sflag:s31] =	ssyncset.done $0x0  }
0x86: {  	s22 =	simm.s32 $0x4E00;
	[sflag:s31] =	ssyncadd.s32 $0xFFFFE000  }
0x87: {  	[spmem:s3] =	stream.indirect.scatter.add.f32 [tilespmem:s30], [sflag:$0x5], $0x40, s22, s29, $0xb8;
	[tilespmem:$0x1CF00] =	vst v63  }
0x88: {  	_ =	swait.ge [sflag:s26], $0x2000  }
0x89: {  	s19 =	sadd.s32 $0x1, s19;
	[sflag:s26] =	ssyncset.done $0x0  }
0x8a: {  	p1 =	sne.s32 s19, s14;
	[sflag:s26] =	ssyncadd.s32 $0xFFFFE000  }
.Ltmp2:
0x8b: {  	s23 =	sor.u32 $0x1C05, s7;
	[bflag:$0x0] =	sbarrier.arrive $0xFFFF;
	(pc) =	sbr.rel @p1 .LBB2_1-.Ltmp2, $4  }
0x8c: {  	[hbm:s13], [sflag:s23] =	dma.local [spmem:s25], $0x1400  }
0x8d: {  	_ =	swait.ge [sflag:s26], $0x1400  }
0x8e: {  	[sflag:s26] =	ssyncset.done $0x0  }
0x8f: {  	[sflag:s26] =	ssyncadd.s32 $0xFFFFEC00  }
0x90: {  	_ =	sfence.sel $0x180000  }
0x91: {  	[bflag:$0x0] =	sbarrier.arrive $0xFFFF  }
0x92: {  	_ =	strace $0x9000004A  }
0x93: {  	s0 =	stileid.u32;
	[bflag:$0x2] =	sbarrier.arrive $0xFFFF  }
0x94: {  	p0 =	sne.s32 s0, $0x0;
	s0 =	rddreg [dreg:$0x4]  }
0x95: {  	s0 =	sadd.s32 @!p0 $0x100000, s0  }
0x96: {  	[sflag:s0] =	ssyncadd.tile.s32 @!p0 $0x1;
	_ =	shalt  }
.Lfunc_end2:
_tile_overlayer_lowered:
.L_overlay_start_2:
0x97: {  	(tag) =	ssettag $0x2  }
0x98: {  	s0 =	rddreg [dreg:$0x0];
	s2 =	stileid.u32  }
0x99: {  	s1 =	rddreg [dreg:$0x1];
	p0 =	sne.s32 s2, $0x0  }
0x9a: {  	s3 =	rddreg [dreg:$0x2];
	[bflag:$0x3] =	sbarrier.arrive $0xFFFF;
	s2 =	simm.s32 @!p0 $0x1C05  }
0x9b: {  	[timem:s3], [sflag:s2] =	dma.local @!p0 [hbm:s0], s1  }
0x9c: {  	s0 =	simm.s32 @!p0 $0x5  }
0x9d: {  	_ =	swait.ge @!p0 [sflag:s0], s1  }
0x9e: {  	s1 =	ssub.s32 @!p0 $0x0, s1;
	[sflag:s0] =	ssyncset.done @!p0 $0x0  }
0x9f: {  	[sflag:s0] =	ssyncadd.s32 @!p0 s1  }
0xa0: {  	[bflag:$0x3] =	sbarrier.arrive $0xFFFF  }
0xa1: {  	_ =	shalt  }

// kernel: kernel.18.cloned.1.call-start
scs
__scs_entry_jumppad:
0x0: {  	(pc) =	sbr.rel $0x88, $3  }
0x1: {  	(tag) =	ssettag $0x0;
	lr =	simm.s32 $0x1  }
0x2: {  	[smem:$0x3F9B] =	sst lr;
	_ =	strace $0xD0000000  }
0x3: {  	_ = 	snop  }
0x4: {  	_ = 	snop  }
0x5: {  	_ = 	snop  }
0x6: {  	_ = 	snop  }
0x7: {  	_ = 	snop  }
__scs_overlays_trampoline_lowered:
0x8: {  	[smem:$0x3FAA] =	sst s0  }
0x9: {  	[smem:$0x3FAB] =	sst s1  }
0xa: {  	[smem:$0x3FAC] =	sst s2  }
0xb: {  	[smem:$0x3FAD] =	sst s3  }
0xc: {  	[smem:$0x3FAE] =	sst s4  }
0xd: {  	[smem:$0x3FAF] =	sst s5  }
0xe: {  	[smem:$0x3FB0] =	sst s6  }
0xf: {  	[smem:$0x3FB1] =	sst s7  }
0x10: {  	[smem:$0x3FB2] =	sst s8  }
0x11: {  	[smem:$0x3FB3] =	sst s9;
	s0 =	simm.s32 @!p0 $0x0  }
0x12: {  	s1 =	sld [smem:$0x3F99];
	s0 =	simm.s32 @p0 $0x1  }
0x13: {  	[smem:$0x3FB4] =	sst s0;
	s0 =	simm.s32 @!p1 $0x0  }
0x14: {  	s2 =	sld [smem:$0x3F98];
	s0 =	simm.s32 @p1 $0x1  }
0x15: {  	[smem:$0x3FB5] =	sst s0;
	s0 =	simm.s32 @!p2 $0x0  }
0x16: {  	s3 =	sld [smem:$0x3FDB];
	s0 =	simm.s32 @p2 $0x1  }
0x17: {  	s4 =	simm.s32 $0x1BF5;
	[smem:$0x3FB7] =	sst s0  }
0x18: {  	s0 =	sld [smem:$0x3F9A];
	_ =	swait.ge [sflag:s4], $0x0  }
0x19: {  	s7 =	sld [smem:$0x3F9B]  }
0x1a: {  	s8 =	sadd.s32 $0xFFFFE003, lr  }
0x1b: {  	s9 =	sadd.s32 $0xFFFFFEF7, lr;
	s5 =	simm.s32 $0xFFFFFFFF;
	p2 =	slt.u32 s8, $0xFFFFF086  }
0x1c: {  	p1 =	slt.u32 s9, $0xF7A;
	s5 =	simm.s32 @!p2 $0x0  }
0x1d: {  	s5 =	simm.s32 @p1 $0x1;
	p0 =	seq.s32 s7, s2  }
0x1e: {  	s7 =	smul.u32 @!p0 $0xF7A, s2;
	p2 =	seq.s32 @!p0 s5, $0x0  }
0x1f: {  	s9 =	smul.u32 $0xF7A, s1;
	s8 =	simm.s32 @!p0 $0x1BF5;
	p2 =	por !p2, p0  }
0x20: {  	[sflag:s8] =	ssyncset.s32 @!p0 $0xFFFFF086;
	s6 =	sadd.s32 @!p0 s3, s7;
	s7 =	simm.s32 @!p0 $0x108  }
0x21: {  	s3 =	sadd.s32 s3, s9;
	s6 =	sadd.s32 @!p0 $0x88, s6;
	s7 =	simm.s32 @p2 $0x1082  }
0x22: {  	[simem:s7], [sflag:s8] =	dma.local @!p0 [hbm:s6], $0xF7A  }
0x23: {  	s9 =	sor.u32 $0xD0000000, s2;
	s6 =	simm.s32 $0x108;
	_ =	swait.ge @!p0 [sflag:s8], $0x0  }
0x24: {  	s3 =	sadd.s32 $0x88, s3;
	s6 =	simm.s32 @!p1 $0x1082;
	[sflag:s4] =	ssyncset.s32 $0xFFFFF086  }
0x25: {  	[simem:s6], [sflag:s4] =	dma.local [hbm:s3], $0xF7A  }
0x26: {  	[smem:$0x3F9B] =	sst s1;
	(tag) =	ssettag s2;
	_ =	strace s9  }
0x27: {  	s1 =	sld [smem:$0x3FAB]  }
0x28: {  	s2 =	sld [smem:$0x3FAC]  }
0x29: {  	s4 =	sld [smem:$0x3FAE]  }
0x2a: {  	p0 =	seq.s32 s5, $0x0;
	s5 =	sld [smem:$0x3FAF]  }
0x2b: {  	s6 =	sld [smem:$0x3FB0]  }
0x2c: {  	s7 =	sld [smem:$0x3FB1]  }
0x2d: {  	s3 =	simm.s32 $0x108;
	s8 =	sld [smem:$0x3FB2]  }
0x2e: {  	s3 =	simm.s32 @!p0 $0x1082;
	s9 =	sld [smem:$0x3FB3]  }
0x2f: {  	lr =	sadd.s32 s0, s3;
	s0 =	sld [smem:$0x3FAA]  }
0x30: {  	s3 =	sld [smem:$0x3FAD]  }
0x31: {  	[smem:$0x3FB6] =	sst s10  }
0x32: {  	s10 =	sld [smem:$0x3FB4];
	_ =	sdelay $0x3  }
0x33: {  	p0 =	seq.s32 s10, $0x1;
	s10 =	sld [smem:$0x3FB6];
	_ =	sdelay $0x3  }
0x34: {  	[smem:$0x3FB6] =	sst s10  }
0x35: {  	s10 =	sld [smem:$0x3FB5];
	_ =	sdelay $0x3  }
0x36: {  	p1 =	seq.s32 s10, $0x1;
	s10 =	sld [smem:$0x3FB6];
	_ =	sdelay $0x3  }
0x37: {  	[smem:$0x3FB6] =	sst s10  }
0x38: {  	s10 =	sld [smem:$0x3FB7]  }
0x39: {  	_ = 	snop;
	(pc) =	sbr.ind lr, $3  }
0x3a: {  	_ = 	snop  }
0x3b: {  	_ = 	snop  }
0x3c: {  	p2 =	seq.s32 s10, $0x1;
	s10 =	sld [smem:$0x3FB6]  }
0x3d: {  	_ =	shalt  }
0x3e: {  	_ =	shalt  }
0x3f: {  	_ =	shalt  }
0x40: {  	_ =	shalt  }
0x41: {  	_ =	shalt  }
0x42: {  	_ =	shalt  }
0x43: {  	_ =	shalt  }
0x44: {  	_ =	shalt  }
0x45: {  	_ =	shalt  }
0x46: {  	_ =	shalt  }
0x47: {  	_ =	shalt  }
0x48: {  	_ =	shalt  }
0x49: {  	_ =	shalt  }
0x4a: {  	_ =	shalt  }
0x4b: {  	_ =	shalt  }
0x4c: {  	_ =	shalt  }
0x4d: {  	_ =	shalt  }
0x4e: {  	_ =	shalt  }
0x4f: {  	_ =	shalt  }
0x50: {  	_ =	shalt  }
0x51: {  	_ =	shalt  }
0x52: {  	_ =	shalt  }
0x53: {  	_ =	shalt  }
0x54: {  	_ =	shalt  }
0x55: {  	_ =	shalt  }
0x56: {  	_ =	shalt  }
0x57: {  	_ =	shalt  }
0x58: {  	_ =	shalt  }
0x59: {  	_ =	shalt  }
0x5a: {  	_ =	shalt  }
0x5b: {  	_ =	shalt  }
0x5c: {  	_ =	shalt  }
0x5d: {  	_ =	shalt  }
0x5e: {  	_ =	shalt  }
0x5f: {  	_ =	shalt  }
0x60: {  	_ =	shalt  }
0x61: {  	_ =	shalt  }
0x62: {  	_ =	shalt  }
0x63: {  	_ =	shalt  }
0x64: {  	_ =	shalt  }
0x65: {  	_ =	shalt  }
0x66: {  	_ =	shalt  }
0x67: {  	_ =	shalt  }
0x68: {  	_ =	shalt  }
0x69: {  	_ =	shalt  }
0x6a: {  	_ =	shalt  }
0x6b: {  	_ =	shalt  }
0x6c: {  	_ =	shalt  }
0x6d: {  	_ =	shalt  }
0x6e: {  	_ =	shalt  }
0x6f: {  	_ =	shalt  }
0x70: {  	_ =	shalt  }
0x71: {  	_ =	shalt  }
0x72: {  	_ =	shalt  }
0x73: {  	_ =	shalt  }
0x74: {  	_ =	shalt  }
0x75: {  	_ =	shalt  }
0x76: {  	_ =	shalt  }
0x77: {  	_ =	shalt  }
0x78: {  	_ =	shalt  }
0x79: {  	_ =	shalt  }
0x7a: {  	_ =	shalt  }
0x7b: {  	_ =	shalt  }
0x7c: {  	_ =	shalt  }
0x7d: {  	_ =	shalt  }
0x7e: {  	_ =	shalt  }
0x7f: {  	_ =	shalt  }
0x80: {  	_ =	shalt  }
0x81: {  	_ =	shalt  }
0x82: {  	_ =	shalt  }
0x83: {  	_ =	shalt  }
0x84: {  	_ =	shalt  }
0x85: {  	_ =	shalt  }
0x86: {  	_ =	shalt  }
0x87: {  	_ =	shalt  }
.Lfunc_end0:
.L_simem_size_0:
called_computation.3_lowered:
.L_overlay_start_0:
0x88: {  	s2 =	sld [smem:$0x3FD9]  }
0x89: {  	s3 =	sld [smem:$0x3FFE];
	_ =	sdelay $0x1  }
0x8a: {  	s1 =	srdreg.scid  }
0x8b: {  	s0 =	sand.u32 $0x1, s1  }
0x8c: {  	s17 =	sshll.u32 s0, $0xA;
	s2 =	sadd.s32 s3, s2  }
0x8d: {  	s2 =	sadd.s32 s2, s17  }
0x8e: {  	[smem:$0x3FC2] =	sst s2  }
0x8f: {  	_ = 	snop  }
0x90: {  	s2 =	sld [smem:$0x3FD0];
	(tm) =	ssettm $0x1  }
0x91: {  	s18 =	sld [smem:$0x3FFB];
	_ =	sdelay $0x3  }
0x92: {  	_ =	strace s18  }
0x93: {  	s3 =	sld [smem:$0x3FFC];
	_ =	sdelay $0x3  }
0x94: {  	_ =	strace s3  }
0x95: {  	s3 =	sld [smem:$0x3FFD];
	_ =	sdelay $0x3  }
0x96: {  	_ =	strace s3  }
0x97: {  	_ =	strace $0x8FFFFFFF  }
0x98: {  	s19 =	sld [smem:$0x3FDB];
	_ =	sdelay $0x1  }
0x99: {  	s4 =	simm.s32 $_scs_section_size  }
0x9a: {  	s5 =	simm.s32 $_size__tile_overlayer_lowered;
	s6 =	simm.s32 $_tile_overlayer_lowered  }
0x9b: {  	s22 =	simm.s32 $0x1BFF;
	s21 =	sshll.u32 s6, $0x1;
	s3 =	sadd.s32 s4, s19  }
0x9c: {  	s7 =	simm.s32 $0x0;
	s20 =	sshll.u32 s5, $0x1;
	s5 =	sadd.s32 s21, s3  }
0x9d: {  	[timem:s7], [sflag:s22] =	dma.local [hbm:s5], s20  }
0x9e: {  	_ =	swait.ge [sflag:s22], s20  }
0x9f: {  	s4 =	ssub.s32 $0x0, s20;
	[sflag:s22] =	ssyncset.done $0x0  }
0xa0: {  	[sflag:s22] =	ssyncadd.s32 s4;
	_ =	sdelay $0x1  }
0xa1: {  	s23 =	simm.s32 $0x1B8B  }
0xa2: {  	_ =	swait.ge [sflag:s23], $0x1  }
0xa3: {  	[sflag:s23] =	ssyncset.done $0x0  }
0xa4: {  	s25 =	simm.s32 $0x1B8E;
	s24 =	sld [smem:$0x3FFE];
	[sflag:s23] =	ssyncadd.s32 $0xFFFFFFFF  }
0xa5: {  	s26 =	simm.s32 $execute0_lowered;
	[smem:$0x3FD2] =	sst s25  }
0xa6: {  	s5 =	sshll.u32 s26, $0x1;
	_ =	strace $0x8000004F;
	[dreg:$0x1] =	wrdreg $0xFFFFFFFF  }
0xa7: {  	s28 =	simm.s32 $_size_execute0_lowered;
	s3 =	sadd.s32 s3, s5;
	[dreg:$0x0] =	wrdreg $0x0  }
0xa8: {  	s5 =	sshll.u32 s28, $0x1;
	[dreg:$0x2] =	wrdreg s3  }
0xa9: {  	[dreg:$0x3] =	wrdreg s5  }
0xaa: {  	[dreg:$0x4] =	wrdreg $0xC0  }
0xab: {  	_ =	task [dreg:s7], $0x5FFFF  }
0xac: {  	[dreg:$0x1] =	wrdreg $0xFFFFFFFF  }
0xad: {  	[dreg:$0x0] =	wrdreg $0x60  }
0xae: {  	[dreg:$0x2] =	wrdreg s2  }
0xaf: {  	[dreg:$0x3] =	wrdreg s24  }
0xb0: {  	[dreg:$0x4] =	wrdreg $0x8F000  }
0xb1: {  	[dreg:$0x5] =	wrdreg $0x12F000  }
0xb2: {  	[dreg:$0x6] =	wrdreg $0x9  }
0xb3: {  	_ =	task.clear_ibuf [dreg:s7], $0x7FFFF;
	_ =	strace $0x9000004F  }
0xb4: {  	s29 =	simm.s32 $0x9;
	_ =	strace $0x80000051  }
0xb5: {  	_ =	swait.ge [sflag:s29], $0x1  }
0xb6: {  	[sflag:s29] =	ssyncadd.s32 $0xFFFFFFFF  }
0xb7: {  	_ =	strace $0x90000051  }
0xb8: {  	_ =	sfence  }
0xb9: {  	s30 =	sld [smem:$0x0];
	_ =	sdelay $0x2  }
0xba: {  	s31 =	sshll.u32 s1, $0xD;
	s1 =	sshrl.u32 s1, $0x2  }
0xbb: {  	s3 =	sand.u32 $0x4000, s31;
	s1 =	sadd.s32 s1, s30  }
0xbc: {  	s0 =	sor.u32 s3, s0;
	s1 =	sshll.u32 s1, $0x11  }
0xbd: {  	s0 =	sor.u32 s1, s0  }
0xbe: {  	s0 =	sadd.s32 $0x8F2B, s0  }
0xbf: {  	[sflag:s0] =	ssyncadd.remote.s32 $0x1  }
0xc0: {  	_ =	sfence.sel $0xFFFF  }
0xc1: {  	[dreg:$0x0] =	wrdreg $0xFFFFFFFF;
	(pc) =	sbr.abs _section_cstart, $3  }
0xc2: {  	[dreg:$0x1] =	wrdreg $0xFFFFFFFF  }
0xc3: {  	_ =	task.clear_ibuf [dreg:s7], $0x2FFFF;
	_ =	strace $0x9FFFFFFF  }
0xc4: {  	(tm) =	ssettm $0x7FFFFFFF  }
0xc5: {  	_ =	shalt  }
tec
execute0_lowered:
.L_overlay_start_1:
0x0: {  	(tag) =	ssettag $0x1  }
0x1: {  	s0 =	rddreg [dreg:$0x0]  }
0x2: {  	s2 =	rddreg [dreg:$0x1]  }
0x3: {  	s1 =	rddreg [dreg:$0x2]  }
0x4: {  	s11 =	stileid.u32;
	s3 =	srdreg.scid  }
0x5: {  	s21 =	simm.s32 $0x1;
	s28 =	simm.s32 $0x3;
	s29 =	simm.s32 $0x80  }
0x6: {  	s30 =	simm.s32 $0x6F00;
	s31 =	simm.s32 $0x2;
	s14 =	smul.u32 $0xA000, s11  }
0x7: {  	s19 =	simm.s32 $0x0;
	s5 =	sand.u32 $0x1, s3;
	s9 =	smul.u32 $0x2800, s11  }
0x8: {  	s4 =	sshll.u32 s11, $0x1;
	s3 =	rddreg [dreg:$0x3];
	s10 =	smul.u32 $0x28000, s11  }
0x9: {  	p0 =	slt.u32 s11, $0x2;
	s6 =	smul.u32 $0xA0000, s5;
	s7 =	sor.u32 s5, s4  }
0xa: {  	s4 =	simm.s32 $0x0;
	s5 =	ssub.s32 $0x2, s5;
	s8 =	smul.u32 $0x4E, s7  }
0xb: {  	[smem:$0x7FF] =	sst s4;
	s7 =	smul.u32 $0x4F, s7;
	s9 =	sadd.s32 s9, s2  }
0xc: {  	s24 =	sshrl.u32 s5, $0x1;
	s25 =	sadd.s32 s14, s1;
	s10 =	sshrl.u32 s10, $0x2  }
0xd: {  	s26 =	sadd.s32 s14, s3;
	_ =	strace $0x80000050;
	s6 =	sadd.s32 s14, s6  }
0xe: {  	s15 =	ssub.s32 s5, s24;
	s10 =	sadd.s32 s10, s3;
	s20 =	sshrl.u32 s25, $0x3  }
0xf: {  	s24 =	simm.s32 $0x4F00;
	s25 =	sshrl.u32 s26, $0x3;
	s26 =	simm.s32 $0x5  }
0x10: {  	s8 =	sadd.s32 $0x4, s8;
	s6 =	sshrl.u32 s6, $0x3;
	s14 =	smax.u32 s15, $0x1  }
0x11: {  	s15 =	sadd.s32 $0x2000, s10;
	s16 =	sadd.s32 $0x4000, s10;
	s8 =	smov.u32 @p0 s7  }
0x12: {  	s17 =	sadd.s32 $0x6000, s10;
	s18 =	sadd.s32 $0x8000, s10;
	s7 =	sshll.u32 s8, $0x4  }
0x13: {  	s2 =	sadd.s32 s6, s2;
	s8 =	sadd.s32 $0x52A08, s9;
	s23 =	sand.u32 $0x1FFFFFF0, s7  }
0x14: {  	s13 =	sadd.s32 $0x7AA00, s2;
	s12 =	sadd.s32 s0, s23;
	s0 =	sadd.s32 s0, s7  }
0x15: {  	s7 =	sshll.u32 s11, $0x6;
	[dreg:$0x5] =	wrdreg s0;
	s6 =	sadd.s32 $0x9C40, s12  }
0x16: {  	v0 =	vimm.f32 $0.0e+00;
	s9 =	sor.u32 $0x1C04, s7;
	s11 =	sadd.s32 $0x4E0, s12;
	s12 =	sadd.s32 $0xA120, s12  }
.LBB2_1:
0x17: {  	s0 =	rddreg [dreg:$0x5]  }
0x18: {  	[tilespmem:s4], [sflag:$0x3] =	stream.linear.gather [hbm4b:s0+s4], $0x2700, $0x38;
	[tilespmem:$0x1CF00] =	vst v63  }
0x19: {  	s2 =	simm.s32 $0x2780;
	s5 =	simm.s32 $0x8;
	s22 =	sand.u32 $0x7F00, s4  }
0x1a: {  	[tilespmem:s2], [sflag:$0x3] =	stream.linear.gather [hbm4b:s6+s4], $0x2700, $0x38;
	[tilespmem:$0x1CF00] =	vst v63  }
0x1b: {  	s23 =	sand.u32 $0x30, s4;
	s0 =	sshrl.u32 s22, $0x2;
	s2 =	simm.s32 $0x10  }
0x1c: {  	[spmem:s20@s5], [sflag:s9] =	dma.strided [hbm:s8@s2], $0x1400, s21, $0x8   }
0x1d: {  	s22 =	simm.s32 $0x40;
	s2 =	sor.u32 s23, s0;
	s23 =	simm.s32 $0x0  }
.LBB2_2:
0x1e: {  	p1 =	seq.s32 s22, $0x7FC0  }
0x1f: {  	[tilespmem:s2+$0x4F00] =	vst v0;
	s23 =	sadd.s32 $0x10, s23;
	s0 =	smov.u32 s22;
	s22 =	sadd.s32 $0x40, s22  }
.Ltmp0:
0x20: {  	(pc) =	sbr.rel @!p1 .LBB2_2-.Ltmp0, $4  }
0x21: {  	_ = 	snop  }
0x22: {  	s0 =	sand.u32 $0x7F00, s0  }
0x23: {  	s2 =	sand.u32 $0x30, s23;
	s0 =	sshrl.u32 s0, $0x2  }
0x24: {  	s2 =	sor.u32 s2, s0  }
0x25: {  	[tilespmem:s2+$0x4F00] =	vst v0  }
0x26: {  	[spmem:s10] =	stream.linear.scatter [tilespmem:s24], [sflag:$0x5], $0x2000, $0x38;
	[tilespmem:$0x1CF00] =	vst v63  }
0x27: {  	_ =	swait.ge [sflag:s26], $0x2000  }
0x28: {  	[sflag:s26] =	ssyncset.done $0x0  }
0x29: {  	[sflag:s26] =	ssyncadd.s32 $0xFFFFE000  }
0x2a: {  	[spmem:s15] =	stream.linear.scatter [tilespmem:s24], [sflag:$0x5], $0x2000, $0x38;
	[tilespmem:$0x1CF00] =	vst v63  }
0x2b: {  	_ =	swait.ge [sflag:s26], $0x2000  }
0x2c: {  	[sflag:s26] =	ssyncset.done $0x0  }
0x2d: {  	[sflag:s26] =	ssyncadd.s32 $0xFFFFE000  }
0x2e: {  	[spmem:s16] =	stream.linear.scatter [tilespmem:s24], [sflag:$0x5], $0x2000, $0x38;
	[tilespmem:$0x1CF00] =	vst v63  }
0x2f: {  	_ =	swait.ge [sflag:s26], $0x2000  }
0x30: {  	[sflag:s26] =	ssyncset.done $0x0  }
0x31: {  	[sflag:s26] =	ssyncadd.s32 $0xFFFFE000  }
0x32: {  	[spmem:s17] =	stream.linear.scatter [tilespmem:s24], [sflag:$0x5], $0x2000, $0x38;
	[tilespmem:$0x1CF00] =	vst v63  }
0x33: {  	_ =	swait.ge [sflag:s26], $0x2000  }
0x34: {  	[sflag:s26] =	ssyncset.done $0x0  }
0x35: {  	[sflag:s26] =	ssyncadd.s32 $0xFFFFE000  }
0x36: {  	[spmem:s18] =	stream.linear.scatter [tilespmem:s24], [sflag:$0x5], $0x2000, $0x38;
	[tilespmem:$0x1CF00] =	vst v63  }
0x37: {  	_ =	swait.ge [sflag:s26], $0x2000  }
0x38: {  	[sflag:s26] =	ssyncset.done $0x0  }
0x39: {  	[sflag:s26] =	ssyncadd.s32 $0xFFFFE000  }
0x3a: {  	_ =	swait.ge [sflag:s28], $0x2700  }
0x3b: {  	[sflag:s28] =	ssyncset.done $0x0  }
0x3c: {  	[sflag:s28] =	ssyncadd.s32 $0xFFFFD900  }
0x3d: {  	_ =	swait.ge [sflag:s28], $0x2700  }
0x3e: {  	s2 =	simm.s32 @p0 $0x0;
	[sflag:s28] =	ssyncset.done $0x0  }
0x3f: {  	s22 =	simm.s32 @p0 $0x2700;
	s23 =	simm.s32 @p0 $0x5;
	[sflag:s28] =	ssyncadd.s32 $0xFFFFD900  }
0x40: {  	[tilespmem:s22], [sflag:$0x5] =	stream.linear.gather @p0 [hbm4b:s11+s2], $0x80, $0x38;
	[tilespmem:$0x1CF00] =	vst v63  }
0x41: {  	_ =	swait.ge @p0 [sflag:s23], $0x80  }
0x42: {  	[sflag:s23] =	ssyncset.done @p0 $0x0  }
0x43: {  	s0 =	simm.s32 @p0 $0x4E80;
	[sflag:s23] =	ssyncadd.s32 @p0 $0xFFFFFF80  }
0x44: {  	[tilespmem:s0], [sflag:$0x5] =	stream.linear.gather @p0 [hbm4b:s12+s2], $0x80, $0x38;
	[tilespmem:$0x1CF00] =	vst v63  }
0x45: {  	_ =	swait.ge @p0 [sflag:s23], $0x80  }
0x46: {  	[sflag:s23] =	ssyncset.done @p0 $0x0  }
0x47: {  	s2 =	simm.s32 @p0 $0x4;
	[sflag:s23] =	ssyncadd.s32 @p0 $0xFFFFFF80  }
0x48: {  	_ =	swait.ge @p0 [sflag:s2], $0x1400  }
0x49: {  	[sflag:s2] =	ssyncset.done @p0 $0x0  }
0x4a: {  	[sflag:s2] =	ssyncadd.s32 @p0 $0xFFFFEC00  }
0x4b: {  	s5 =	simm.s32 @p0 $0x4F00;
	s2 =	simm.s32 @p0 $0x80;
	[bflag:$0x0] =	sbarrier.arrive @p0 $0xFFFF  }
0x4c: {  	[tilespmem:s5], [sflag:$0x1] =	stream.indirect.gather @p0 [spmem:s1], $0x40, s22, s2, $0xb8;
	[tilespmem:$0x1CF00] =	vst v63  }
0x4d: {  	s22 =	simm.s32 @p0 $0x1  }
0x4e: {  	_ =	swait.ge @p0 [sflag:s22], $0x2000  }
0x4f: {  	[sflag:s22] =	ssyncset.done @p0 $0x0  }
0x50: {  	[sflag:s22] =	ssyncadd.s32 @p0 $0xFFFFE000  }
0x51: {  	[spmem:s3] =	stream.indirect.scatter.add.f32 @p0 [tilespmem:s5], [sflag:$0x5], $0x40, s0, s2, $0xb8;
	[tilespmem:$0x1CF00] =	vst v63  }
0x52: {  	_ =	swait.ge @p0 [sflag:s23], $0x2000  }
0x53: {  	[sflag:s23] =	ssyncset.done @p0 $0x0  }
0x54: {  	s0 =	simm.s32 @!p0 $0x4;
	[sflag:s23] =	ssyncadd.s32 @p0 $0xFFFFE000  }
0x55: {  	_ =	swait.ge @!p0 [sflag:s0], $0x1400  }
0x56: {  	[sflag:s0] =	ssyncset.done @!p0 $0x0  }
0x57: {  	[sflag:s0] =	ssyncadd.s32 @!p0 $0xFFFFEC00  }
0x58: {  	s2 =	simm.s32 $0x0;
	[bflag:$0x0] =	sbarrier.arrive @!p0 $0xFFFF  }
0x59: {  	[tilespmem:s24], [sflag:$0x1] =	stream.indirect.gather [spmem:s1], $0x40, s2, s29, $0xb8;
	[tilespmem:$0x1CF00] =	vst v63  }
0x5a: {  	_ = 	snop  }
0x5b: {  	[tilespmem:s30], [sflag:$0x2] =	stream.indirect.gather [spmem:s1], $0x40, s29, s29, $0xb8;
	[tilespmem:$0x1CF00] =	vst v63  }
0x5c: {  	_ =	swait.ge [sflag:s21], $0x2000  }
0x5d: {  	[sflag:s21] =	ssyncset.done $0x0  }
0x5e: {  	s5 =	simm.s32 $0x2780;
	[sflag:s21] =	ssyncadd.s32 $0xFFFFE000  }
0x5f: {  	[spmem:s3] =	stream.indirect.scatter.add.f32 [tilespmem:s24], [sflag:$0x5], $0x40, s5, s29, $0xb8;
	[tilespmem:$0x1CF00] =	vst v63  }
0x60: {  	_ =	swait.ge [sflag:s26], $0x2000  }
0x61: {  	[sflag:s26] =	ssyncset.done $0x0  }
0x62: {  	s22 =	simm.s32 $0x100;
	[sflag:s26] =	ssyncadd.s32 $0xFFFFE000  }
0x63: {  	[tilespmem:s24], [sflag:$0x1] =	stream.indirect.gather [spmem:s1], $0x40, s22, s29, $0xb8;
	[tilespmem:$0x1CF00] =	vst v63  }
0x64: {  	_ =	swait.ge [sflag:s31], $0x2000  }
0x65: {  	[sflag:s31] =	ssyncset.done $0x0  }
0x66: {  	s23 =	simm.s32 $0x2800;
	[sflag:s31] =	ssyncadd.s32 $0xFFFFE000  }
0x67: {  	[spmem:s3] =	stream.indirect.scatter.add.f32 [tilespmem:s30], [sflag:$0x5], $0x40, s23, s29, $0xb8;
	[tilespmem:$0x1CF00] =	vst v63  }
0x68: {  	_ =	swait.ge [sflag:s26], $0x2000  }
0x69: {  	[sflag:s26] =	ssyncset.done $0x0  }
0x6a: {  	s2 =	simm.s32 $0x180;
	s22 =	simm.s32 $0x400;
	[sflag:s26] =	ssyncadd.s32 $0xFFFFE000  }
.LBB2_4:
0x6b: {  	[tilespmem:s30], [sflag:$0x2] =	stream.indirect.gather [spmem:s1], $0x40, s2, s29, $0xb8;
	[tilespmem:$0x1CF00] =	vst v63  }
0x6c: {  	s0 =	smov.u32 s22  }
0x6d: {  	p1 =	sne.s32 s22, $0x9400;
	s22 =	sadd.s32 $0x400, s22;
	_ =	swait.ge [sflag:s21], $0x2000  }
0x6e: {  	s0 =	sshra.s32 s0, $0x2;
	[sflag:s21] =	ssyncset.done $0x0  }
0x6f: {  	s2 =	sadd.s32 $0x2780, s0;
	[sflag:s21] =	ssyncadd.s32 $0xFFFFE000  }
0x70: {  	[spmem:s3] =	stream.indirect.scatter.add.f32 [tilespmem:s24], [sflag:$0x5], $0x40, s2, s29, $0xb8;
	[tilespmem:$0x1CF00] =	vst v63  }
0x71: {  	_ =	swait.ge [sflag:s26], $0x2000  }
0x72: {  	[sflag:s26] =	ssyncset.done $0x0  }
0x73: {  	s2 =	sadd.s32 $0x100, s0;
	[sflag:s26] =	ssyncadd.s32 $0xFFFFE000  }
0x74: {  	[tilespmem:s24], [sflag:$0x1] =	stream.indirect.gather [spmem:s1], $0x40, s2, s29, $0xb8;
	[tilespmem:$0x1CF00] =	vst v63  }
0x75: {  	_ =	swait.ge [sflag:s31], $0x2000  }
0x76: {  	[sflag:s31] =	ssyncset.done $0x0  }
.Ltmp1:
0x77: {  	s2 =	sadd.s32 $0x2800, s0;
	[sflag:s31] =	ssyncadd.s32 $0xFFFFE000;
	(pc) =	sbr.rel @p1 .LBB2_4-.Ltmp1, $4  }
0x78: {  	[spmem:s3] =	stream.indirect.scatter.add.f32 [tilespmem:s30], [sflag:$0x5], $0x40, s2, s29, $0xb8;
	[tilespmem:$0x1CF00] =	vst v63  }
0x79: {  	_ =	swait.ge [sflag:s26], $0x2000  }
0x7a: {  	[sflag:s26] =	ssyncset.done $0x0  }
0x7b: {  	s2 =	sadd.s32 $0x180, s0;
	[sflag:s26] =	ssyncadd.s32 $0xFFFFE000  }
0x7c: {  	[tilespmem:s30], [sflag:$0x2] =	stream.indirect.gather [spmem:s1], $0x40, s2, s29, $0xb8;
	[tilespmem:$0x1CF00] =	vst v63  }
0x7d: {  	_ =	swait.ge [sflag:s21], $0x2000  }
0x7e: {  	[sflag:s21] =	ssyncset.done $0x0  }
0x7f: {  	s0 =	simm.s32 $0x4D80;
	[sflag:s21] =	ssyncadd.s32 $0xFFFFE000  }
0x80: {  	[spmem:s3] =	stream.indirect.scatter.add.f32 [tilespmem:s24], [sflag:$0x5], $0x40, s0, s29, $0xb8;
	[tilespmem:$0x1CF00] =	vst v63  }
0x81: {  	_ =	swait.ge [sflag:s26], $0x2000  }
0x82: {  	[sflag:s26] =	ssyncset.done $0x0  }
0x83: {  	[sflag:s26] =	ssyncadd.s32 $0xFFFFE000  }
0x84: {  	_ =	swait.ge [sflag:s31], $0x2000  }
0x85: {  	[sflag:s31] =	ssyncset.done $0x0  }
0x86: {  	s22 =	simm.s32 $0x4E00;
	[sflag:s31] =	ssyncadd.s32 $0xFFFFE000  }
0x87: {  	[spmem:s3] =	stream.indirect.scatter.add.f32 [tilespmem:s30], [sflag:$0x5], $0x40, s22, s29, $0xb8;
	[tilespmem:$0x1CF00] =	vst v63  }
0x88: {  	_ =	swait.ge [sflag:s26], $0x2000  }
0x89: {  	s19 =	sadd.s32 $0x1, s19;
	[sflag:s26] =	ssyncset.done $0x0  }
0x8a: {  	p1 =	sne.s32 s19, s14;
	[sflag:s26] =	ssyncadd.s32 $0xFFFFE000  }
.Ltmp2:
0x8b: {  	s23 =	sor.u32 $0x1C05, s7;
	[bflag:$0x0] =	sbarrier.arrive $0xFFFF;
	(pc) =	sbr.rel @p1 .LBB2_1-.Ltmp2, $4  }
0x8c: {  	[hbm:s13], [sflag:s23] =	dma.local [spmem:s25], $0x1400  }
0x8d: {  	_ =	swait.ge [sflag:s26], $0x1400  }
0x8e: {  	[sflag:s26] =	ssyncset.done $0x0  }
0x8f: {  	[sflag:s26] =	ssyncadd.s32 $0xFFFFEC00  }
0x90: {  	_ =	sfence.sel $0x180000  }
0x91: {  	[bflag:$0x0] =	sbarrier.arrive $0xFFFF  }
0x92: {  	_ =	strace $0x90000050  }
0x93: {  	s0 =	stileid.u32;
	[bflag:$0x2] =	sbarrier.arrive $0xFFFF  }
0x94: {  	p0 =	sne.s32 s0, $0x0;
	s0 =	rddreg [dreg:$0x4]  }
0x95: {  	s0 =	sadd.s32 @!p0 $0x100000, s0  }
0x96: {  	[sflag:s0] =	ssyncadd.tile.s32 @!p0 $0x1;
	_ =	shalt  }
.Lfunc_end2:
_tile_overlayer_lowered:
.L_overlay_start_2:
0x97: {  	(tag) =	ssettag $0x2  }
0x98: {  	s0 =	rddreg [dreg:$0x0];
	s2 =	stileid.u32  }
0x99: {  	s1 =	rddreg [dreg:$0x1];
	p0 =	sne.s32 s2, $0x0  }
0x9a: {  	s3 =	rddreg [dreg:$0x2];
	[bflag:$0x3] =	sbarrier.arrive $0xFFFF;
	s2 =	simm.s32 @!p0 $0x1C05  }
0x9b: {  	[timem:s3], [sflag:s2] =	dma.local @!p0 [hbm:s0], s1  }
0x9c: {  	s0 =	simm.s32 @!p0 $0x5  }
0x9d: {  	_ =	swait.ge @!p0 [sflag:s0], s1  }
0x9e: {  	s1 =	ssub.s32 @!p0 $0x0, s1;
	[sflag:s0] =	ssyncset.done @!p0 $0x0  }
0x9f: {  	[sflag:s0] =	ssyncadd.s32 @!p0 s1  }
0xa0: {  	[bflag:$0x3] =	sbarrier.arrive $0xFFFF  }
0xa1: {  	_ =	shalt  }

// kernel: kernel.9.cloned.1.call-start
scs
__scs_entry_jumppad:
0x0: {  	(pc) =	sbr.rel $0x88, $3  }
0x1: {  	(tag) =	ssettag $0x0;
	lr =	simm.s32 $0x1  }
0x2: {  	[smem:$0x3F9B] =	sst lr;
	_ =	strace $0xD0000000  }
0x3: {  	_ = 	snop  }
0x4: {  	_ = 	snop  }
0x5: {  	_ = 	snop  }
0x6: {  	_ = 	snop  }
0x7: {  	_ = 	snop  }
__scs_overlays_trampoline_lowered:
0x8: {  	[smem:$0x3FAA] =	sst s0  }
0x9: {  	[smem:$0x3FAB] =	sst s1  }
0xa: {  	[smem:$0x3FAC] =	sst s2  }
0xb: {  	[smem:$0x3FAD] =	sst s3  }
0xc: {  	[smem:$0x3FAE] =	sst s4  }
0xd: {  	[smem:$0x3FAF] =	sst s5  }
0xe: {  	[smem:$0x3FB0] =	sst s6  }
0xf: {  	[smem:$0x3FB1] =	sst s7  }
0x10: {  	[smem:$0x3FB2] =	sst s8  }
0x11: {  	[smem:$0x3FB3] =	sst s9;
	s0 =	simm.s32 @!p0 $0x0  }
0x12: {  	s1 =	sld [smem:$0x3F99];
	s0 =	simm.s32 @p0 $0x1  }
0x13: {  	[smem:$0x3FB4] =	sst s0;
	s0 =	simm.s32 @!p1 $0x0  }
0x14: {  	s2 =	sld [smem:$0x3F98];
	s0 =	simm.s32 @p1 $0x1  }
0x15: {  	[smem:$0x3FB5] =	sst s0;
	s0 =	simm.s32 @!p2 $0x0  }
0x16: {  	s3 =	sld [smem:$0x3FDB];
	s0 =	simm.s32 @p2 $0x1  }
0x17: {  	s4 =	simm.s32 $0x1BF5;
	[smem:$0x3FB7] =	sst s0  }
0x18: {  	s0 =	sld [smem:$0x3F9A];
	_ =	swait.ge [sflag:s4], $0x0  }
0x19: {  	s7 =	sld [smem:$0x3F9B]  }
0x1a: {  	s8 =	sadd.s32 $0xFFFFE003, lr  }
0x1b: {  	s9 =	sadd.s32 $0xFFFFFEF7, lr;
	s5 =	simm.s32 $0xFFFFFFFF;
	p2 =	slt.u32 s8, $0xFFFFF086  }
0x1c: {  	p1 =	slt.u32 s9, $0xF7A;
	s5 =	simm.s32 @!p2 $0x0  }
0x1d: {  	s5 =	simm.s32 @p1 $0x1;
	p0 =	seq.s32 s7, s2  }
0x1e: {  	s7 =	smul.u32 @!p0 $0xF7A, s2;
	p2 =	seq.s32 @!p0 s5, $0x0  }
0x1f: {  	s9 =	smul.u32 $0xF7A, s1;
	s8 =	simm.s32 @!p0 $0x1BF5;
	p2 =	por !p2, p0  }
0x20: {  	[sflag:s8] =	ssyncset.s32 @!p0 $0xFFFFF086;
	s6 =	sadd.s32 @!p0 s3, s7;
	s7 =	simm.s32 @!p0 $0x108  }
0x21: {  	s3 =	sadd.s32 s3, s9;
	s6 =	sadd.s32 @!p0 $0x88, s6;
	s7 =	simm.s32 @p2 $0x1082  }
0x22: {  	[simem:s7], [sflag:s8] =	dma.local @!p0 [hbm:s6], $0xF7A  }
0x23: {  	s9 =	sor.u32 $0xD0000000, s2;
	s6 =	simm.s32 $0x108;
	_ =	swait.ge @!p0 [sflag:s8], $0x0  }
0x24: {  	s3 =	sadd.s32 $0x88, s3;
	s6 =	simm.s32 @!p1 $0x1082;
	[sflag:s4] =	ssyncset.s32 $0xFFFFF086  }
0x25: {  	[simem:s6], [sflag:s4] =	dma.local [hbm:s3], $0xF7A  }
0x26: {  	[smem:$0x3F9B] =	sst s1;
	(tag) =	ssettag s2;
	_ =	strace s9  }
0x27: {  	s1 =	sld [smem:$0x3FAB]  }
0x28: {  	s2 =	sld [smem:$0x3FAC]  }
0x29: {  	s4 =	sld [smem:$0x3FAE]  }
0x2a: {  	p0 =	seq.s32 s5, $0x0;
	s5 =	sld [smem:$0x3FAF]  }
0x2b: {  	s6 =	sld [smem:$0x3FB0]  }
0x2c: {  	s7 =	sld [smem:$0x3FB1]  }
0x2d: {  	s3 =	simm.s32 $0x108;
	s8 =	sld [smem:$0x3FB2]  }
0x2e: {  	s3 =	simm.s32 @!p0 $0x1082;
	s9 =	sld [smem:$0x3FB3]  }
0x2f: {  	lr =	sadd.s32 s0, s3;
	s0 =	sld [smem:$0x3FAA]  }
0x30: {  	s3 =	sld [smem:$0x3FAD]  }
0x31: {  	[smem:$0x3FB6] =	sst s10  }
0x32: {  	s10 =	sld [smem:$0x3FB4];
	_ =	sdelay $0x3  }
0x33: {  	p0 =	seq.s32 s10, $0x1;
	s10 =	sld [smem:$0x3FB6];
	_ =	sdelay $0x3  }
0x34: {  	[smem:$0x3FB6] =	sst s10  }
0x35: {  	s10 =	sld [smem:$0x3FB5];
	_ =	sdelay $0x3  }
0x36: {  	p1 =	seq.s32 s10, $0x1;
	s10 =	sld [smem:$0x3FB6];
	_ =	sdelay $0x3  }
0x37: {  	[smem:$0x3FB6] =	sst s10  }
0x38: {  	s10 =	sld [smem:$0x3FB7]  }
0x39: {  	_ = 	snop;
	(pc) =	sbr.ind lr, $3  }
0x3a: {  	_ = 	snop  }
0x3b: {  	_ = 	snop  }
0x3c: {  	p2 =	seq.s32 s10, $0x1;
	s10 =	sld [smem:$0x3FB6]  }
0x3d: {  	_ =	shalt  }
0x3e: {  	_ =	shalt  }
0x3f: {  	_ =	shalt  }
0x40: {  	_ =	shalt  }
0x41: {  	_ =	shalt  }
0x42: {  	_ =	shalt  }
0x43: {  	_ =	shalt  }
0x44: {  	_ =	shalt  }
0x45: {  	_ =	shalt  }
0x46: {  	_ =	shalt  }
0x47: {  	_ =	shalt  }
0x48: {  	_ =	shalt  }
0x49: {  	_ =	shalt  }
0x4a: {  	_ =	shalt  }
0x4b: {  	_ =	shalt  }
0x4c: {  	_ =	shalt  }
0x4d: {  	_ =	shalt  }
0x4e: {  	_ =	shalt  }
0x4f: {  	_ =	shalt  }
0x50: {  	_ =	shalt  }
0x51: {  	_ =	shalt  }
0x52: {  	_ =	shalt  }
0x53: {  	_ =	shalt  }
0x54: {  	_ =	shalt  }
0x55: {  	_ =	shalt  }
0x56: {  	_ =	shalt  }
0x57: {  	_ =	shalt  }
0x58: {  	_ =	shalt  }
0x59: {  	_ =	shalt  }
0x5a: {  	_ =	shalt  }
0x5b: {  	_ =	shalt  }
0x5c: {  	_ =	shalt  }
0x5d: {  	_ =	shalt  }
0x5e: {  	_ =	shalt  }
0x5f: {  	_ =	shalt  }
0x60: {  	_ =	shalt  }
0x61: {  	_ =	shalt  }
0x62: {  	_ =	shalt  }
0x63: {  	_ =	shalt  }
0x64: {  	_ =	shalt  }
0x65: {  	_ =	shalt  }
0x66: {  	_ =	shalt  }
0x67: {  	_ =	shalt  }
0x68: {  	_ =	shalt  }
0x69: {  	_ =	shalt  }
0x6a: {  	_ =	shalt  }
0x6b: {  	_ =	shalt  }
0x6c: {  	_ =	shalt  }
0x6d: {  	_ =	shalt  }
0x6e: {  	_ =	shalt  }
0x6f: {  	_ =	shalt  }
0x70: {  	_ =	shalt  }
0x71: {  	_ =	shalt  }
0x72: {  	_ =	shalt  }
0x73: {  	_ =	shalt  }
0x74: {  	_ =	shalt  }
0x75: {  	_ =	shalt  }
0x76: {  	_ =	shalt  }
0x77: {  	_ =	shalt  }
0x78: {  	_ =	shalt  }
0x79: {  	_ =	shalt  }
0x7a: {  	_ =	shalt  }
0x7b: {  	_ =	shalt  }
0x7c: {  	_ =	shalt  }
0x7d: {  	_ =	shalt  }
0x7e: {  	_ =	shalt  }
0x7f: {  	_ =	shalt  }
0x80: {  	_ =	shalt  }
0x81: {  	_ =	shalt  }
0x82: {  	_ =	shalt  }
0x83: {  	_ =	shalt  }
0x84: {  	_ =	shalt  }
0x85: {  	_ =	shalt  }
0x86: {  	_ =	shalt  }
0x87: {  	_ =	shalt  }
.Lfunc_end0:
.L_simem_size_0:
called_computation_lowered:
.L_overlay_start_0:
0x88: {  	s2 =	sld [smem:$0x3FD9]  }
0x89: {  	s3 =	sld [smem:$0x3FFE];
	_ =	sdelay $0x1  }
0x8a: {  	s1 =	srdreg.scid  }
0x8b: {  	s0 =	sand.u32 $0x1, s1  }
0x8c: {  	s17 =	sshll.u32 s0, $0xA;
	s2 =	sadd.s32 s3, s2  }
0x8d: {  	s2 =	sadd.s32 s2, s17  }
0x8e: {  	[smem:$0x3FC2] =	sst s2  }
0x8f: {  	_ = 	snop  }
0x90: {  	s2 =	sld [smem:$0x3FD0];
	(tm) =	ssettm $0x1  }
0x91: {  	s18 =	sld [smem:$0x3FFB];
	_ =	sdelay $0x3  }
0x92: {  	_ =	strace s18  }
0x93: {  	s3 =	sld [smem:$0x3FFC];
	_ =	sdelay $0x3  }
0x94: {  	_ =	strace s3  }
0x95: {  	s3 =	sld [smem:$0x3FFD];
	_ =	sdelay $0x3  }
0x96: {  	_ =	strace s3  }
0x97: {  	_ =	strace $0x8FFFFFFF  }
0x98: {  	s19 =	sld [smem:$0x3FDB];
	_ =	sdelay $0x1  }
0x99: {  	s4 =	simm.s32 $_scs_section_size  }
0x9a: {  	s5 =	simm.s32 $_size__tile_overlayer_lowered;
	s6 =	simm.s32 $_tile_overlayer_lowered  }
0x9b: {  	s22 =	simm.s32 $0x1BFF;
	s21 =	sshll.u32 s6, $0x1;
	s3 =	sadd.s32 s4, s19  }
0x9c: {  	s7 =	simm.s32 $0x0;
	s20 =	sshll.u32 s5, $0x1;
	s5 =	sadd.s32 s21, s3  }
0x9d: {  	[timem:s7], [sflag:s22] =	dma.local [hbm:s5], s20  }
0x9e: {  	_ =	swait.ge [sflag:s22], s20  }
0x9f: {  	s4 =	ssub.s32 $0x0, s20;
	[sflag:s22] =	ssyncset.done $0x0  }
0xa0: {  	[sflag:s22] =	ssyncadd.s32 s4;
	_ =	sdelay $0x1  }
0xa1: {  	s23 =	simm.s32 $0x1B8B  }
0xa2: {  	_ =	swait.ge [sflag:s23], $0x1  }
0xa3: {  	[sflag:s23] =	ssyncset.done $0x0  }
0xa4: {  	s25 =	simm.s32 $0x1B8E;
	s24 =	sld [smem:$0x3FFE];
	[sflag:s23] =	ssyncadd.s32 $0xFFFFFFFF  }
0xa5: {  	s26 =	simm.s32 $execute0_lowered;
	[smem:$0x3FD2] =	sst s25  }
0xa6: {  	s5 =	sshll.u32 s26, $0x1;
	_ =	strace $0x80000046;
	[dreg:$0x1] =	wrdreg $0xFFFFFFFF  }
0xa7: {  	s28 =	simm.s32 $_size_execute0_lowered;
	s3 =	sadd.s32 s3, s5;
	[dreg:$0x0] =	wrdreg $0x0  }
0xa8: {  	s5 =	sshll.u32 s28, $0x1;
	[dreg:$0x2] =	wrdreg s3  }
0xa9: {  	[dreg:$0x3] =	wrdreg s5  }
0xaa: {  	[dreg:$0x4] =	wrdreg $0xC0  }
0xab: {  	_ =	task [dreg:s7], $0x5FFFF  }
0xac: {  	[dreg:$0x1] =	wrdreg $0xFFFFFFFF  }
0xad: {  	[dreg:$0x0] =	wrdreg $0x60  }
0xae: {  	[dreg:$0x2] =	wrdreg s2  }
0xaf: {  	[dreg:$0x3] =	wrdreg s24  }
0xb0: {  	[dreg:$0x4] =	wrdreg $0x37800  }
0xb1: {  	[dreg:$0x5] =	wrdreg $0x9  }
0xb2: {  	_ =	task.clear_ibuf [dreg:s7], $0x6FFFF;
	_ =	strace $0x90000046  }
0xb3: {  	s29 =	simm.s32 $0x9;
	_ =	strace $0x80000048  }
0xb4: {  	_ =	swait.ge [sflag:s29], $0x1  }
0xb5: {  	[sflag:s29] =	ssyncadd.s32 $0xFFFFFFFF  }
0xb6: {  	_ =	strace $0x90000048  }
0xb7: {  	_ =	sfence  }
0xb8: {  	s30 =	sld [smem:$0x0];
	_ =	sdelay $0x2  }
0xb9: {  	s31 =	sshll.u32 s1, $0xD;
	s1 =	sshrl.u32 s1, $0x2  }
0xba: {  	s3 =	sand.u32 $0x4000, s31;
	s1 =	sadd.s32 s1, s30  }
0xbb: {  	s0 =	sor.u32 s3, s0;
	s1 =	sshll.u32 s1, $0x11  }
0xbc: {  	s0 =	sor.u32 s1, s0  }
0xbd: {  	s0 =	sadd.s32 $0x8F2B, s0  }
0xbe: {  	[sflag:s0] =	ssyncadd.remote.s32 $0x1  }
0xbf: {  	_ =	sfence.sel $0xFFFF  }
0xc0: {  	[dreg:$0x0] =	wrdreg $0xFFFFFFFF;
	(pc) =	sbr.abs _section_cstart, $3  }
0xc1: {  	[dreg:$0x1] =	wrdreg $0xFFFFFFFF  }
0xc2: {  	_ =	task.clear_ibuf [dreg:s7], $0x2FFFF;
	_ =	strace $0x9FFFFFFF  }
0xc3: {  	(tm) =	ssettm $0x7FFFFFFF  }
tec
execute0_lowered:
.L_overlay_start_1:
0x0: {  	(tag) =	ssettag $0x1  }
0x1: {  	s5 =	rddreg [dreg:$0x0]  }
0x2: {  	s4 =	rddreg [dreg:$0x1]  }
0x3: {  	s0 =	srdreg.scid;
	s2 =	rddreg [dreg:$0x2]  }
0x4: {  	s1 =	stileid.u32;
	s3 =	simm.s32 $0x0;
	s13 =	simm.s32 $0x2F80  }
0x5: {  	s14 =	simm.s32 $0x1;
	s15 =	simm.s32 $0x80;
	s16 =	simm.s32 $0x2780  }
0x6: {  	s19 =	simm.s32 $0x0;
	s6 =	sand.u32 $0x1, s0;
	s0 =	rddreg [dreg:$0x3]  }
0x7: {  	s8 =	sshll.u32 s1, $0x1;
	s9 =	smul.u32 $0x2800, s1;
	[smem:$0x7FF] =	sst s3  }
0x8: {  	p0 =	slt.u32 s1, $0x2;
	s28 =	smul.u32 $0xA000, s1;
	s17 =	sshll.u32 s1, $0x6  }
0x9: {  	s7 =	smul.u32 $0x28000, s6;
	s8 =	sor.u32 s6, s8;
	_ =	strace $0x80000047  }
0xa: {  	s29 =	ssub.s32 $0x2, s6;
	s17 =	sor.u32 $0x1C01, s17;
	s10 =	smul.u32 $0x4E, s8  }
0xb: {  	s8 =	smul.u32 $0x4F, s8;
	s31 =	sshrl.u32 s29, $0x1;
	s7 =	sadd.s32 s9, s7  }
0xc: {  	s18 =	sadd.s32 s9, s2;
	s10 =	sadd.s32 $0x4, s10;
	s7 =	sshrl.u32 s7, $0x3  }
0xd: {  	s18 =	sshrl.u32 s18, $0x3;
	s10 =	smov.u32 @p0 s8;
	s7 =	sadd.s32 s7, s4  }
0xe: {  	s8 =	sshrl.u32 s28, $0x2;
	p0 =	sgt.u32 s1, $0x1;
	s30 =	sshll.u32 s10, $0x4  }
0xf: {  	s10 =	ssub.s32 s29, s31;
	s4 =	sadd.s32 s8, s2;
	s7 =	sadd.s32 $0x2A00, s7  }
0x10: {  	s6 =	sand.u32 $0x1FFFFFF0, s30;
	s8 =	smax.u32 s10, $0x1;
	s9 =	sadd.s32 $0x800, s4  }
0x11: {  	s10 =	sadd.s32 $0x1000, s4;
	s11 =	sadd.s32 $0x1800, s4;
	s6 =	sadd.s32 s5, s6  }
0x12: {  	v0 =	vimm.f32 $1.000000000e+00;
	v1 =	vimm.f32 $0.0e+00;
	s12 =	sadd.s32 $0x2000, s4;
	s5 =	sadd.s32 $0x9C40, s6;
	s6 =	sadd.s32 $0xA120, s6  }
.LBB2_1:
0x13: {  	s20 =	simm.s32 $0x40;
	s21 =	simm.s32 $0x0  }
.LBB2_2:
0x14: {  	p1 =	sne.s32 s20, $0x1FC0;
	[tilespmem:s21+$0x2780] =	vst v0;
	s22 =	smov.u32 s20;
	s20 =	sadd.s32 $0x40, s20  }
.Ltmp0:
0x15: {  	[tilespmem:s21+$0x2F80] =	vst v1;
	(pc) =	sbr.rel @p1 .LBB2_2-.Ltmp0, $2  }
0x16: {  	_ =	sdelay $0x2  }
0x17: {  	s21 =	sshra.s32 s22, $0x2  }
0x18: {  	[tilespmem:s21+$0x2780] =	vst v0  }
0x19: {  	[tilespmem:s21+$0x2F80] =	vst v1  }
0x1a: {  	[spmem:s4] =	stream.linear.scatter [tilespmem:s13], [sflag:$0x1], $0x800, $0x38;
	[tilespmem:$0x5F80] =	vst v63  }
0x1b: {  	_ =	swait.ge [sflag:s14], $0x800  }
0x1c: {  	[sflag:s14] =	ssyncset.done $0x0  }
0x1d: {  	[sflag:s14] =	ssyncadd.s32 $0xFFFFF800  }
0x1e: {  	[spmem:s9] =	stream.linear.scatter [tilespmem:s13], [sflag:$0x1], $0x800, $0x38;
	[tilespmem:$0x5F80] =	vst v63  }
0x1f: {  	_ =	swait.ge [sflag:s14], $0x800  }
0x20: {  	[sflag:s14] =	ssyncset.done $0x0  }
0x21: {  	[sflag:s14] =	ssyncadd.s32 $0xFFFFF800  }
0x22: {  	[spmem:s10] =	stream.linear.scatter [tilespmem:s13], [sflag:$0x1], $0x800, $0x38;
	[tilespmem:$0x5F80] =	vst v63  }
0x23: {  	_ =	swait.ge [sflag:s14], $0x800  }
0x24: {  	[sflag:s14] =	ssyncset.done $0x0  }
0x25: {  	[sflag:s14] =	ssyncadd.s32 $0xFFFFF800  }
0x26: {  	[spmem:s11] =	stream.linear.scatter [tilespmem:s13], [sflag:$0x1], $0x800, $0x38;
	[tilespmem:$0x5F80] =	vst v63  }
0x27: {  	_ =	swait.ge [sflag:s14], $0x800  }
0x28: {  	[sflag:s14] =	ssyncset.done $0x0  }
0x29: {  	[sflag:s14] =	ssyncadd.s32 $0xFFFFF800  }
0x2a: {  	[spmem:s12] =	stream.linear.scatter [tilespmem:s13], [sflag:$0x1], $0x800, $0x38;
	[tilespmem:$0x5F80] =	vst v63  }
0x2b: {  	_ =	swait.ge [sflag:s14], $0x800  }
0x2c: {  	[sflag:s14] =	ssyncset.done $0x0  }
0x2d: {  	[sflag:s14] =	ssyncadd.s32 $0xFFFFF800  }
0x2e: {  	[bflag:$0x0] =	sbarrier.arrive $0xFFFF  }
0x2f: {  	[tilespmem:s3], [sflag:$0x1] =	stream.linear.gather [hbm4b:s5+s3], $0x2700, $0x38;
	[tilespmem:$0x5F80] =	vst v63  }
0x30: {  	_ =	swait.ge [sflag:s14], $0x2700  }
0x31: {  	[sflag:s14] =	ssyncset.done $0x0  }
0x32: {  	s20 =	simm.s32 @!p0 $0x0;
	s21 =	simm.s32 @!p0 $0x2700;
	[sflag:s14] =	ssyncadd.s32 $0xFFFFD900  }
0x33: {  	[tilespmem:s21], [sflag:$0x1] =	stream.linear.gather @!p0 [hbm4b:s6+s20], $0x80, $0x38;
	[tilespmem:$0x5F80] =	vst v63  }
0x34: {  	s20 =	simm.s32 @!p0 $0x1  }
0x35: {  	_ =	swait.ge @!p0 [sflag:s20], $0x80  }
0x36: {  	[sflag:s20] =	ssyncset.done @!p0 $0x0  }
0x37: {  	s22 =	simm.s32 @!p0 $0x80;
	s23 =	simm.s32 @!p0 $0x2780;
	[sflag:s20] =	ssyncadd.s32 @!p0 $0xFFFFFF80  }
0x38: {  	[spmem:s2] =	stream.indirect.scatter.add.f32 @!p0 [tilespmem:s23], [sflag:$0x1], $0x10, s21, s22, $0xb8;
	[tilespmem:$0x5F80] =	vst v63  }
0x39: {  	_ =	swait.ge @!p0 [sflag:s20], $0x800  }
0x3a: {  	[sflag:s20] =	ssyncset.done @!p0 $0x0  }
0x3b: {  	s31 =	simm.s32 $0x0;
	[sflag:s20] =	ssyncadd.s32 @!p0 $0xFFFFF800  }
0x3c: {  	[spmem:s2] =	stream.indirect.scatter.add.f32 [tilespmem:s16], [sflag:$0x1], $0x10, s31, s15, $0xb8;
	[tilespmem:$0x5F80] =	vst v63  }
0x3d: {  	_ =	swait.ge [sflag:s14], $0x800  }
0x3e: {  	s20 =	simm.s32 $0x200;
	[sflag:s14] =	ssyncset.done $0x0  }
.LBB2_4:
0x3f: {  	s21 =	sshra.s32 s20, $0x2;
	[sflag:s14] =	ssyncadd.s32 $0xFFFFF800;
	p1 =	sne.s32 s20, $0x9A00  }
0x40: {  	[spmem:s2] =	stream.indirect.scatter.add.f32 [tilespmem:s16], [sflag:$0x1], $0x10, s21, s15, $0xb8;
	[tilespmem:$0x5F80] =	vst v63  }
.Ltmp1:
0x41: {  	_ = 	snop;
	(pc) =	sbr.rel @p1 .LBB2_4-.Ltmp1, $4  }
0x42: {  	_ = 	snop  }
0x43: {  	s20 =	sadd.s32 $0x200, s20  }
0x44: {  	_ =	swait.ge [sflag:s14], $0x800  }
0x45: {  	[sflag:s14] =	ssyncset.done $0x0  }
0x46: {  	s19 =	sadd.s32 $0x1, s19  }
0x47: {  	[sflag:s14] =	ssyncadd.s32 $0xFFFFF800;
	p1 =	sne.s32 s19, s8  }
.Ltmp2:
0x48: {  	[bflag:$0x0] =	sbarrier.arrive $0xFFFF;
	(pc) =	sbr.rel @p1 .LBB2_1-.Ltmp2, $4  }
0x49: {  	[hbm:s7], [sflag:s17] =	dma.local [spmem:s18], $0x500  }
0x4a: {  	_ =	swait.ge [sflag:s14], $0x500  }
0x4b: {  	[sflag:s14] =	ssyncset.done $0x0  }
0x4c: {  	[sflag:s14] =	ssyncadd.s32 $0xFFFFFB00  }
0x4d: {  	_ =	sfence.sel $0x180000  }
0x4e: {  	[bflag:$0x0] =	sbarrier.arrive $0xFFFF  }
0x4f: {  	p0 =	sne.s32 s1, $0x0;
	_ =	strace $0x90000047  }
0x50: {  	s0 =	sadd.s32 @!p0 $0x100000, s0;
	[bflag:$0x2] =	sbarrier.arrive $0xFFFF  }
0x51: {  	[sflag:s0] =	ssyncadd.tile.s32 @!p0 $0x1;
	_ =	shalt  }
.Lfunc_end2:
_tile_overlayer_lowered:
.L_overlay_start_2:
0x52: {  	(tag) =	ssettag $0x2  }
0x53: {  	s0 =	rddreg [dreg:$0x0];
	s2 =	stileid.u32  }
0x54: {  	s1 =	rddreg [dreg:$0x1];
	p0 =	sne.s32 s2, $0x0  }
0x55: {  	s3 =	rddreg [dreg:$0x2];
	[bflag:$0x3] =	sbarrier.arrive $0xFFFF;
	s2 =	simm.s32 @!p0 $0x1C01  }
0x56: {  	[timem:s3], [sflag:s2] =	dma.local @!p0 [hbm:s0], s1  }
0x57: {  	s0 =	simm.s32 @!p0 $0x1  }
0x58: {  	_ =	swait.ge @!p0 [sflag:s0], s1  }
0x59: {  	s1 =	ssub.s32 @!p0 $0x0, s1;
	[sflag:s0] =	ssyncset.done @!p0 $0x0  }
0x5a: {  	[sflag:s0] =	ssyncadd.s32 @!p0 s1  }
0x5b: {  	[bflag:$0x3] =	sbarrier.arrive $0xFFFF  }
0x5c: {  	_ =	shalt  }

</sc_bundles>
